<compile_context>
chip_gen: v7x
topology: tpu7x:2x2x1
jax: 0.10.2.dev20260603
libtpu: 0.0.44.dev20260713+nightly
codegen_flags: <defaults>
</compile_context>

<pallas_src>
import functools

import jax
import jax.numpy as jnp
from jax import lax
from jax.experimental import pallas as pl
from jax.experimental.pallas import tpu as pltpu
from jax.experimental.pallas import tpu_sc as plsc

K, R, KAPPA, NX, NF, DOUT = 4, 16384, 32, 3, 13, 16
NIN = NX + NF
NPTS = K * R
NIDX = NPTS * KAPPA

NC, NS = 2, 16
NW = NC * NS
PTS_PER_W = NPTS // NW

IDX_PER_DMA = 128
PTS_PER_DMA = IDX_PER_DMA // KAPPA
DMAS_PER_BUF = 16
PTS_PER_BUF = DMAS_PER_BUF * PTS_PER_DMA
BUFS_PER_W = PTS_PER_W // PTS_PER_BUF
IDX_ROWS_TOTAL = NIDX // IDX_PER_DMA
IDX_ROWS_PER_W = PTS_PER_W * KAPPA // IDX_PER_DMA

PPR = 128 // NIN
NROWS8 = NPTS // PPR
ROWS_BLK = 2048


def _mlp_body(p_ref, h_ref, z_ref):
    z_ref[...] = jnp.maximum(
        jnp.dot(p_ref[...], h_ref[...], preferred_element_type=jnp.float32), 0.0)


def _dense_body(p_ref, g_ref, b_ref, y_ref):
    y_ref[...] = (
        jnp.dot(p_ref[...], g_ref[...], preferred_element_type=jnp.float32)
        + b_ref[...])


_sc_mesh = plsc.VectorSubcoreMesh(core_axis_name="c", subcore_axis_name="s")

HALF_BUFS = BUFS_PER_W // 2


@functools.partial(
    pl.kernel,
    out_type=jax.ShapeDtypeStruct((NPTS, DOUT), jnp.float32),
    mesh=_sc_mesh,
    compiler_params=pltpu.CompilerParams(use_tc_tiling_on_sc=False),
    scratch_types=[
        pltpu.VMEM((2, DMAS_PER_BUF, IDX_PER_DMA), jnp.int32),
        pltpu.VMEM((2, PTS_PER_BUF * KAPPA, DOUT), jnp.float32),
        pltpu.VMEM((2, PTS_PER_BUF, DOUT), jnp.float32),
        pltpu.SemaphoreType.DMA,
        pltpu.SemaphoreType.DMA,
    ],
)
def _gather_max(z_hbm, nidx_hbm, out_hbm, idx_v, rows_v, out_v, sem0, sem1):
    wid = lax.axis_index("s") * NC + lax.axis_index("c")
    idx_row0 = wid * IDX_ROWS_PER_W
    pt0 = wid * PTS_PER_W
    kbase = (pt0 // R) * R
    z_batch = z_hbm.at[pl.ds(kbase, R)]
    sems = (sem0, sem1)

    def fire(parity, t):
        pltpu.sync_copy(
            nidx_hbm.at[pl.ds(idx_row0 + t * DMAS_PER_BUF, DMAS_PER_BUF)],
            idx_v.at[parity])
        for j in range(DMAS_PER_BUF):
            pltpu.async_copy(
                z_batch.at[idx_v.at[parity, j]],
                rows_v.at[parity, pl.ds(j * IDX_PER_DMA, IDX_PER_DMA)],
                sems[parity])

    def drain(parity):
        pltpu.make_async_copy(
            z_hbm.at[pl.ds(0, PTS_PER_BUF * KAPPA)],
            rows_v.at[parity], sems[parity]).wait()

    def compute(parity, t):
        def pt_body(p, c):
            base = p * KAPPA
            acc = rows_v[parity, base]
            for i in range(1, KAPPA):
                acc = jnp.maximum(acc, rows_v[parity, base + i])
            out_v[parity, p] = acc
            return c

        lax.fori_loop(0, PTS_PER_BUF, pt_body, 0, unroll=2)
        pltpu.sync_copy(
            out_v.at[parity],
            out_hbm.at[pl.ds(pt0 + t * PTS_PER_BUF, PTS_PER_BUF)])

    fire(0, 0)
    fire(1, 1)

    def buf_body(t2, carry):
        drain(0)
        compute(0, 2 * t2)

        @pl.when(t2 < HALF_BUFS - 1)
        def _():
            fire(0, 2 * t2 + 2)

        drain(1)
        compute(1, 2 * t2 + 1)

        @pl.when(t2 < HALF_BUFS - 1)
        def _():
            fire(1, 2 * t2 + 3)

        return carry

    lax.fori_loop(0, HALF_BUFS, buf_body, 0)


def kernel(X, F, N, H, Gamma, gamma_bias):
    pflat = jnp.concatenate([X, F], axis=2).reshape(NROWS8, PPR * NIN)
    nflat = N.reshape(IDX_ROWS_TOTAL, IDX_PER_DMA)
    eye8 = jnp.eye(PPR, dtype=jnp.float32)
    h_bd = jnp.kron(eye8, H.T)
    g_bd = jnp.kron(eye8, Gamma)
    b_t = jnp.tile(gamma_bias, PPR)[None, :]

    z = pl.pallas_call(
        _mlp_body,
        grid=(NROWS8 // ROWS_BLK,),
        in_specs=[
            pl.BlockSpec((ROWS_BLK, 128), lambda i: (i, 0)),
            pl.BlockSpec((128, 128), lambda i: (0, 0)),
        ],
        out_specs=pl.BlockSpec((ROWS_BLK, 128), lambda i: (i, 0)),
        out_shape=jax.ShapeDtypeStruct((NROWS8, 128), jnp.float32),
    )(pflat, h_bd)

    y0 = _gather_max(z.reshape(NPTS, DOUT), nflat)

    y = pl.pallas_call(
        _dense_body,
        grid=(NROWS8 // ROWS_BLK,),
        in_specs=[
            pl.BlockSpec((ROWS_BLK, 128), lambda i: (i, 0)),
            pl.BlockSpec((128, 128), lambda i: (0, 0)),
            pl.BlockSpec((1, 128), lambda i: (0, 0)),
        ],
        out_specs=pl.BlockSpec((ROWS_BLK, 128), lambda i: (i, 0)),
        out_shape=jax.ShapeDtypeStruct((NROWS8, 128), jnp.float32),
    )(y0.reshape(NROWS8, PPR * DOUT), g_bd, b_t)

    return y.reshape(K, R, DOUT)

# --- scband reference (transcript-rebuilt; emitter-appended) ---
"""Pipeline reference for scband-grouping-point-net-layer-54640573940067 (READ-ONLY COPY).

The authoritative reference and input builder live on the scoring server;
editing this copy changes nothing except your own understanding.
"""

import jax, jax.numpy as jnp
import numpy as np

K, R, KAPPA, NX, NF, DOUT = 4, 16384, 32, 3, 13, 16


def setup_inputs(seed: int = 0) -> dict:
    key = jax.random.key(seed)
    ks = jax.random.split(key, 6)
    X = jax.random.normal(ks[0], (K, R, NX), dtype=jnp.float32)
    F = jax.random.normal(ks[1], (K, R, NF), dtype=jnp.float32)
    N = jax.random.randint(ks[2], (K, R, KAPPA), 0, R, dtype=jnp.int32)
    H = (jax.random.normal(ks[3], (DOUT, NX + NF), dtype=jnp.float32) * 0.1)
    Gamma = (jax.random.normal(ks[4], (DOUT, DOUT), dtype=jnp.float32) * 0.1)
    gamma_bias = (jax.random.normal(ks[5], (DOUT,), dtype=jnp.float32) * 0.1)
    return {"X": X, "F": F, "N": N, "H": H, "Gamma": Gamma, "gamma_bias": gamma_bias}


def reference(X, F, N, H, Gamma, gamma_bias):
    # P = [X | F] : (K, R, n) with n = NX + NF
    P = jnp.concatenate([X, F], axis=2)
    # Batched neighborhood gather (tf.gather with batch_dims=1):
    # grouped[k, r, i, :] = P[k, N[k, r, i], :]  -> (K, R, KAPPA, n)
    grouped = jax.vmap(lambda p, n: jnp.take(p, n, axis=0))(P, N)
    # SharedMLP / unitary 1D conv: grouped @ H^T, with H_activation = relu
    PH = jnp.einsum('krin,dn->krid', grouped, H)
    PH = jax.nn.relu(PH)
    # Component-wise MAX over the kappa neighbors -> (K, R, DOUT)
    Pmax = jnp.max(PH, axis=2)
    # MLP: P* @ Gamma (+) gamma_bias, gamma_activation = linear
    Y = jnp.einsum('krd,de->kre', Pmax, Gamma) + gamma_bias
    return Y

if __name__ == "__main__":
    import jax
    _d = setup_inputs()
    print(jax.jit(kernel)(*tuple(_d.values())))

</pallas_src>

<mosaic_0001>
#map = affine_map<(d0, d1) -> (0, 0)>
module attributes {stable_mosaic.version = 14 : i64} {
  func.func @_gather_max(%arg0: i32, %arg1: i32, %arg2: memref<65536x16xf32, #tpu.memory_space<hbm>>, %arg3: memref<16384x128xi32, #tpu.memory_space<hbm>>, %arg4: memref<65536x16xf32, #tpu.memory_space<hbm>>, %arg5: memref<2x16x128xi32, #tpu.memory_space<vmem>>, %arg6: memref<2x2048x16xf32, #tpu.memory_space<vmem>>, %arg7: memref<2x64x16xf32, #tpu.memory_space<vmem>>, %arg8: memref<!tpu.dma_semaphore, #tpu.memory_space<semaphore_mem>>, %arg9: memref<!tpu.dma_semaphore, #tpu.memory_space<semaphore_mem>>) attributes {dimension_semantics = [#tpu.dimension_semantics<core_parallel>, #tpu.dimension_semantics<subcore_parallel>], iteration_bounds = array<i64: 2, 16>, scalar_prefetch = 0 : i64, scratch_operands = 5 : i64, tpu.core_type = #tpu.core_type<sc_vector_subcore>, window_params = [{transform_indices = #map}, {transform_indices = #map}, {transform_indices = #map}]} {
    %mul3A = arith.constant 2 : i32
    %mul3A_0 = arith.muli %arg1, %mul3A : i32
    %add3A = arith.addi %mul3A_0, %arg0 : i32
    %mul3A_1 = arith.constant 512 : i32
    %mul3A_2 = arith.muli %add3A, %mul3A_1 : i32
    %mul3A_3 = arith.constant 2048 : i32
    %mul3A_4 = arith.muli %add3A, %mul3A_3 : i32
    %jit3A = arith.constant 16384 : i32
    %div3A = arith.divsi %mul3A_4, %jit3A : i32
    %sign3A = arith.constant 0 : i32
    %sign3A_5 = arith.cmpi sgt, %mul3A_4, %sign3A : i32
    %sign3A_6 = arith.extui %sign3A_5 : i1 to i32
    %sign3A_7 = arith.constant 0 : i32
    %sign3A_8 = arith.cmpi slt, %mul3A_4, %sign3A_7 : i32
    %sign3A_9 = arith.extui %sign3A_8 : i1 to i32
    %sign3A_10 = arith.subi %sign3A_6, %sign3A_9 : i32
    %sign3A_11 = arith.constant 0 : i32
    %sign3A_12 = arith.cmpi sgt, %jit3A, %sign3A_11 : i32
    %sign3A_13 = arith.extui %sign3A_12 : i1 to i32
    %sign3A_14 = arith.constant 0 : i32
    %sign3A_15 = arith.cmpi slt, %jit3A, %sign3A_14 : i32
    %sign3A_16 = arith.extui %sign3A_15 : i1 to i32
    %sign3A_17 = arith.subi %sign3A_13, %sign3A_16 : i32
    %ne3A = arith.cmpi ne, %sign3A_10, %sign3A_17 : i32
    %rem3A = arith.remsi %mul3A_4, %jit3A : i32
    %ne3A_18 = arith.constant 0 : i32
    %ne3A_19 = arith.cmpi ne, %rem3A, %ne3A_18 : i32
    %and3A = arith.andi %ne3A, %ne3A_19 : i1
    %sub3A = arith.constant 1 : i32
    %sub3A_20 = arith.subi %div3A, %sub3A : i32
    %select_n3A = arith.select %and3A, %sub3A_20, %div3A : i32
    %mul3A_21 = arith.constant 16384 : i32
    %mul3A_22 = arith.muli %select_n3A, %mul3A_21 : i32
    %add3A_23 = arith.constant 0 : i32
    %add3A_24 = arith.addi %mul3A_2, %add3A_23 : i32
    %run_scoped3A = arith.constant 0 : i32
    "tpu.region"() ({
      %run_scoped3A_512 = tpu.sem_alloc : memref<!tpu.dma_semaphore, #tpu.memory_space<semaphore_mem>>
      %dma_start3A_513 = arith.constant 0 : i32
      %dma_start3A_514 = arith.constant 0 : i32
      %dma_start3A_515 = tpu.memref_slice %arg5[%run_scoped3A, %dma_start3A_513, %dma_start3A_514] : memref<2x16x128xi32, #tpu.memory_space<vmem>> -> memref<1x16x128xi32, #tpu.memory_space<vmem>>
      %dma_start3A_516 = tpu.memref_squeeze %dma_start3A_515 : memref<1x16x128xi32, #tpu.memory_space<vmem>> -> memref<16x128xi32, #tpu.memory_space<vmem>>
      %dma_start3A_517 = arith.constant 0 : i32
      %dma_start3A_518 = tpu.memref_slice %arg3[%add3A_24, %dma_start3A_517] : memref<16384x128xi32, #tpu.memory_space<hbm>> -> memref<16x128xi32, #tpu.memory_space<hbm>>
      %dma_start3A_519 = arith.constant 0 : i32
      %dma_start3A_520 = arith.constant 0 : i32
      %dma_start3A_521 = tpu.memref_slice %arg5[%run_scoped3A, %dma_start3A_519, %dma_start3A_520] : memref<2x16x128xi32, #tpu.memory_space<vmem>> -> memref<1x16x128xi32, #tpu.memory_space<vmem>>
      %dma_start3A_522 = tpu.memref_squeeze %dma_start3A_521 : memref<1x16x128xi32, #tpu.memory_space<vmem>> -> memref<16x128xi32, #tpu.memory_space<vmem>>
      %dma_start3A_523 = arith.constant 0 : i32
      %dma_start3A_524 = tpu.memref_slice %arg3[%add3A_24, %dma_start3A_523] : memref<16384x128xi32, #tpu.memory_space<hbm>> -> memref<16x128xi32, #tpu.memory_space<hbm>>
      tpu.enqueue_dma source(%dma_start3A_524 : memref<16x128xi32, #tpu.memory_space<hbm>>) target(%dma_start3A_522 : memref<16x128xi32, #tpu.memory_space<vmem>>) target_semaphore(%run_scoped3A_512 : memref<!tpu.dma_semaphore, #tpu.memory_space<semaphore_mem>>)
      %dma_wait3A = arith.constant 0 : i32
      %dma_wait3A_525 = arith.constant 0 : i32
      %dma_wait3A_526 = tpu.memref_slice %arg5[%run_scoped3A, %dma_wait3A, %dma_wait3A_525] : memref<2x16x128xi32, #tpu.memory_space<vmem>> -> memref<1x16x128xi32, #tpu.memory_space<vmem>>
      %dma_wait3A_527 = tpu.memref_squeeze %dma_wait3A_526 : memref<1x16x128xi32, #tpu.memory_space<vmem>> -> memref<16x128xi32, #tpu.memory_space<vmem>>
      %dma_wait3A_528 = arith.constant 0 : i32
      %dma_wait3A_529 = tpu.memref_slice %arg3[%add3A_24, %dma_wait3A_528] : memref<16384x128xi32, #tpu.memory_space<hbm>> -> memref<16x128xi32, #tpu.memory_space<hbm>>
      %dma_wait3A_530 = arith.constant 0 : i32
      %dma_wait3A_531 = arith.constant 0 : i32
      %dma_wait3A_532 = tpu.memref_slice %arg5[%run_scoped3A, %dma_wait3A_530, %dma_wait3A_531] : memref<2x16x128xi32, #tpu.memory_space<vmem>> -> memref<1x16x128xi32, #tpu.memory_space<vmem>>
      %dma_wait3A_533 = tpu.memref_squeeze %dma_wait3A_532 : memref<1x16x128xi32, #tpu.memory_space<vmem>> -> memref<16x128xi32, #tpu.memory_space<vmem>>
      %dma_wait3A_534 = arith.constant 0 : i32
      %dma_wait3A_535 = tpu.memref_slice %arg3[%add3A_24, %dma_wait3A_534] : memref<16384x128xi32, #tpu.memory_space<hbm>> -> memref<16x128xi32, #tpu.memory_space<hbm>>
      tpu.wait_dma2 semaphore(%run_scoped3A_512 : memref<!tpu.dma_semaphore, #tpu.memory_space<semaphore_mem>>) src(%dma_wait3A_535 : memref<16x128xi32, #tpu.memory_space<hbm>>) dst(%dma_wait3A_533 : memref<16x128xi32, #tpu.memory_space<vmem>>)
      tpu.yield
    }) : () -> ()
    %dma_start3A = arith.constant 0 : i32
    %dma_start3A_25 = arith.constant 0 : i32
    %dma_start3A_26 = arith.constant 0 : i32
    %dma_start3A_27 = arith.constant 0 : i32
    %dma_start3A_28 = arith.constant 0 : i32
    %dma_start3A_29 = tpu.memref_slice %arg6[%dma_start3A_26, %dma_start3A_27, %dma_start3A_28] : memref<2x2048x16xf32, #tpu.memory_space<vmem>> -> memref<1x128x16xf32, #tpu.memory_space<vmem>>
    %dma_start3A_30 = tpu.memref_squeeze %dma_start3A_29 : memref<1x128x16xf32, #tpu.memory_space<vmem>> -> memref<128x16xf32, #tpu.memory_space<vmem>>
    %dma_start3A_31 = arith.constant 0 : i32
    %dma_start3A_32 = tpu.memref_slice %arg5[%dma_start3A, %dma_start3A_25, %dma_start3A_31] : memref<2x16x128xi32, #tpu.memory_space<vmem>> -> memref<1x1x128xi32, #tpu.memory_space<vmem>>
    %dma_start3A_33 = tpu.memref_squeeze %dma_start3A_32 : memref<1x1x128xi32, #tpu.memory_space<vmem>> -> memref<128xi32, #tpu.memory_space<vmem>>
    %dma_start3A_34 = arith.constant 0 : i32
    %dma_start3A_35 = tpu.memref_slice %arg2[%mul3A_22, %dma_start3A_34] : memref<65536x16xf32, #tpu.memory_space<hbm>> -> memref<16384x16xf32, #tpu.memory_space<hbm>>
    %dma_start3A_36 = arith.constant 0 : i32
    %dma_start3A_37 = arith.constant 0 : i32
    %dma_start3A_38 = tpu.memref_slice %dma_start3A_35[%dma_start3A_36, %dma_start3A_37] : memref<16384x16xf32, #tpu.memory_space<hbm>> -> memref<16384x16xf32, #tpu.memory_space<hbm>>
    tpu.enqueue_indirect_dma source(%dma_start3A_38 : memref<16384x16xf32, #tpu.memory_space<hbm>>) target(%dma_start3A_30 : memref<128x16xf32, #tpu.memory_space<vmem>>) offsets(%dma_start3A_33 : memref<128xi32, #tpu.memory_space<vmem>>) semaphore(%arg8 : memref<!tpu.dma_semaphore, #tpu.memory_space<semaphore_mem>>)
    %dma_start3A_39 = arith.constant 0 : i32
    %dma_start3A_40 = arith.constant 1 : i32
    %dma_start3A_41 = arith.constant 0 : i32
    %dma_start3A_42 = arith.constant 128 : i32
    %dma_start3A_43 = arith.constant 0 : i32
    %dma_start3A_44 = tpu.memref_slice %arg6[%dma_start3A_41, %dma_start3A_42, %dma_start3A_43] : memref<2x2048x16xf32, #tpu.memory_space<vmem>> -> memref<1x128x16xf32, #tpu.memory_space<vmem>>
    %dma_start3A_45 = tpu.memref_squeeze %dma_start3A_44 : memref<1x128x16xf32, #tpu.memory_space<vmem>> -> memref<128x16xf32, #tpu.memory_space<vmem>>
    %dma_start3A_46 = arith.constant 0 : i32
    %dma_start3A_47 = tpu.memref_slice %arg5[%dma_start3A_39, %dma_start3A_40, %dma_start3A_46] : memref<2x16x128xi32, #tpu.memory_space<vmem>> -> memref<1x1x128xi32, #tpu.memory_space<vmem>>
    %dma_start3A_48 = tpu.memref_squeeze %dma_start3A_47 : memref<1x1x128xi32, #tpu.memory_space<vmem>> -> memref<128xi32, #tpu.memory_space<vmem>>
    %dma_start3A_49 = arith.constant 0 : i32
    %dma_start3A_50 = tpu.memref_slice %arg2[%mul3A_22, %dma_start3A_49] : memref<65536x16xf32, #tpu.memory_space<hbm>> -> memref<16384x16xf32, #tpu.memory_space<hbm>>
    %dma_start3A_51 = arith.constant 0 : i32
    %dma_start3A_52 = arith.constant 0 : i32
    %dma_start3A_53 = tpu.memref_slice %dma_start3A_50[%dma_start3A_51, %dma_start3A_52] : memref<16384x16xf32, #tpu.memory_space<hbm>> -> memref<16384x16xf32, #tpu.memory_space<hbm>>
    tpu.enqueue_indirect_dma source(%dma_start3A_53 : memref<16384x16xf32, #tpu.memory_space<hbm>>) target(%dma_start3A_45 : memref<128x16xf32, #tpu.memory_space<vmem>>) offsets(%dma_start3A_48 : memref<128xi32, #tpu.memory_space<vmem>>) semaphore(%arg8 : memref<!tpu.dma_semaphore, #tpu.memory_space<semaphore_mem>>)
    %dma_start3A_54 = arith.constant 0 : i32
    %dma_start3A_55 = arith.constant 2 : i32
    %dma_start3A_56 = arith.constant 0 : i32
    %dma_start3A_57 = arith.constant 256 : i32
    %dma_start3A_58 = arith.constant 0 : i32
    %dma_start3A_59 = tpu.memref_slice %arg6[%dma_start3A_56, %dma_start3A_57, %dma_start3A_58] : memref<2x2048x16xf32, #tpu.memory_space<vmem>> -> memref<1x128x16xf32, #tpu.memory_space<vmem>>
    %dma_start3A_60 = tpu.memref_squeeze %dma_start3A_59 : memref<1x128x16xf32, #tpu.memory_space<vmem>> -> memref<128x16xf32, #tpu.memory_space<vmem>>
    %dma_start3A_61 = arith.constant 0 : i32
    %dma_start3A_62 = tpu.memref_slice %arg5[%dma_start3A_54, %dma_start3A_55, %dma_start3A_61] : memref<2x16x128xi32, #tpu.memory_space<vmem>> -> memref<1x1x128xi32, #tpu.memory_space<vmem>>
    %dma_start3A_63 = tpu.memref_squeeze %dma_start3A_62 : memref<1x1x128xi32, #tpu.memory_space<vmem>> -> memref<128xi32, #tpu.memory_space<vmem>>
    %dma_start3A_64 = arith.constant 0 : i32
    %dma_start3A_65 = tpu.memref_slice %arg2[%mul3A_22, %dma_start3A_64] : memref<65536x16xf32, #tpu.memory_space<hbm>> -> memref<16384x16xf32, #tpu.memory_space<hbm>>
    %dma_start3A_66 = arith.constant 0 : i32
    %dma_start3A_67 = arith.constant 0 : i32
    %dma_start3A_68 = tpu.memref_slice %dma_start3A_65[%dma_start3A_66, %dma_start3A_67] : memref<16384x16xf32, #tpu.memory_space<hbm>> -> memref<16384x16xf32, #tpu.memory_space<hbm>>
    tpu.enqueue_indirect_dma source(%dma_start3A_68 : memref<16384x16xf32, #tpu.memory_space<hbm>>) target(%dma_start3A_60 : memref<128x16xf32, #tpu.memory_space<vmem>>) offsets(%dma_start3A_63 : memref<128xi32, #tpu.memory_space<vmem>>) semaphore(%arg8 : memref<!tpu.dma_semaphore, #tpu.memory_space<semaphore_mem>>)
    %dma_start3A_69 = arith.constant 0 : i32
    %dma_start3A_70 = arith.constant 3 : i32
    %dma_start3A_71 = arith.constant 0 : i32
    %dma_start3A_72 = arith.constant 384 : i32
    %dma_start3A_73 = arith.constant 0 : i32
    %dma_start3A_74 = tpu.memref_slice %arg6[%dma_start3A_71, %dma_start3A_72, %dma_start3A_73] : memref<2x2048x16xf32, #tpu.memory_space<vmem>> -> memref<1x128x16xf32, #tpu.memory_space<vmem>>
    %dma_start3A_75 = tpu.memref_squeeze %dma_start3A_74 : memref<1x128x16xf32, #tpu.memory_space<vmem>> -> memref<128x16xf32, #tpu.memory_space<vmem>>
    %dma_start3A_76 = arith.constant 0 : i32
    %dma_start3A_77 = tpu.memref_slice %arg5[%dma_start3A_69, %dma_start3A_70, %dma_start3A_76] : memref<2x16x128xi32, #tpu.memory_space<vmem>> -> memref<1x1x128xi32, #tpu.memory_space<vmem>>
    %dma_start3A_78 = tpu.memref_squeeze %dma_start3A_77 : memref<1x1x128xi32, #tpu.memory_space<vmem>> -> memref<128xi32, #tpu.memory_space<vmem>>
    %dma_start3A_79 = arith.constant 0 : i32
    %dma_start3A_80 = tpu.memref_slice %arg2[%mul3A_22, %dma_start3A_79] : memref<65536x16xf32, #tpu.memory_space<hbm>> -> memref<16384x16xf32, #tpu.memory_space<hbm>>
    %dma_start3A_81 = arith.constant 0 : i32
    %dma_start3A_82 = arith.constant 0 : i32
    %dma_start3A_83 = tpu.memref_slice %dma_start3A_80[%dma_start3A_81, %dma_start3A_82] : memref<16384x16xf32, #tpu.memory_space<hbm>> -> memref<16384x16xf32, #tpu.memory_space<hbm>>
    tpu.enqueue_indirect_dma source(%dma_start3A_83 : memref<16384x16xf32, #tpu.memory_space<hbm>>) target(%dma_start3A_75 : memref<128x16xf32, #tpu.memory_space<vmem>>) offsets(%dma_start3A_78 : memref<128xi32, #tpu.memory_space<vmem>>) semaphore(%arg8 : memref<!tpu.dma_semaphore, #tpu.memory_space<semaphore_mem>>)
    %dma_start3A_84 = arith.constant 0 : i32
    %dma_start3A_85 = arith.constant 4 : i32
    %dma_start3A_86 = arith.constant 0 : i32
    %dma_start3A_87 = arith.constant 512 : i32
    %dma_start3A_88 = arith.constant 0 : i32
    %dma_start3A_89 = tpu.memref_slice %arg6[%dma_start3A_86, %dma_start3A_87, %dma_start3A_88] : memref<2x2048x16xf32, #tpu.memory_space<vmem>> -> memref<1x128x16xf32, #tpu.memory_space<vmem>>
    %dma_start3A_90 = tpu.memref_squeeze %dma_start3A_89 : memref<1x128x16xf32, #tpu.memory_space<vmem>> -> memref<128x16xf32, #tpu.memory_space<vmem>>
    %dma_start3A_91 = arith.constant 0 : i32
    %dma_start3A_92 = tpu.memref_slice %arg5[%dma_start3A_84, %dma_start3A_85, %dma_start3A_91] : memref<2x16x128xi32, #tpu.memory_space<vmem>> -> memref<1x1x128xi32, #tpu.memory_space<vmem>>
    %dma_start3A_93 = tpu.memref_squeeze %dma_start3A_92 : memref<1x1x128xi32, #tpu.memory_space<vmem>> -> memref<128xi32, #tpu.memory_space<vmem>>
    %dma_start3A_94 = arith.constant 0 : i32
    %dma_start3A_95 = tpu.memref_slice %arg2[%mul3A_22, %dma_start3A_94] : memref<65536x16xf32, #tpu.memory_space<hbm>> -> memref<16384x16xf32, #tpu.memory_space<hbm>>
    %dma_start3A_96 = arith.constant 0 : i32
    %dma_start3A_97 = arith.constant 0 : i32
    %dma_start3A_98 = tpu.memref_slice %dma_start3A_95[%dma_start3A_96, %dma_start3A_97] : memref<16384x16xf32, #tpu.memory_space<hbm>> -> memref<16384x16xf32, #tpu.memory_space<hbm>>
    tpu.enqueue_indirect_dma source(%dma_start3A_98 : memref<16384x16xf32, #tpu.memory_space<hbm>>) target(%dma_start3A_90 : memref<128x16xf32, #tpu.memory_space<vmem>>) offsets(%dma_start3A_93 : memref<128xi32, #tpu.memory_space<vmem>>) semaphore(%arg8 : memref<!tpu.dma_semaphore, #tpu.memory_space<semaphore_mem>>)
    %dma_start3A_99 = arith.constant 0 : i32
    %dma_start3A_100 = arith.constant 5 : i32
    %dma_start3A_101 = arith.constant 0 : i32
    %dma_start3A_102 = arith.constant 640 : i32
    %dma_start3A_103 = arith.constant 0 : i32
    %dma_start3A_104 = tpu.memref_slice %arg6[%dma_start3A_101, %dma_start3A_102, %dma_start3A_103] : memref<2x2048x16xf32, #tpu.memory_space<vmem>> -> memref<1x128x16xf32, #tpu.memory_space<vmem>>
    %dma_start3A_105 = tpu.memref_squeeze %dma_start3A_104 : memref<1x128x16xf32, #tpu.memory_space<vmem>> -> memref<128x16xf32, #tpu.memory_space<vmem>>
    %dma_start3A_106 = arith.constant 0 : i32
    %dma_start3A_107 = tpu.memref_slice %arg5[%dma_start3A_99, %dma_start3A_100, %dma_start3A_106] : memref<2x16x128xi32, #tpu.memory_space<vmem>> -> memref<1x1x128xi32, #tpu.memory_space<vmem>>
    %dma_start3A_108 = tpu.memref_squeeze %dma_start3A_107 : memref<1x1x128xi32, #tpu.memory_space<vmem>> -> memref<128xi32, #tpu.memory_space<vmem>>
    %dma_start3A_109 = arith.constant 0 : i32
    %dma_start3A_110 = tpu.memref_slice %arg2[%mul3A_22, %dma_start3A_109] : memref<65536x16xf32, #tpu.memory_space<hbm>> -> memref<16384x16xf32, #tpu.memory_space<hbm>>
    %dma_start3A_111 = arith.constant 0 : i32
    %dma_start3A_112 = arith.constant 0 : i32
    %dma_start3A_113 = tpu.memref_slice %dma_start3A_110[%dma_start3A_111, %dma_start3A_112] : memref<16384x16xf32, #tpu.memory_space<hbm>> -> memref<16384x16xf32, #tpu.memory_space<hbm>>
    tpu.enqueue_indirect_dma source(%dma_start3A_113 : memref<16384x16xf32, #tpu.memory_space<hbm>>) target(%dma_start3A_105 : memref<128x16xf32, #tpu.memory_space<vmem>>) offsets(%dma_start3A_108 : memref<128xi32, #tpu.memory_space<vmem>>) semaphore(%arg8 : memref<!tpu.dma_semaphore, #tpu.memory_space<semaphore_mem>>)
    %dma_start3A_114 = arith.constant 0 : i32
    %dma_start3A_115 = arith.constant 6 : i32
    %dma_start3A_116 = arith.constant 0 : i32
    %dma_start3A_117 = arith.constant 768 : i32
    %dma_start3A_118 = arith.constant 0 : i32
    %dma_start3A_119 = tpu.memref_slice %arg6[%dma_start3A_116, %dma_start3A_117, %dma_start3A_118] : memref<2x2048x16xf32, #tpu.memory_space<vmem>> -> memref<1x128x16xf32, #tpu.memory_space<vmem>>
    %dma_start3A_120 = tpu.memref_squeeze %dma_start3A_119 : memref<1x128x16xf32, #tpu.memory_space<vmem>> -> memref<128x16xf32, #tpu.memory_space<vmem>>
    %dma_start3A_121 = arith.constant 0 : i32
    %dma_start3A_122 = tpu.memref_slice %arg5[%dma_start3A_114, %dma_start3A_115, %dma_start3A_121] : memref<2x16x128xi32, #tpu.memory_space<vmem>> -> memref<1x1x128xi32, #tpu.memory_space<vmem>>
    %dma_start3A_123 = tpu.memref_squeeze %dma_start3A_122 : memref<1x1x128xi32, #tpu.memory_space<vmem>> -> memref<128xi32, #tpu.memory_space<vmem>>
    %dma_start3A_124 = arith.constant 0 : i32
    %dma_start3A_125 = tpu.memref_slice %arg2[%mul3A_22, %dma_start3A_124] : memref<65536x16xf32, #tpu.memory_space<hbm>> -> memref<16384x16xf32, #tpu.memory_space<hbm>>
    %dma_start3A_126 = arith.constant 0 : i32
    %dma_start3A_127 = arith.constant 0 : i32
    %dma_start3A_128 = tpu.memref_slice %dma_start3A_125[%dma_start3A_126, %dma_start3A_127] : memref<16384x16xf32, #tpu.memory_space<hbm>> -> memref<16384x16xf32, #tpu.memory_space<hbm>>
    tpu.enqueue_indirect_dma source(%dma_start3A_128 : memref<16384x16xf32, #tpu.memory_space<hbm>>) target(%dma_start3A_120 : memref<128x16xf32, #tpu.memory_space<vmem>>) offsets(%dma_start3A_123 : memref<128xi32, #tpu.memory_space<vmem>>) semaphore(%arg8 : memref<!tpu.dma_semaphore, #tpu.memory_space<semaphore_mem>>)
    %dma_start3A_129 = arith.constant 0 : i32
    %dma_start3A_130 = arith.constant 7 : i32
    %dma_start3A_131 = arith.constant 0 : i32
    %dma_start3A_132 = arith.constant 896 : i32
    %dma_start3A_133 = arith.constant 0 : i32
    %dma_start3A_134 = tpu.memref_slice %arg6[%dma_start3A_131, %dma_start3A_132, %dma_start3A_133] : memref<2x2048x16xf32, #tpu.memory_space<vmem>> -> memref<1x128x16xf32, #tpu.memory_space<vmem>>
    %dma_start3A_135 = tpu.memref_squeeze %dma_start3A_134 : memref<1x128x16xf32, #tpu.memory_space<vmem>> -> memref<128x16xf32, #tpu.memory_space<vmem>>
    %dma_start3A_136 = arith.constant 0 : i32
    %dma_start3A_137 = tpu.memref_slice %arg5[%dma_start3A_129, %dma_start3A_130, %dma_start3A_136] : memref<2x16x128xi32, #tpu.memory_space<vmem>> -> memref<1x1x128xi32, #tpu.memory_space<vmem>>
    %dma_start3A_138 = tpu.memref_squeeze %dma_start3A_137 : memref<1x1x128xi32, #tpu.memory_space<vmem>> -> memref<128xi32, #tpu.memory_space<vmem>>
    %dma_start3A_139 = arith.constant 0 : i32
    %dma_start3A_140 = tpu.memref_slice %arg2[%mul3A_22, %dma_start3A_139] : memref<65536x16xf32, #tpu.memory_space<hbm>> -> memref<16384x16xf32, #tpu.memory_space<hbm>>
    %dma_start3A_141 = arith.constant 0 : i32
    %dma_start3A_142 = arith.constant 0 : i32
    %dma_start3A_143 = tpu.memref_slice %dma_start3A_140[%dma_start3A_141, %dma_start3A_142] : memref<16384x16xf32, #tpu.memory_space<hbm>> -> memref<16384x16xf32, #tpu.memory_space<hbm>>
    tpu.enqueue_indirect_dma source(%dma_start3A_143 : memref<16384x16xf32, #tpu.memory_space<hbm>>) target(%dma_start3A_135 : memref<128x16xf32, #tpu.memory_space<vmem>>) offsets(%dma_start3A_138 : memref<128xi32, #tpu.memory_space<vmem>>) semaphore(%arg8 : memref<!tpu.dma_semaphore, #tpu.memory_space<semaphore_mem>>)
    %dma_start3A_144 = arith.constant 0 : i32
    %dma_start3A_145 = arith.constant 8 : i32
    %dma_start3A_146 = arith.constant 0 : i32
    %dma_start3A_147 = arith.constant 1024 : i32
    %dma_start3A_148 = arith.constant 0 : i32
    %dma_start3A_149 = tpu.memref_slice %arg6[%dma_start3A_146, %dma_start3A_147, %dma_start3A_148] : memref<2x2048x16xf32, #tpu.memory_space<vmem>> -> memref<1x128x16xf32, #tpu.memory_space<vmem>>
    %dma_start3A_150 = tpu.memref_squeeze %dma_start3A_149 : memref<1x128x16xf32, #tpu.memory_space<vmem>> -> memref<128x16xf32, #tpu.memory_space<vmem>>
    %dma_start3A_151 = arith.constant 0 : i32
    %dma_start3A_152 = tpu.memref_slice %arg5[%dma_start3A_144, %dma_start3A_145, %dma_start3A_151] : memref<2x16x128xi32, #tpu.memory_space<vmem>> -> memref<1x1x128xi32, #tpu.memory_space<vmem>>
    %dma_start3A_153 = tpu.memref_squeeze %dma_start3A_152 : memref<1x1x128xi32, #tpu.memory_space<vmem>> -> memref<128xi32, #tpu.memory_space<vmem>>
    %dma_start3A_154 = arith.constant 0 : i32
    %dma_start3A_155 = tpu.memref_slice %arg2[%mul3A_22, %dma_start3A_154] : memref<65536x16xf32, #tpu.memory_space<hbm>> -> memref<16384x16xf32, #tpu.memory_space<hbm>>
    %dma_start3A_156 = arith.constant 0 : i32
    %dma_start3A_157 = arith.constant 0 : i32
    %dma_start3A_158 = tpu.memref_slice %dma_start3A_155[%dma_start3A_156, %dma_start3A_157] : memref<16384x16xf32, #tpu.memory_space<hbm>> -> memref<16384x16xf32, #tpu.memory_space<hbm>>
    tpu.enqueue_indirect_dma source(%dma_start3A_158 : memref<16384x16xf32, #tpu.memory_space<hbm>>) target(%dma_start3A_150 : memref<128x16xf32, #tpu.memory_space<vmem>>) offsets(%dma_start3A_153 : memref<128xi32, #tpu.memory_space<vmem>>) semaphore(%arg8 : memref<!tpu.dma_semaphore, #tpu.memory_space<semaphore_mem>>)
    %dma_start3A_159 = arith.constant 0 : i32
    %dma_start3A_160 = arith.constant 9 : i32
    %dma_start3A_161 = arith.constant 0 : i32
    %dma_start3A_162 = arith.constant 1152 : i32
    %dma_start3A_163 = arith.constant 0 : i32
    %dma_start3A_164 = tpu.memref_slice %arg6[%dma_start3A_161, %dma_start3A_162, %dma_start3A_163] : memref<2x2048x16xf32, #tpu.memory_space<vmem>> -> memref<1x128x16xf32, #tpu.memory_space<vmem>>
    %dma_start3A_165 = tpu.memref_squeeze %dma_start3A_164 : memref<1x128x16xf32, #tpu.memory_space<vmem>> -> memref<128x16xf32, #tpu.memory_space<vmem>>
    %dma_start3A_166 = arith.constant 0 : i32
    %dma_start3A_167 = tpu.memref_slice %arg5[%dma_start3A_159, %dma_start3A_160, %dma_start3A_166] : memref<2x16x128xi32, #tpu.memory_space<vmem>> -> memref<1x1x128xi32, #tpu.memory_space<vmem>>
    %dma_start3A_168 = tpu.memref_squeeze %dma_start3A_167 : memref<1x1x128xi32, #tpu.memory_space<vmem>> -> memref<128xi32, #tpu.memory_space<vmem>>
    %dma_start3A_169 = arith.constant 0 : i32
    %dma_start3A_170 = tpu.memref_slice %arg2[%mul3A_22, %dma_start3A_169] : memref<65536x16xf32, #tpu.memory_space<hbm>> -> memref<16384x16xf32, #tpu.memory_space<hbm>>
    %dma_start3A_171 = arith.constant 0 : i32
    %dma_start3A_172 = arith.constant 0 : i32
    %dma_start3A_173 = tpu.memref_slice %dma_start3A_170[%dma_start3A_171, %dma_start3A_172] : memref<16384x16xf32, #tpu.memory_space<hbm>> -> memref<16384x16xf32, #tpu.memory_space<hbm>>
    tpu.enqueue_indirect_dma source(%dma_start3A_173 : memref<16384x16xf32, #tpu.memory_space<hbm>>) target(%dma_start3A_165 : memref<128x16xf32, #tpu.memory_space<vmem>>) offsets(%dma_start3A_168 : memref<128xi32, #tpu.memory_space<vmem>>) semaphore(%arg8 : memref<!tpu.dma_semaphore, #tpu.memory_space<semaphore_mem>>)
    %dma_start3A_174 = arith.constant 0 : i32
    %dma_start3A_175 = arith.constant 10 : i32
    %dma_start3A_176 = arith.constant 0 : i32
    %dma_start3A_177 = arith.constant 1280 : i32
    %dma_start3A_178 = arith.constant 0 : i32
    %dma_start3A_179 = tpu.memref_slice %arg6[%dma_start3A_176, %dma_start3A_177, %dma_start3A_178] : memref<2x2048x16xf32, #tpu.memory_space<vmem>> -> memref<1x128x16xf32, #tpu.memory_space<vmem>>
    %dma_start3A_180 = tpu.memref_squeeze %dma_start3A_179 : memref<1x128x16xf32, #tpu.memory_space<vmem>> -> memref<128x16xf32, #tpu.memory_space<vmem>>
    %dma_start3A_181 = arith.constant 0 : i32
    %dma_start3A_182 = tpu.memref_slice %arg5[%dma_start3A_174, %dma_start3A_175, %dma_start3A_181] : memref<2x16x128xi32, #tpu.memory_space<vmem>> -> memref<1x1x128xi32, #tpu.memory_space<vmem>>
    %dma_start3A_183 = tpu.memref_squeeze %dma_start3A_182 : memref<1x1x128xi32, #tpu.memory_space<vmem>> -> memref<128xi32, #tpu.memory_space<vmem>>
    %dma_start3A_184 = arith.constant 0 : i32
    %dma_start3A_185 = tpu.memref_slice %arg2[%mul3A_22, %dma_start3A_184] : memref<65536x16xf32, #tpu.memory_space<hbm>> -> memref<16384x16xf32, #tpu.memory_space<hbm>>
    %dma_start3A_186 = arith.constant 0 : i32
    %dma_start3A_187 = arith.constant 0 : i32
    %dma_start3A_188 = tpu.memref_slice %dma_start3A_185[%dma_start3A_186, %dma_start3A_187] : memref<16384x16xf32, #tpu.memory_space<hbm>> -> memref<16384x16xf32, #tpu.memory_space<hbm>>
    tpu.enqueue_indirect_dma source(%dma_start3A_188 : memref<16384x16xf32, #tpu.memory_space<hbm>>) target(%dma_start3A_180 : memref<128x16xf32, #tpu.memory_space<vmem>>) offsets(%dma_start3A_183 : memref<128xi32, #tpu.memory_space<vmem>>) semaphore(%arg8 : memref<!tpu.dma_semaphore, #tpu.memory_space<semaphore_mem>>)
    %dma_start3A_189 = arith.constant 0 : i32
    %dma_start3A_190 = arith.constant 11 : i32
    %dma_start3A_191 = arith.constant 0 : i32
    %dma_start3A_192 = arith.constant 1408 : i32
    %dma_start3A_193 = arith.constant 0 : i32
    %dma_start3A_194 = tpu.memref_slice %arg6[%dma_start3A_191, %dma_start3A_192, %dma_start3A_193] : memref<2x2048x16xf32, #tpu.memory_space<vmem>> -> memref<1x128x16xf32, #tpu.memory_space<vmem>>
    %dma_start3A_195 = tpu.memref_squeeze %dma_start3A_194 : memref<1x128x16xf32, #tpu.memory_space<vmem>> -> memref<128x16xf32, #tpu.memory_space<vmem>>
    %dma_start3A_196 = arith.constant 0 : i32
    %dma_start3A_197 = tpu.memref_slice %arg5[%dma_start3A_189, %dma_start3A_190, %dma_start3A_196] : memref<2x16x128xi32, #tpu.memory_space<vmem>> -> memref<1x1x128xi32, #tpu.memory_space<vmem>>
    %dma_start3A_198 = tpu.memref_squeeze %dma_start3A_197 : memref<1x1x128xi32, #tpu.memory_space<vmem>> -> memref<128xi32, #tpu.memory_space<vmem>>
    %dma_start3A_199 = arith.constant 0 : i32
    %dma_start3A_200 = tpu.memref_slice %arg2[%mul3A_22, %dma_start3A_199] : memref<65536x16xf32, #tpu.memory_space<hbm>> -> memref<16384x16xf32, #tpu.memory_space<hbm>>
    %dma_start3A_201 = arith.constant 0 : i32
    %dma_start3A_202 = arith.constant 0 : i32
    %dma_start3A_203 = tpu.memref_slice %dma_start3A_200[%dma_start3A_201, %dma_start3A_202] : memref<16384x16xf32, #tpu.memory_space<hbm>> -> memref<16384x16xf32, #tpu.memory_space<hbm>>
    tpu.enqueue_indirect_dma source(%dma_start3A_203 : memref<16384x16xf32, #tpu.memory_space<hbm>>) target(%dma_start3A_195 : memref<128x16xf32, #tpu.memory_space<vmem>>) offsets(%dma_start3A_198 : memref<128xi32, #tpu.memory_space<vmem>>) semaphore(%arg8 : memref<!tpu.dma_semaphore, #tpu.memory_space<semaphore_mem>>)
    %dma_start3A_204 = arith.constant 0 : i32
    %dma_start3A_205 = arith.constant 12 : i32
    %dma_start3A_206 = arith.constant 0 : i32
    %dma_start3A_207 = arith.constant 1536 : i32
    %dma_start3A_208 = arith.constant 0 : i32
    %dma_start3A_209 = tpu.memref_slice %arg6[%dma_start3A_206, %dma_start3A_207, %dma_start3A_208] : memref<2x2048x16xf32, #tpu.memory_space<vmem>> -> memref<1x128x16xf32, #tpu.memory_space<vmem>>
    %dma_start3A_210 = tpu.memref_squeeze %dma_start3A_209 : memref<1x128x16xf32, #tpu.memory_space<vmem>> -> memref<128x16xf32, #tpu.memory_space<vmem>>
    %dma_start3A_211 = arith.constant 0 : i32
    %dma_start3A_212 = tpu.memref_slice %arg5[%dma_start3A_204, %dma_start3A_205, %dma_start3A_211] : memref<2x16x128xi32, #tpu.memory_space<vmem>> -> memref<1x1x128xi32, #tpu.memory_space<vmem>>
    %dma_start3A_213 = tpu.memref_squeeze %dma_start3A_212 : memref<1x1x128xi32, #tpu.memory_space<vmem>> -> memref<128xi32, #tpu.memory_space<vmem>>
    %dma_start3A_214 = arith.constant 0 : i32
    %dma_start3A_215 = tpu.memref_slice %arg2[%mul3A_22, %dma_start3A_214] : memref<65536x16xf32, #tpu.memory_space<hbm>> -> memref<16384x16xf32, #tpu.memory_space<hbm>>
    %dma_start3A_216 = arith.constant 0 : i32
    %dma_start3A_217 = arith.constant 0 : i32
    %dma_start3A_218 = tpu.memref_slice %dma_start3A_215[%dma_start3A_216, %dma_start3A_217] : memref<16384x16xf32, #tpu.memory_space<hbm>> -> memref<16384x16xf32, #tpu.memory_space<hbm>>
    tpu.enqueue_indirect_dma source(%dma_start3A_218 : memref<16384x16xf32, #tpu.memory_space<hbm>>) target(%dma_start3A_210 : memref<128x16xf32, #tpu.memory_space<vmem>>) offsets(%dma_start3A_213 : memref<128xi32, #tpu.memory_space<vmem>>) semaphore(%arg8 : memref<!tpu.dma_semaphore, #tpu.memory_space<semaphore_mem>>)
    %dma_start3A_219 = arith.constant 0 : i32
    %dma_start3A_220 = arith.constant 13 : i32
    %dma_start3A_221 = arith.constant 0 : i32
    %dma_start3A_222 = arith.constant 1664 : i32
    %dma_start3A_223 = arith.constant 0 : i32
    %dma_start3A_224 = tpu.memref_slice %arg6[%dma_start3A_221, %dma_start3A_222, %dma_start3A_223] : memref<2x2048x16xf32, #tpu.memory_space<vmem>> -> memref<1x128x16xf32, #tpu.memory_space<vmem>>
    %dma_start3A_225 = tpu.memref_squeeze %dma_start3A_224 : memref<1x128x16xf32, #tpu.memory_space<vmem>> -> memref<128x16xf32, #tpu.memory_space<vmem>>
    %dma_start3A_226 = arith.constant 0 : i32
    %dma_start3A_227 = tpu.memref_slice %arg5[%dma_start3A_219, %dma_start3A_220, %dma_start3A_226] : memref<2x16x128xi32, #tpu.memory_space<vmem>> -> memref<1x1x128xi32, #tpu.memory_space<vmem>>
    %dma_start3A_228 = tpu.memref_squeeze %dma_start3A_227 : memref<1x1x128xi32, #tpu.memory_space<vmem>> -> memref<128xi32, #tpu.memory_space<vmem>>
    %dma_start3A_229 = arith.constant 0 : i32
    %dma_start3A_230 = tpu.memref_slice %arg2[%mul3A_22, %dma_start3A_229] : memref<65536x16xf32, #tpu.memory_space<hbm>> -> memref<16384x16xf32, #tpu.memory_space<hbm>>
    %dma_start3A_231 = arith.constant 0 : i32
    %dma_start3A_232 = arith.constant 0 : i32
    %dma_start3A_233 = tpu.memref_slice %dma_start3A_230[%dma_start3A_231, %dma_start3A_232] : memref<16384x16xf32, #tpu.memory_space<hbm>> -> memref<16384x16xf32, #tpu.memory_space<hbm>>
    tpu.enqueue_indirect_dma source(%dma_start3A_233 : memref<16384x16xf32, #tpu.memory_space<hbm>>) target(%dma_start3A_225 : memref<128x16xf32, #tpu.memory_space<vmem>>) offsets(%dma_start3A_228 : memref<128xi32, #tpu.memory_space<vmem>>) semaphore(%arg8 : memref<!tpu.dma_semaphore, #tpu.memory_space<semaphore_mem>>)
    %dma_start3A_234 = arith.constant 0 : i32
    %dma_start3A_235 = arith.constant 14 : i32
    %dma_start3A_236 = arith.constant 0 : i32
    %dma_start3A_237 = arith.constant 1792 : i32
    %dma_start3A_238 = arith.constant 0 : i32
    %dma_start3A_239 = tpu.memref_slice %arg6[%dma_start3A_236, %dma_start3A_237, %dma_start3A_238] : memref<2x2048x16xf32, #tpu.memory_space<vmem>> -> memref<1x128x16xf32, #tpu.memory_space<vmem>>
    %dma_start3A_240 = tpu.memref_squeeze %dma_start3A_239 : memref<1x128x16xf32, #tpu.memory_space<vmem>> -> memref<128x16xf32, #tpu.memory_space<vmem>>
    %dma_start3A_241 = arith.constant 0 : i32
    %dma_start3A_242 = tpu.memref_slice %arg5[%dma_start3A_234, %dma_start3A_235, %dma_start3A_241] : memref<2x16x128xi32, #tpu.memory_space<vmem>> -> memref<1x1x128xi32, #tpu.memory_space<vmem>>
    %dma_start3A_243 = tpu.memref_squeeze %dma_start3A_242 : memref<1x1x128xi32, #tpu.memory_space<vmem>> -> memref<128xi32, #tpu.memory_space<vmem>>
    %dma_start3A_244 = arith.constant 0 : i32
    %dma_start3A_245 = tpu.memref_slice %arg2[%mul3A_22, %dma_start3A_244] : memref<65536x16xf32, #tpu.memory_space<hbm>> -> memref<16384x16xf32, #tpu.memory_space<hbm>>
    %dma_start3A_246 = arith.constant 0 : i32
    %dma_start3A_247 = arith.constant 0 : i32
    %dma_start3A_248 = tpu.memref_slice %dma_start3A_245[%dma_start3A_246, %dma_start3A_247] : memref<16384x16xf32, #tpu.memory_space<hbm>> -> memref<16384x16xf32, #tpu.memory_space<hbm>>
    tpu.enqueue_indirect_dma source(%dma_start3A_248 : memref<16384x16xf32, #tpu.memory_space<hbm>>) target(%dma_start3A_240 : memref<128x16xf32, #tpu.memory_space<vmem>>) offsets(%dma_start3A_243 : memref<128xi32, #tpu.memory_space<vmem>>) semaphore(%arg8 : memref<!tpu.dma_semaphore, #tpu.memory_space<semaphore_mem>>)
    %dma_start3A_249 = arith.constant 0 : i32
    %dma_start3A_250 = arith.constant 15 : i32
    %dma_start3A_251 = arith.constant 0 : i32
    %dma_start3A_252 = arith.constant 1920 : i32
    %dma_start3A_253 = arith.constant 0 : i32
    %dma_start3A_254 = tpu.memref_slice %arg6[%dma_start3A_251, %dma_start3A_252, %dma_start3A_253] : memref<2x2048x16xf32, #tpu.memory_space<vmem>> -> memref<1x128x16xf32, #tpu.memory_space<vmem>>
    %dma_start3A_255 = tpu.memref_squeeze %dma_start3A_254 : memref<1x128x16xf32, #tpu.memory_space<vmem>> -> memref<128x16xf32, #tpu.memory_space<vmem>>
    %dma_start3A_256 = arith.constant 0 : i32
    %dma_start3A_257 = tpu.memref_slice %arg5[%dma_start3A_249, %dma_start3A_250, %dma_start3A_256] : memref<2x16x128xi32, #tpu.memory_space<vmem>> -> memref<1x1x128xi32, #tpu.memory_space<vmem>>
    %dma_start3A_258 = tpu.memref_squeeze %dma_start3A_257 : memref<1x1x128xi32, #tpu.memory_space<vmem>> -> memref<128xi32, #tpu.memory_space<vmem>>
    %dma_start3A_259 = arith.constant 0 : i32
    %dma_start3A_260 = tpu.memref_slice %arg2[%mul3A_22, %dma_start3A_259] : memref<65536x16xf32, #tpu.memory_space<hbm>> -> memref<16384x16xf32, #tpu.memory_space<hbm>>
    %dma_start3A_261 = arith.constant 0 : i32
    %dma_start3A_262 = arith.constant 0 : i32
    %dma_start3A_263 = tpu.memref_slice %dma_start3A_260[%dma_start3A_261, %dma_start3A_262] : memref<16384x16xf32, #tpu.memory_space<hbm>> -> memref<16384x16xf32, #tpu.memory_space<hbm>>
    tpu.enqueue_indirect_dma source(%dma_start3A_263 : memref<16384x16xf32, #tpu.memory_space<hbm>>) target(%dma_start3A_255 : memref<128x16xf32, #tpu.memory_space<vmem>>) offsets(%dma_start3A_258 : memref<128xi32, #tpu.memory_space<vmem>>) semaphore(%arg8 : memref<!tpu.dma_semaphore, #tpu.memory_space<semaphore_mem>>)
    %add3A_264 = arith.constant 16 : i32
    %add3A_265 = arith.addi %mul3A_2, %add3A_264 : i32
    %run_scoped3A_266 = arith.constant 1 : i32
    "tpu.region"() ({
      %run_scoped3A_512 = tpu.sem_alloc : memref<!tpu.dma_semaphore, #tpu.memory_space<semaphore_mem>>
      %dma_start3A_513 = arith.constant 0 : i32
      %dma_start3A_514 = arith.constant 0 : i32
      %dma_start3A_515 = tpu.memref_slice %arg5[%run_scoped3A_266, %dma_start3A_513, %dma_start3A_514] : memref<2x16x128xi32, #tpu.memory_space<vmem>> -> memref<1x16x128xi32, #tpu.memory_space<vmem>>
      %dma_start3A_516 = tpu.memref_squeeze %dma_start3A_515 : memref<1x16x128xi32, #tpu.memory_space<vmem>> -> memref<16x128xi32, #tpu.memory_space<vmem>>
      %dma_start3A_517 = arith.constant 0 : i32
      %dma_start3A_518 = tpu.memref_slice %arg3[%add3A_265, %dma_start3A_517] : memref<16384x128xi32, #tpu.memory_space<hbm>> -> memref<16x128xi32, #tpu.memory_space<hbm>>
      %dma_start3A_519 = arith.constant 0 : i32
      %dma_start3A_520 = arith.constant 0 : i32
      %dma_start3A_521 = tpu.memref_slice %arg5[%run_scoped3A_266, %dma_start3A_519, %dma_start3A_520] : memref<2x16x128xi32, #tpu.memory_space<vmem>> -> memref<1x16x128xi32, #tpu.memory_space<vmem>>
      %dma_start3A_522 = tpu.memref_squeeze %dma_start3A_521 : memref<1x16x128xi32, #tpu.memory_space<vmem>> -> memref<16x128xi32, #tpu.memory_space<vmem>>
      %dma_start3A_523 = arith.constant 0 : i32
      %dma_start3A_524 = tpu.memref_slice %arg3[%add3A_265, %dma_start3A_523] : memref<16384x128xi32, #tpu.memory_space<hbm>> -> memref<16x128xi32, #tpu.memory_space<hbm>>
      tpu.enqueue_dma source(%dma_start3A_524 : memref<16x128xi32, #tpu.memory_space<hbm>>) target(%dma_start3A_522 : memref<16x128xi32, #tpu.memory_space<vmem>>) target_semaphore(%run_scoped3A_512 : memref<!tpu.dma_semaphore, #tpu.memory_space<semaphore_mem>>)
      %dma_wait3A = arith.constant 0 : i32
      %dma_wait3A_525 = arith.constant 0 : i32
      %dma_wait3A_526 = tpu.memref_slice %arg5[%run_scoped3A_266, %dma_wait3A, %dma_wait3A_525] : memref<2x16x128xi32, #tpu.memory_space<vmem>> -> memref<1x16x128xi32, #tpu.memory_space<vmem>>
      %dma_wait3A_527 = tpu.memref_squeeze %dma_wait3A_526 : memref<1x16x128xi32, #tpu.memory_space<vmem>> -> memref<16x128xi32, #tpu.memory_space<vmem>>
      %dma_wait3A_528 = arith.constant 0 : i32
      %dma_wait3A_529 = tpu.memref_slice %arg3[%add3A_265, %dma_wait3A_528] : memref<16384x128xi32, #tpu.memory_space<hbm>> -> memref<16x128xi32, #tpu.memory_space<hbm>>
      %dma_wait3A_530 = arith.constant 0 : i32
      %dma_wait3A_531 = arith.constant 0 : i32
      %dma_wait3A_532 = tpu.memref_slice %arg5[%run_scoped3A_266, %dma_wait3A_530, %dma_wait3A_531] : memref<2x16x128xi32, #tpu.memory_space<vmem>> -> memref<1x16x128xi32, #tpu.memory_space<vmem>>
      %dma_wait3A_533 = tpu.memref_squeeze %dma_wait3A_532 : memref<1x16x128xi32, #tpu.memory_space<vmem>> -> memref<16x128xi32, #tpu.memory_space<vmem>>
      %dma_wait3A_534 = arith.constant 0 : i32
      %dma_wait3A_535 = tpu.memref_slice %arg3[%add3A_265, %dma_wait3A_534] : memref<16384x128xi32, #tpu.memory_space<hbm>> -> memref<16x128xi32, #tpu.memory_space<hbm>>
      tpu.wait_dma2 semaphore(%run_scoped3A_512 : memref<!tpu.dma_semaphore, #tpu.memory_space<semaphore_mem>>) src(%dma_wait3A_535 : memref<16x128xi32, #tpu.memory_space<hbm>>) dst(%dma_wait3A_533 : memref<16x128xi32, #tpu.memory_space<vmem>>)
      tpu.yield
    }) : () -> ()
    %dma_start3A_267 = arith.constant 1 : i32
    %dma_start3A_268 = arith.constant 0 : i32
    %dma_start3A_269 = arith.constant 1 : i32
    %dma_start3A_270 = arith.constant 0 : i32
    %dma_start3A_271 = arith.constant 0 : i32
    %dma_start3A_272 = tpu.memref_slice %arg6[%dma_start3A_269, %dma_start3A_270, %dma_start3A_271] : memref<2x2048x16xf32, #tpu.memory_space<vmem>> -> memref<1x128x16xf32, #tpu.memory_space<vmem>>
    %dma_start3A_273 = tpu.memref_squeeze %dma_start3A_272 : memref<1x128x16xf32, #tpu.memory_space<vmem>> -> memref<128x16xf32, #tpu.memory_space<vmem>>
    %dma_start3A_274 = arith.constant 0 : i32
    %dma_start3A_275 = tpu.memref_slice %arg5[%dma_start3A_267, %dma_start3A_268, %dma_start3A_274] : memref<2x16x128xi32, #tpu.memory_space<vmem>> -> memref<1x1x128xi32, #tpu.memory_space<vmem>>
    %dma_start3A_276 = tpu.memref_squeeze %dma_start3A_275 : memref<1x1x128xi32, #tpu.memory_space<vmem>> -> memref<128xi32, #tpu.memory_space<vmem>>
    %dma_start3A_277 = arith.constant 0 : i32
    %dma_start3A_278 = tpu.memref_slice %arg2[%mul3A_22, %dma_start3A_277] : memref<65536x16xf32, #tpu.memory_space<hbm>> -> memref<16384x16xf32, #tpu.memory_space<hbm>>
    %dma_start3A_279 = arith.constant 0 : i32
    %dma_start3A_280 = arith.constant 0 : i32
    %dma_start3A_281 = tpu.memref_slice %dma_start3A_278[%dma_start3A_279, %dma_start3A_280] : memref<16384x16xf32, #tpu.memory_space<hbm>> -> memref<16384x16xf32, #tpu.memory_space<hbm>>
    tpu.enqueue_indirect_dma source(%dma_start3A_281 : memref<16384x16xf32, #tpu.memory_space<hbm>>) target(%dma_start3A_273 : memref<128x16xf32, #tpu.memory_space<vmem>>) offsets(%dma_start3A_276 : memref<128xi32, #tpu.memory_space<vmem>>) semaphore(%arg9 : memref<!tpu.dma_semaphore, #tpu.memory_space<semaphore_mem>>)
    %dma_start3A_282 = arith.constant 1 : i32
    %dma_start3A_283 = arith.constant 1 : i32
    %dma_start3A_284 = arith.constant 1 : i32
    %dma_start3A_285 = arith.constant 128 : i32
    %dma_start3A_286 = arith.constant 0 : i32
    %dma_start3A_287 = tpu.memref_slice %arg6[%dma_start3A_284, %dma_start3A_285, %dma_start3A_286] : memref<2x2048x16xf32, #tpu.memory_space<vmem>> -> memref<1x128x16xf32, #tpu.memory_space<vmem>>
    %dma_start3A_288 = tpu.memref_squeeze %dma_start3A_287 : memref<1x128x16xf32, #tpu.memory_space<vmem>> -> memref<128x16xf32, #tpu.memory_space<vmem>>
    %dma_start3A_289 = arith.constant 0 : i32
    %dma_start3A_290 = tpu.memref_slice %arg5[%dma_start3A_282, %dma_start3A_283, %dma_start3A_289] : memref<2x16x128xi32, #tpu.memory_space<vmem>> -> memref<1x1x128xi32, #tpu.memory_space<vmem>>
    %dma_start3A_291 = tpu.memref_squeeze %dma_start3A_290 : memref<1x1x128xi32, #tpu.memory_space<vmem>> -> memref<128xi32, #tpu.memory_space<vmem>>
    %dma_start3A_292 = arith.constant 0 : i32
    %dma_start3A_293 = tpu.memref_slice %arg2[%mul3A_22, %dma_start3A_292] : memref<65536x16xf32, #tpu.memory_space<hbm>> -> memref<16384x16xf32, #tpu.memory_space<hbm>>
    %dma_start3A_294 = arith.constant 0 : i32
    %dma_start3A_295 = arith.constant 0 : i32
    %dma_start3A_296 = tpu.memref_slice %dma_start3A_293[%dma_start3A_294, %dma_start3A_295] : memref<16384x16xf32, #tpu.memory_space<hbm>> -> memref<16384x16xf32, #tpu.memory_space<hbm>>
    tpu.enqueue_indirect_dma source(%dma_start3A_296 : memref<16384x16xf32, #tpu.memory_space<hbm>>) target(%dma_start3A_288 : memref<128x16xf32, #tpu.memory_space<vmem>>) offsets(%dma_start3A_291 : memref<128xi32, #tpu.memory_space<vmem>>) semaphore(%arg9 : memref<!tpu.dma_semaphore, #tpu.memory_space<semaphore_mem>>)
    %dma_start3A_297 = arith.constant 1 : i32
    %dma_start3A_298 = arith.constant 2 : i32
    %dma_start3A_299 = arith.constant 1 : i32
    %dma_start3A_300 = arith.constant 256 : i32
    %dma_start3A_301 = arith.constant 0 : i32
    %dma_start3A_302 = tpu.memref_slice %arg6[%dma_start3A_299, %dma_start3A_300, %dma_start3A_301] : memref<2x2048x16xf32, #tpu.memory_space<vmem>> -> memref<1x128x16xf32, #tpu.memory_space<vmem>>
    %dma_start3A_303 = tpu.memref_squeeze %dma_start3A_302 : memref<1x128x16xf32, #tpu.memory_space<vmem>> -> memref<128x16xf32, #tpu.memory_space<vmem>>
    %dma_start3A_304 = arith.constant 0 : i32
    %dma_start3A_305 = tpu.memref_slice %arg5[%dma_start3A_297, %dma_start3A_298, %dma_start3A_304] : memref<2x16x128xi32, #tpu.memory_space<vmem>> -> memref<1x1x128xi32, #tpu.memory_space<vmem>>
    %dma_start3A_306 = tpu.memref_squeeze %dma_start3A_305 : memref<1x1x128xi32, #tpu.memory_space<vmem>> -> memref<128xi32, #tpu.memory_space<vmem>>
    %dma_start3A_307 = arith.constant 0 : i32
    %dma_start3A_308 = tpu.memref_slice %arg2[%mul3A_22, %dma_start3A_307] : memref<65536x16xf32, #tpu.memory_space<hbm>> -> memref<16384x16xf32, #tpu.memory_space<hbm>>
    %dma_start3A_309 = arith.constant 0 : i32
    %dma_start3A_310 = arith.constant 0 : i32
    %dma_start3A_311 = tpu.memref_slice %dma_start3A_308[%dma_start3A_309, %dma_start3A_310] : memref<16384x16xf32, #tpu.memory_space<hbm>> -> memref<16384x16xf32, #tpu.memory_space<hbm>>
    tpu.enqueue_indirect_dma source(%dma_start3A_311 : memref<16384x16xf32, #tpu.memory_space<hbm>>) target(%dma_start3A_303 : memref<128x16xf32, #tpu.memory_space<vmem>>) offsets(%dma_start3A_306 : memref<128xi32, #tpu.memory_space<vmem>>) semaphore(%arg9 : memref<!tpu.dma_semaphore, #tpu.memory_space<semaphore_mem>>)
    %dma_start3A_312 = arith.constant 1 : i32
    %dma_start3A_313 = arith.constant 3 : i32
    %dma_start3A_314 = arith.constant 1 : i32
    %dma_start3A_315 = arith.constant 384 : i32
    %dma_start3A_316 = arith.constant 0 : i32
    %dma_start3A_317 = tpu.memref_slice %arg6[%dma_start3A_314, %dma_start3A_315, %dma_start3A_316] : memref<2x2048x16xf32, #tpu.memory_space<vmem>> -> memref<1x128x16xf32, #tpu.memory_space<vmem>>
    %dma_start3A_318 = tpu.memref_squeeze %dma_start3A_317 : memref<1x128x16xf32, #tpu.memory_space<vmem>> -> memref<128x16xf32, #tpu.memory_space<vmem>>
    %dma_start3A_319 = arith.constant 0 : i32
    %dma_start3A_320 = tpu.memref_slice %arg5[%dma_start3A_312, %dma_start3A_313, %dma_start3A_319] : memref<2x16x128xi32, #tpu.memory_space<vmem>> -> memref<1x1x128xi32, #tpu.memory_space<vmem>>
    %dma_start3A_321 = tpu.memref_squeeze %dma_start3A_320 : memref<1x1x128xi32, #tpu.memory_space<vmem>> -> memref<128xi32, #tpu.memory_space<vmem>>
    %dma_start3A_322 = arith.constant 0 : i32
    %dma_start3A_323 = tpu.memref_slice %arg2[%mul3A_22, %dma_start3A_322] : memref<65536x16xf32, #tpu.memory_space<hbm>> -> memref<16384x16xf32, #tpu.memory_space<hbm>>
    %dma_start3A_324 = arith.constant 0 : i32
    %dma_start3A_325 = arith.constant 0 : i32
    %dma_start3A_326 = tpu.memref_slice %dma_start3A_323[%dma_start3A_324, %dma_start3A_325] : memref<16384x16xf32, #tpu.memory_space<hbm>> -> memref<16384x16xf32, #tpu.memory_space<hbm>>
    tpu.enqueue_indirect_dma source(%dma_start3A_326 : memref<16384x16xf32, #tpu.memory_space<hbm>>) target(%dma_start3A_318 : memref<128x16xf32, #tpu.memory_space<vmem>>) offsets(%dma_start3A_321 : memref<128xi32, #tpu.memory_space<vmem>>) semaphore(%arg9 : memref<!tpu.dma_semaphore, #tpu.memory_space<semaphore_mem>>)
    %dma_start3A_327 = arith.constant 1 : i32
    %dma_start3A_328 = arith.constant 4 : i32
    %dma_start3A_329 = arith.constant 1 : i32
    %dma_start3A_330 = arith.constant 512 : i32
    %dma_start3A_331 = arith.constant 0 : i32
    %dma_start3A_332 = tpu.memref_slice %arg6[%dma_start3A_329, %dma_start3A_330, %dma_start3A_331] : memref<2x2048x16xf32, #tpu.memory_space<vmem>> -> memref<1x128x16xf32, #tpu.memory_space<vmem>>
    %dma_start3A_333 = tpu.memref_squeeze %dma_start3A_332 : memref<1x128x16xf32, #tpu.memory_space<vmem>> -> memref<128x16xf32, #tpu.memory_space<vmem>>
    %dma_start3A_334 = arith.constant 0 : i32
    %dma_start3A_335 = tpu.memref_slice %arg5[%dma_start3A_327, %dma_start3A_328, %dma_start3A_334] : memref<2x16x128xi32, #tpu.memory_space<vmem>> -> memref<1x1x128xi32, #tpu.memory_space<vmem>>
    %dma_start3A_336 = tpu.memref_squeeze %dma_start3A_335 : memref<1x1x128xi32, #tpu.memory_space<vmem>> -> memref<128xi32, #tpu.memory_space<vmem>>
    %dma_start3A_337 = arith.constant 0 : i32
    %dma_start3A_338 = tpu.memref_slice %arg2[%mul3A_22, %dma_start3A_337] : memref<65536x16xf32, #tpu.memory_space<hbm>> -> memref<16384x16xf32, #tpu.memory_space<hbm>>
    %dma_start3A_339 = arith.constant 0 : i32
    %dma_start3A_340 = arith.constant 0 : i32
    %dma_start3A_341 = tpu.memref_slice %dma_start3A_338[%dma_start3A_339, %dma_start3A_340] : memref<16384x16xf32, #tpu.memory_space<hbm>> -> memref<16384x16xf32, #tpu.memory_space<hbm>>
    tpu.enqueue_indirect_dma source(%dma_start3A_341 : memref<16384x16xf32, #tpu.memory_space<hbm>>) target(%dma_start3A_333 : memref<128x16xf32, #tpu.memory_space<vmem>>) offsets(%dma_start3A_336 : memref<128xi32, #tpu.memory_space<vmem>>) semaphore(%arg9 : memref<!tpu.dma_semaphore, #tpu.memory_space<semaphore_mem>>)
    %dma_start3A_342 = arith.constant 1 : i32
    %dma_start3A_343 = arith.constant 5 : i32
    %dma_start3A_344 = arith.constant 1 : i32
    %dma_start3A_345 = arith.constant 640 : i32
    %dma_start3A_346 = arith.constant 0 : i32
    %dma_start3A_347 = tpu.memref_slice %arg6[%dma_start3A_344, %dma_start3A_345, %dma_start3A_346] : memref<2x2048x16xf32, #tpu.memory_space<vmem>> -> memref<1x128x16xf32, #tpu.memory_space<vmem>>
    %dma_start3A_348 = tpu.memref_squeeze %dma_start3A_347 : memref<1x128x16xf32, #tpu.memory_space<vmem>> -> memref<128x16xf32, #tpu.memory_space<vmem>>
    %dma_start3A_349 = arith.constant 0 : i32
    %dma_start3A_350 = tpu.memref_slice %arg5[%dma_start3A_342, %dma_start3A_343, %dma_start3A_349] : memref<2x16x128xi32, #tpu.memory_space<vmem>> -> memref<1x1x128xi32, #tpu.memory_space<vmem>>
    %dma_start3A_351 = tpu.memref_squeeze %dma_start3A_350 : memref<1x1x128xi32, #tpu.memory_space<vmem>> -> memref<128xi32, #tpu.memory_space<vmem>>
    %dma_start3A_352 = arith.constant 0 : i32
    %dma_start3A_353 = tpu.memref_slice %arg2[%mul3A_22, %dma_start3A_352] : memref<65536x16xf32, #tpu.memory_space<hbm>> -> memref<16384x16xf32, #tpu.memory_space<hbm>>
    %dma_start3A_354 = arith.constant 0 : i32
    %dma_start3A_355 = arith.constant 0 : i32
    %dma_start3A_356 = tpu.memref_slice %dma_start3A_353[%dma_start3A_354, %dma_start3A_355] : memref<16384x16xf32, #tpu.memory_space<hbm>> -> memref<16384x16xf32, #tpu.memory_space<hbm>>
    tpu.enqueue_indirect_dma source(%dma_start3A_356 : memref<16384x16xf32, #tpu.memory_space<hbm>>) target(%dma_start3A_348 : memref<128x16xf32, #tpu.memory_space<vmem>>) offsets(%dma_start3A_351 : memref<128xi32, #tpu.memory_space<vmem>>) semaphore(%arg9 : memref<!tpu.dma_semaphore, #tpu.memory_space<semaphore_mem>>)
    %dma_start3A_357 = arith.constant 1 : i32
    %dma_start3A_358 = arith.constant 6 : i32
    %dma_start3A_359 = arith.constant 1 : i32
    %dma_start3A_360 = arith.constant 768 : i32
    %dma_start3A_361 = arith.constant 0 : i32
    %dma_start3A_362 = tpu.memref_slice %arg6[%dma_start3A_359, %dma_start3A_360, %dma_start3A_361] : memref<2x2048x16xf32, #tpu.memory_space<vmem>> -> memref<1x128x16xf32, #tpu.memory_space<vmem>>
    %dma_start3A_363 = tpu.memref_squeeze %dma_start3A_362 : memref<1x128x16xf32, #tpu.memory_space<vmem>> -> memref<128x16xf32, #tpu.memory_space<vmem>>
    %dma_start3A_364 = arith.constant 0 : i32
    %dma_start3A_365 = tpu.memref_slice %arg5[%dma_start3A_357, %dma_start3A_358, %dma_start3A_364] : memref<2x16x128xi32, #tpu.memory_space<vmem>> -> memref<1x1x128xi32, #tpu.memory_space<vmem>>
    %dma_start3A_366 = tpu.memref_squeeze %dma_start3A_365 : memref<1x1x128xi32, #tpu.memory_space<vmem>> -> memref<128xi32, #tpu.memory_space<vmem>>
    %dma_start3A_367 = arith.constant 0 : i32
    %dma_start3A_368 = tpu.memref_slice %arg2[%mul3A_22, %dma_start3A_367] : memref<65536x16xf32, #tpu.memory_space<hbm>> -> memref<16384x16xf32, #tpu.memory_space<hbm>>
    %dma_start3A_369 = arith.constant 0 : i32
    %dma_start3A_370 = arith.constant 0 : i32
    %dma_start3A_371 = tpu.memref_slice %dma_start3A_368[%dma_start3A_369, %dma_start3A_370] : memref<16384x16xf32, #tpu.memory_space<hbm>> -> memref<16384x16xf32, #tpu.memory_space<hbm>>
    tpu.enqueue_indirect_dma source(%dma_start3A_371 : memref<16384x16xf32, #tpu.memory_space<hbm>>) target(%dma_start3A_363 : memref<128x16xf32, #tpu.memory_space<vmem>>) offsets(%dma_start3A_366 : memref<128xi32, #tpu.memory_space<vmem>>) semaphore(%arg9 : memref<!tpu.dma_semaphore, #tpu.memory_space<semaphore_mem>>)
    %dma_start3A_372 = arith.constant 1 : i32
    %dma_start3A_373 = arith.constant 7 : i32
    %dma_start3A_374 = arith.constant 1 : i32
    %dma_start3A_375 = arith.constant 896 : i32
    %dma_start3A_376 = arith.constant 0 : i32
    %dma_start3A_377 = tpu.memref_slice %arg6[%dma_start3A_374, %dma_start3A_375, %dma_start3A_376] : memref<2x2048x16xf32, #tpu.memory_space<vmem>> -> memref<1x128x16xf32, #tpu.memory_space<vmem>>
    %dma_start3A_378 = tpu.memref_squeeze %dma_start3A_377 : memref<1x128x16xf32, #tpu.memory_space<vmem>> -> memref<128x16xf32, #tpu.memory_space<vmem>>
    %dma_start3A_379 = arith.constant 0 : i32
    %dma_start3A_380 = tpu.memref_slice %arg5[%dma_start3A_372, %dma_start3A_373, %dma_start3A_379] : memref<2x16x128xi32, #tpu.memory_space<vmem>> -> memref<1x1x128xi32, #tpu.memory_space<vmem>>
    %dma_start3A_381 = tpu.memref_squeeze %dma_start3A_380 : memref<1x1x128xi32, #tpu.memory_space<vmem>> -> memref<128xi32, #tpu.memory_space<vmem>>
    %dma_start3A_382 = arith.constant 0 : i32
    %dma_start3A_383 = tpu.memref_slice %arg2[%mul3A_22, %dma_start3A_382] : memref<65536x16xf32, #tpu.memory_space<hbm>> -> memref<16384x16xf32, #tpu.memory_space<hbm>>
    %dma_start3A_384 = arith.constant 0 : i32
    %dma_start3A_385 = arith.constant 0 : i32
    %dma_start3A_386 = tpu.memref_slice %dma_start3A_383[%dma_start3A_384, %dma_start3A_385] : memref<16384x16xf32, #tpu.memory_space<hbm>> -> memref<16384x16xf32, #tpu.memory_space<hbm>>
    tpu.enqueue_indirect_dma source(%dma_start3A_386 : memref<16384x16xf32, #tpu.memory_space<hbm>>) target(%dma_start3A_378 : memref<128x16xf32, #tpu.memory_space<vmem>>) offsets(%dma_start3A_381 : memref<128xi32, #tpu.memory_space<vmem>>) semaphore(%arg9 : memref<!tpu.dma_semaphore, #tpu.memory_space<semaphore_mem>>)
    %dma_start3A_387 = arith.constant 1 : i32
    %dma_start3A_388 = arith.constant 8 : i32
    %dma_start3A_389 = arith.constant 1 : i32
    %dma_start3A_390 = arith.constant 1024 : i32
    %dma_start3A_391 = arith.constant 0 : i32
    %dma_start3A_392 = tpu.memref_slice %arg6[%dma_start3A_389, %dma_start3A_390, %dma_start3A_391] : memref<2x2048x16xf32, #tpu.memory_space<vmem>> -> memref<1x128x16xf32, #tpu.memory_space<vmem>>
    %dma_start3A_393 = tpu.memref_squeeze %dma_start3A_392 : memref<1x128x16xf32, #tpu.memory_space<vmem>> -> memref<128x16xf32, #tpu.memory_space<vmem>>
    %dma_start3A_394 = arith.constant 0 : i32
    %dma_start3A_395 = tpu.memref_slice %arg5[%dma_start3A_387, %dma_start3A_388, %dma_start3A_394] : memref<2x16x128xi32, #tpu.memory_space<vmem>> -> memref<1x1x128xi32, #tpu.memory_space<vmem>>
    %dma_start3A_396 = tpu.memref_squeeze %dma_start3A_395 : memref<1x1x128xi32, #tpu.memory_space<vmem>> -> memref<128xi32, #tpu.memory_space<vmem>>
    %dma_start3A_397 = arith.constant 0 : i32
    %dma_start3A_398 = tpu.memref_slice %arg2[%mul3A_22, %dma_start3A_397] : memref<65536x16xf32, #tpu.memory_space<hbm>> -> memref<16384x16xf32, #tpu.memory_space<hbm>>
    %dma_start3A_399 = arith.constant 0 : i32
    %dma_start3A_400 = arith.constant 0 : i32
    %dma_start3A_401 = tpu.memref_slice %dma_start3A_398[%dma_start3A_399, %dma_start3A_400] : memref<16384x16xf32, #tpu.memory_space<hbm>> -> memref<16384x16xf32, #tpu.memory_space<hbm>>
    tpu.enqueue_indirect_dma source(%dma_start3A_401 : memref<16384x16xf32, #tpu.memory_space<hbm>>) target(%dma_start3A_393 : memref<128x16xf32, #tpu.memory_space<vmem>>) offsets(%dma_start3A_396 : memref<128xi32, #tpu.memory_space<vmem>>) semaphore(%arg9 : memref<!tpu.dma_semaphore, #tpu.memory_space<semaphore_mem>>)
    %dma_start3A_402 = arith.constant 1 : i32
    %dma_start3A_403 = arith.constant 9 : i32
    %dma_start3A_404 = arith.constant 1 : i32
    %dma_start3A_405 = arith.constant 1152 : i32
    %dma_start3A_406 = arith.constant 0 : i32
    %dma_start3A_407 = tpu.memref_slice %arg6[%dma_start3A_404, %dma_start3A_405, %dma_start3A_406] : memref<2x2048x16xf32, #tpu.memory_space<vmem>> -> memref<1x128x16xf32, #tpu.memory_space<vmem>>
    %dma_start3A_408 = tpu.memref_squeeze %dma_start3A_407 : memref<1x128x16xf32, #tpu.memory_space<vmem>> -> memref<128x16xf32, #tpu.memory_space<vmem>>
    %dma_start3A_409 = arith.constant 0 : i32
    %dma_start3A_410 = tpu.memref_slice %arg5[%dma_start3A_402, %dma_start3A_403, %dma_start3A_409] : memref<2x16x128xi32, #tpu.memory_space<vmem>> -> memref<1x1x128xi32, #tpu.memory_space<vmem>>
    %dma_start3A_411 = tpu.memref_squeeze %dma_start3A_410 : memref<1x1x128xi32, #tpu.memory_space<vmem>> -> memref<128xi32, #tpu.memory_space<vmem>>
    %dma_start3A_412 = arith.constant 0 : i32
    %dma_start3A_413 = tpu.memref_slice %arg2[%mul3A_22, %dma_start3A_412] : memref<65536x16xf32, #tpu.memory_space<hbm>> -> memref<16384x16xf32, #tpu.memory_space<hbm>>
    %dma_start3A_414 = arith.constant 0 : i32
    %dma_start3A_415 = arith.constant 0 : i32
    %dma_start3A_416 = tpu.memref_slice %dma_start3A_413[%dma_start3A_414, %dma_start3A_415] : memref<16384x16xf32, #tpu.memory_space<hbm>> -> memref<16384x16xf32, #tpu.memory_space<hbm>>
    tpu.enqueue_indirect_dma source(%dma_start3A_416 : memref<16384x16xf32, #tpu.memory_space<hbm>>) target(%dma_start3A_408 : memref<128x16xf32, #tpu.memory_space<vmem>>) offsets(%dma_start3A_411 : memref<128xi32, #tpu.memory_space<vmem>>) semaphore(%arg9 : memref<!tpu.dma_semaphore, #tpu.memory_space<semaphore_mem>>)
    %dma_start3A_417 = arith.constant 1 : i32
    %dma_start3A_418 = arith.constant 10 : i32
    %dma_start3A_419 = arith.constant 1 : i32
    %dma_start3A_420 = arith.constant 1280 : i32
    %dma_start3A_421 = arith.constant 0 : i32
    %dma_start3A_422 = tpu.memref_slice %arg6[%dma_start3A_419, %dma_start3A_420, %dma_start3A_421] : memref<2x2048x16xf32, #tpu.memory_space<vmem>> -> memref<1x128x16xf32, #tpu.memory_space<vmem>>
    %dma_start3A_423 = tpu.memref_squeeze %dma_start3A_422 : memref<1x128x16xf32, #tpu.memory_space<vmem>> -> memref<128x16xf32, #tpu.memory_space<vmem>>
    %dma_start3A_424 = arith.constant 0 : i32
    %dma_start3A_425 = tpu.memref_slice %arg5[%dma_start3A_417, %dma_start3A_418, %dma_start3A_424] : memref<2x16x128xi32, #tpu.memory_space<vmem>> -> memref<1x1x128xi32, #tpu.memory_space<vmem>>
    %dma_start3A_426 = tpu.memref_squeeze %dma_start3A_425 : memref<1x1x128xi32, #tpu.memory_space<vmem>> -> memref<128xi32, #tpu.memory_space<vmem>>
    %dma_start3A_427 = arith.constant 0 : i32
    %dma_start3A_428 = tpu.memref_slice %arg2[%mul3A_22, %dma_start3A_427] : memref<65536x16xf32, #tpu.memory_space<hbm>> -> memref<16384x16xf32, #tpu.memory_space<hbm>>
    %dma_start3A_429 = arith.constant 0 : i32
    %dma_start3A_430 = arith.constant 0 : i32
    %dma_start3A_431 = tpu.memref_slice %dma_start3A_428[%dma_start3A_429, %dma_start3A_430] : memref<16384x16xf32, #tpu.memory_space<hbm>> -> memref<16384x16xf32, #tpu.memory_space<hbm>>
    tpu.enqueue_indirect_dma source(%dma_start3A_431 : memref<16384x16xf32, #tpu.memory_space<hbm>>) target(%dma_start3A_423 : memref<128x16xf32, #tpu.memory_space<vmem>>) offsets(%dma_start3A_426 : memref<128xi32, #tpu.memory_space<vmem>>) semaphore(%arg9 : memref<!tpu.dma_semaphore, #tpu.memory_space<semaphore_mem>>)
    %dma_start3A_432 = arith.constant 1 : i32
    %dma_start3A_433 = arith.constant 11 : i32
    %dma_start3A_434 = arith.constant 1 : i32
    %dma_start3A_435 = arith.constant 1408 : i32
    %dma_start3A_436 = arith.constant 0 : i32
    %dma_start3A_437 = tpu.memref_slice %arg6[%dma_start3A_434, %dma_start3A_435, %dma_start3A_436] : memref<2x2048x16xf32, #tpu.memory_space<vmem>> -> memref<1x128x16xf32, #tpu.memory_space<vmem>>
    %dma_start3A_438 = tpu.memref_squeeze %dma_start3A_437 : memref<1x128x16xf32, #tpu.memory_space<vmem>> -> memref<128x16xf32, #tpu.memory_space<vmem>>
    %dma_start3A_439 = arith.constant 0 : i32
    %dma_start3A_440 = tpu.memref_slice %arg5[%dma_start3A_432, %dma_start3A_433, %dma_start3A_439] : memref<2x16x128xi32, #tpu.memory_space<vmem>> -> memref<1x1x128xi32, #tpu.memory_space<vmem>>
    %dma_start3A_441 = tpu.memref_squeeze %dma_start3A_440 : memref<1x1x128xi32, #tpu.memory_space<vmem>> -> memref<128xi32, #tpu.memory_space<vmem>>
    %dma_start3A_442 = arith.constant 0 : i32
    %dma_start3A_443 = tpu.memref_slice %arg2[%mul3A_22, %dma_start3A_442] : memref<65536x16xf32, #tpu.memory_space<hbm>> -> memref<16384x16xf32, #tpu.memory_space<hbm>>
    %dma_start3A_444 = arith.constant 0 : i32
    %dma_start3A_445 = arith.constant 0 : i32
    %dma_start3A_446 = tpu.memref_slice %dma_start3A_443[%dma_start3A_444, %dma_start3A_445] : memref<16384x16xf32, #tpu.memory_space<hbm>> -> memref<16384x16xf32, #tpu.memory_space<hbm>>
    tpu.enqueue_indirect_dma source(%dma_start3A_446 : memref<16384x16xf32, #tpu.memory_space<hbm>>) target(%dma_start3A_438 : memref<128x16xf32, #tpu.memory_space<vmem>>) offsets(%dma_start3A_441 : memref<128xi32, #tpu.memory_space<vmem>>) semaphore(%arg9 : memref<!tpu.dma_semaphore, #tpu.memory_space<semaphore_mem>>)
    %dma_start3A_447 = arith.constant 1 : i32
    %dma_start3A_448 = arith.constant 12 : i32
    %dma_start3A_449 = arith.constant 1 : i32
    %dma_start3A_450 = arith.constant 1536 : i32
    %dma_start3A_451 = arith.constant 0 : i32
    %dma_start3A_452 = tpu.memref_slice %arg6[%dma_start3A_449, %dma_start3A_450, %dma_start3A_451] : memref<2x2048x16xf32, #tpu.memory_space<vmem>> -> memref<1x128x16xf32, #tpu.memory_space<vmem>>
    %dma_start3A_453 = tpu.memref_squeeze %dma_start3A_452 : memref<1x128x16xf32, #tpu.memory_space<vmem>> -> memref<128x16xf32, #tpu.memory_space<vmem>>
    %dma_start3A_454 = arith.constant 0 : i32
    %dma_start3A_455 = tpu.memref_slice %arg5[%dma_start3A_447, %dma_start3A_448, %dma_start3A_454] : memref<2x16x128xi32, #tpu.memory_space<vmem>> -> memref<1x1x128xi32, #tpu.memory_space<vmem>>
    %dma_start3A_456 = tpu.memref_squeeze %dma_start3A_455 : memref<1x1x128xi32, #tpu.memory_space<vmem>> -> memref<128xi32, #tpu.memory_space<vmem>>
    %dma_start3A_457 = arith.constant 0 : i32
    %dma_start3A_458 = tpu.memref_slice %arg2[%mul3A_22, %dma_start3A_457] : memref<65536x16xf32, #tpu.memory_space<hbm>> -> memref<16384x16xf32, #tpu.memory_space<hbm>>
    %dma_start3A_459 = arith.constant 0 : i32
    %dma_start3A_460 = arith.constant 0 : i32
    %dma_start3A_461 = tpu.memref_slice %dma_start3A_458[%dma_start3A_459, %dma_start3A_460] : memref<16384x16xf32, #tpu.memory_space<hbm>> -> memref<16384x16xf32, #tpu.memory_space<hbm>>
    tpu.enqueue_indirect_dma source(%dma_start3A_461 : memref<16384x16xf32, #tpu.memory_space<hbm>>) target(%dma_start3A_453 : memref<128x16xf32, #tpu.memory_space<vmem>>) offsets(%dma_start3A_456 : memref<128xi32, #tpu.memory_space<vmem>>) semaphore(%arg9 : memref<!tpu.dma_semaphore, #tpu.memory_space<semaphore_mem>>)
    %dma_start3A_462 = arith.constant 1 : i32
    %dma_start3A_463 = arith.constant 13 : i32
    %dma_start3A_464 = arith.constant 1 : i32
    %dma_start3A_465 = arith.constant 1664 : i32
    %dma_start3A_466 = arith.constant 0 : i32
    %dma_start3A_467 = tpu.memref_slice %arg6[%dma_start3A_464, %dma_start3A_465, %dma_start3A_466] : memref<2x2048x16xf32, #tpu.memory_space<vmem>> -> memref<1x128x16xf32, #tpu.memory_space<vmem>>
    %dma_start3A_468 = tpu.memref_squeeze %dma_start3A_467 : memref<1x128x16xf32, #tpu.memory_space<vmem>> -> memref<128x16xf32, #tpu.memory_space<vmem>>
    %dma_start3A_469 = arith.constant 0 : i32
    %dma_start3A_470 = tpu.memref_slice %arg5[%dma_start3A_462, %dma_start3A_463, %dma_start3A_469] : memref<2x16x128xi32, #tpu.memory_space<vmem>> -> memref<1x1x128xi32, #tpu.memory_space<vmem>>
    %dma_start3A_471 = tpu.memref_squeeze %dma_start3A_470 : memref<1x1x128xi32, #tpu.memory_space<vmem>> -> memref<128xi32, #tpu.memory_space<vmem>>
    %dma_start3A_472 = arith.constant 0 : i32
    %dma_start3A_473 = tpu.memref_slice %arg2[%mul3A_22, %dma_start3A_472] : memref<65536x16xf32, #tpu.memory_space<hbm>> -> memref<16384x16xf32, #tpu.memory_space<hbm>>
    %dma_start3A_474 = arith.constant 0 : i32
    %dma_start3A_475 = arith.constant 0 : i32
    %dma_start3A_476 = tpu.memref_slice %dma_start3A_473[%dma_start3A_474, %dma_start3A_475] : memref<16384x16xf32, #tpu.memory_space<hbm>> -> memref<16384x16xf32, #tpu.memory_space<hbm>>
    tpu.enqueue_indirect_dma source(%dma_start3A_476 : memref<16384x16xf32, #tpu.memory_space<hbm>>) target(%dma_start3A_468 : memref<128x16xf32, #tpu.memory_space<vmem>>) offsets(%dma_start3A_471 : memref<128xi32, #tpu.memory_space<vmem>>) semaphore(%arg9 : memref<!tpu.dma_semaphore, #tpu.memory_space<semaphore_mem>>)
    %dma_start3A_477 = arith.constant 1 : i32
    %dma_start3A_478 = arith.constant 14 : i32
    %dma_start3A_479 = arith.constant 1 : i32
    %dma_start3A_480 = arith.constant 1792 : i32
    %dma_start3A_481 = arith.constant 0 : i32
    %dma_start3A_482 = tpu.memref_slice %arg6[%dma_start3A_479, %dma_start3A_480, %dma_start3A_481] : memref<2x2048x16xf32, #tpu.memory_space<vmem>> -> memref<1x128x16xf32, #tpu.memory_space<vmem>>
    %dma_start3A_483 = tpu.memref_squeeze %dma_start3A_482 : memref<1x128x16xf32, #tpu.memory_space<vmem>> -> memref<128x16xf32, #tpu.memory_space<vmem>>
    %dma_start3A_484 = arith.constant 0 : i32
    %dma_start3A_485 = tpu.memref_slice %arg5[%dma_start3A_477, %dma_start3A_478, %dma_start3A_484] : memref<2x16x128xi32, #tpu.memory_space<vmem>> -> memref<1x1x128xi32, #tpu.memory_space<vmem>>
    %dma_start3A_486 = tpu.memref_squeeze %dma_start3A_485 : memref<1x1x128xi32, #tpu.memory_space<vmem>> -> memref<128xi32, #tpu.memory_space<vmem>>
    %dma_start3A_487 = arith.constant 0 : i32
    %dma_start3A_488 = tpu.memref_slice %arg2[%mul3A_22, %dma_start3A_487] : memref<65536x16xf32, #tpu.memory_space<hbm>> -> memref<16384x16xf32, #tpu.memory_space<hbm>>
    %dma_start3A_489 = arith.constant 0 : i32
    %dma_start3A_490 = arith.constant 0 : i32
    %dma_start3A_491 = tpu.memref_slice %dma_start3A_488[%dma_start3A_489, %dma_start3A_490] : memref<16384x16xf32, #tpu.memory_space<hbm>> -> memref<16384x16xf32, #tpu.memory_space<hbm>>
    tpu.enqueue_indirect_dma source(%dma_start3A_491 : memref<16384x16xf32, #tpu.memory_space<hbm>>) target(%dma_start3A_483 : memref<128x16xf32, #tpu.memory_space<vmem>>) offsets(%dma_start3A_486 : memref<128xi32, #tpu.memory_space<vmem>>) semaphore(%arg9 : memref<!tpu.dma_semaphore, #tpu.memory_space<semaphore_mem>>)
    %dma_start3A_492 = arith.constant 1 : i32
    %dma_start3A_493 = arith.constant 15 : i32
    %dma_start3A_494 = arith.constant 1 : i32
    %dma_start3A_495 = arith.constant 1920 : i32
    %dma_start3A_496 = arith.constant 0 : i32
    %dma_start3A_497 = tpu.memref_slice %arg6[%dma_start3A_494, %dma_start3A_495, %dma_start3A_496] : memref<2x2048x16xf32, #tpu.memory_space<vmem>> -> memref<1x128x16xf32, #tpu.memory_space<vmem>>
    %dma_start3A_498 = tpu.memref_squeeze %dma_start3A_497 : memref<1x128x16xf32, #tpu.memory_space<vmem>> -> memref<128x16xf32, #tpu.memory_space<vmem>>
    %dma_start3A_499 = arith.constant 0 : i32
    %dma_start3A_500 = tpu.memref_slice %arg5[%dma_start3A_492, %dma_start3A_493, %dma_start3A_499] : memref<2x16x128xi32, #tpu.memory_space<vmem>> -> memref<1x1x128xi32, #tpu.memory_space<vmem>>
    %dma_start3A_501 = tpu.memref_squeeze %dma_start3A_500 : memref<1x1x128xi32, #tpu.memory_space<vmem>> -> memref<128xi32, #tpu.memory_space<vmem>>
    %dma_start3A_502 = arith.constant 0 : i32
    %dma_start3A_503 = tpu.memref_slice %arg2[%mul3A_22, %dma_start3A_502] : memref<65536x16xf32, #tpu.memory_space<hbm>> -> memref<16384x16xf32, #tpu.memory_space<hbm>>
    %dma_start3A_504 = arith.constant 0 : i32
    %dma_start3A_505 = arith.constant 0 : i32
    %dma_start3A_506 = tpu.memref_slice %dma_start3A_503[%dma_start3A_504, %dma_start3A_505] : memref<16384x16xf32, #tpu.memory_space<hbm>> -> memref<16384x16xf32, #tpu.memory_space<hbm>>
    tpu.enqueue_indirect_dma source(%dma_start3A_506 : memref<16384x16xf32, #tpu.memory_space<hbm>>) target(%dma_start3A_498 : memref<128x16xf32, #tpu.memory_space<vmem>>) offsets(%dma_start3A_501 : memref<128xi32, #tpu.memory_space<vmem>>) semaphore(%arg9 : memref<!tpu.dma_semaphore, #tpu.memory_space<semaphore_mem>>)
    %scan3A = arith.constant 0 : i32
    %scan3A_507 = arith.constant 0 : i32
    %scan3A_508 = arith.constant 16 : i32
    %scan3A_509 = arith.addi %scan3A_507, %scan3A_508 : i32
    %scan3A_510 = arith.constant 1 : i32
    scf.for %scan3A_512 = %scan3A_507 to %scan3A_509 step %scan3A_510  : i32 {
      %dma_wait3A = arith.constant 0 : i32
      %dma_wait3A_513 = arith.constant 0 : i32
      %dma_wait3A_514 = arith.constant 0 : i32
      %dma_wait3A_515 = tpu.memref_slice %arg6[%dma_wait3A, %dma_wait3A_513, %dma_wait3A_514] : memref<2x2048x16xf32, #tpu.memory_space<vmem>> -> memref<1x2048x16xf32, #tpu.memory_space<vmem>>
      %dma_wait3A_516 = tpu.memref_squeeze %dma_wait3A_515 : memref<1x2048x16xf32, #tpu.memory_space<vmem>> -> memref<2048x16xf32, #tpu.memory_space<vmem>>
      %dma_wait3A_517 = arith.constant 0 : i32
      %dma_wait3A_518 = arith.constant 0 : i32
      %dma_wait3A_519 = tpu.memref_slice %arg2[%dma_wait3A_517, %dma_wait3A_518] : memref<65536x16xf32, #tpu.memory_space<hbm>> -> memref<2048x16xf32, #tpu.memory_space<hbm>>
      %dma_wait3A_520 = arith.constant 0 : i32
      %dma_wait3A_521 = arith.constant 0 : i32
      %dma_wait3A_522 = tpu.memref_slice %arg6[%dma_wait3A, %dma_wait3A_520, %dma_wait3A_521] : memref<2x2048x16xf32, #tpu.memory_space<vmem>> -> memref<1x2048x16xf32, #tpu.memory_space<vmem>>
      %dma_wait3A_523 = tpu.memref_squeeze %dma_wait3A_522 : memref<1x2048x16xf32, #tpu.memory_space<vmem>> -> memref<2048x16xf32, #tpu.memory_space<vmem>>
      %dma_wait3A_524 = arith.constant 0 : i32
      %dma_wait3A_525 = arith.constant 0 : i32
      %dma_wait3A_526 = tpu.memref_slice %arg2[%dma_wait3A_524, %dma_wait3A_525] : memref<65536x16xf32, #tpu.memory_space<hbm>> -> memref<2048x16xf32, #tpu.memory_space<hbm>>
      tpu.wait_dma2 semaphore(%arg8 : memref<!tpu.dma_semaphore, #tpu.memory_space<semaphore_mem>>) src(%dma_wait3A_526 : memref<2048x16xf32, #tpu.memory_space<hbm>>) dst(%dma_wait3A_523 : memref<2048x16xf32, #tpu.memory_space<vmem>>)
      %mul3A_527 = arith.constant 2 : i32
      %mul3A_528 = arith.muli %mul3A_527, %scan3A_512 : i32
      %scan3A_529 = arith.constant 0 : i32
      %scan3A_530 = arith.constant 0 : i32
      %scan3A_531 = arith.constant 64 : i32
      %scan3A_532 = arith.addi %scan3A_530, %scan3A_531 : i32
      %scan3A_533 = arith.constant 2 : i32
      scf.for %scan3A_575 = %scan3A_530 to %scan3A_532 step %scan3A_533  : i32 {
        %mul3A_576 = arith.constant 32 : i32
        %mul3A_577 = arith.muli %scan3A_575, %mul3A_576 : i32
        %get3A = arith.constant 0 : i32
        %get3A_578 = arith.index_cast %get3A : i32 to index
        %get3A_579 = arith.index_cast %mul3A_577 : i32 to index
        %get3A_580 = arith.constant 0 : index
        %get3A_581 = tpu.vector_load %arg6[%get3A_578, %get3A_579, %get3A_580] {strides = array<i32>} : memref<2x2048x16xf32, #tpu.memory_space<vmem>>, vector<1x1x16xf32>,
        %get3A_582 = vector.shape_cast %get3A_581 : vector<1x1x16xf32> to vector<16xf32>
        %add3A_583 = arith.constant 1 : i32
        %add3A_584 = arith.addi %mul3A_577, %add3A_583 : i32
        %get3A_585 = arith.constant 0 : i32
        %get3A_586 = arith.index_cast %get3A_585 : i32 to index
        %get3A_587 = arith.index_cast %add3A_584 : i32 to index
        %get3A_588 = arith.constant 0 : index
        %get3A_589 = tpu.vector_load %arg6[%get3A_586, %get3A_587, %get3A_588] {strides = array<i32>} : memref<2x2048x16xf32, #tpu.memory_space<vmem>>, vector<1x1x16xf32>,
        %get3A_590 = vector.shape_cast %get3A_589 : vector<1x1x16xf32> to vector<16xf32>
        %max3A = arith.maximumf %get3A_582, %get3A_590 : vector<16xf32>
        %add3A_591 = arith.constant 2 : i32
        %add3A_592 = arith.addi %mul3A_577, %add3A_591 : i32
        %get3A_593 = arith.constant 0 : i32
        %get3A_594 = arith.index_cast %get3A_593 : i32 to index
        %get3A_595 = arith.index_cast %add3A_592 : i32 to index
        %get3A_596 = arith.constant 0 : index
        %get3A_597 = tpu.vector_load %arg6[%get3A_594, %get3A_595, %get3A_596] {strides = array<i32>} : memref<2x2048x16xf32, #tpu.memory_space<vmem>>, vector<1x1x16xf32>,
        %get3A_598 = vector.shape_cast %get3A_597 : vector<1x1x16xf32> to vector<16xf32>
        %max3A_599 = arith.maximumf %max3A, %get3A_598 : vector<16xf32>
        %add3A_600 = arith.constant 3 : i32
        %add3A_601 = arith.addi %mul3A_577, %add3A_600 : i32
        %get3A_602 = arith.constant 0 : i32
        %get3A_603 = arith.index_cast %get3A_602 : i32 to index
        %get3A_604 = arith.index_cast %add3A_601 : i32 to index
        %get3A_605 = arith.constant 0 : index
        %get3A_606 = tpu.vector_load %arg6[%get3A_603, %get3A_604, %get3A_605] {strides = array<i32>} : memref<2x2048x16xf32, #tpu.memory_space<vmem>>, vector<1x1x16xf32>,
        %get3A_607 = vector.shape_cast %get3A_606 : vector<1x1x16xf32> to vector<16xf32>
        %max3A_608 = arith.maximumf %max3A_599, %get3A_607 : vector<16xf32>
        %add3A_609 = arith.constant 4 : i32
        %add3A_610 = arith.addi %mul3A_577, %add3A_609 : i32
        %get3A_611 = arith.constant 0 : i32
        %get3A_612 = arith.index_cast %get3A_611 : i32 to index
        %get3A_613 = arith.index_cast %add3A_610 : i32 to index
        %get3A_614 = arith.constant 0 : index
        %get3A_615 = tpu.vector_load %arg6[%get3A_612, %get3A_613, %get3A_614] {strides = array<i32>} : memref<2x2048x16xf32, #tpu.memory_space<vmem>>, vector<1x1x16xf32>,
        %get3A_616 = vector.shape_cast %get3A_615 : vector<1x1x16xf32> to vector<16xf32>
        %max3A_617 = arith.maximumf %max3A_608, %get3A_616 : vector<16xf32>
        %add3A_618 = arith.constant 5 : i32
        %add3A_619 = arith.addi %mul3A_577, %add3A_618 : i32
        %get3A_620 = arith.constant 0 : i32
        %get3A_621 = arith.index_cast %get3A_620 : i32 to index
        %get3A_622 = arith.index_cast %add3A_619 : i32 to index
        %get3A_623 = arith.constant 0 : index
        %get3A_624 = tpu.vector_load %arg6[%get3A_621, %get3A_622, %get3A_623] {strides = array<i32>} : memref<2x2048x16xf32, #tpu.memory_space<vmem>>, vector<1x1x16xf32>,
        %get3A_625 = vector.shape_cast %get3A_624 : vector<1x1x16xf32> to vector<16xf32>
        %max3A_626 = arith.maximumf %max3A_617, %get3A_625 : vector<16xf32>
        %add3A_627 = arith.constant 6 : i32
        %add3A_628 = arith.addi %mul3A_577, %add3A_627 : i32
        %get3A_629 = arith.constant 0 : i32
        %get3A_630 = arith.index_cast %get3A_629 : i32 to index
        %get3A_631 = arith.index_cast %add3A_628 : i32 to index
        %get3A_632 = arith.constant 0 : index
        %get3A_633 = tpu.vector_load %arg6[%get3A_630, %get3A_631, %get3A_632] {strides = array<i32>} : memref<2x2048x16xf32, #tpu.memory_space<vmem>>, vector<1x1x16xf32>,
        %get3A_634 = vector.shape_cast %get3A_633 : vector<1x1x16xf32> to vector<16xf32>
        %max3A_635 = arith.maximumf %max3A_626, %get3A_634 : vector<16xf32>
        %add3A_636 = arith.constant 7 : i32
        %add3A_637 = arith.addi %mul3A_577, %add3A_636 : i32
        %get3A_638 = arith.constant 0 : i32
        %get3A_639 = arith.index_cast %get3A_638 : i32 to index
        %get3A_640 = arith.index_cast %add3A_637 : i32 to index
        %get3A_641 = arith.constant 0 : index
        %get3A_642 = tpu.vector_load %arg6[%get3A_639, %get3A_640, %get3A_641] {strides = array<i32>} : memref<2x2048x16xf32, #tpu.memory_space<vmem>>, vector<1x1x16xf32>,
        %get3A_643 = vector.shape_cast %get3A_642 : vector<1x1x16xf32> to vector<16xf32>
        %max3A_644 = arith.maximumf %max3A_635, %get3A_643 : vector<16xf32>
        %add3A_645 = arith.constant 8 : i32
        %add3A_646 = arith.addi %mul3A_577, %add3A_645 : i32
        %get3A_647 = arith.constant 0 : i32
        %get3A_648 = arith.index_cast %get3A_647 : i32 to index
        %get3A_649 = arith.index_cast %add3A_646 : i32 to index
        %get3A_650 = arith.constant 0 : index
        %get3A_651 = tpu.vector_load %arg6[%get3A_648, %get3A_649, %get3A_650] {strides = array<i32>} : memref<2x2048x16xf32, #tpu.memory_space<vmem>>, vector<1x1x16xf32>,
        %get3A_652 = vector.shape_cast %get3A_651 : vector<1x1x16xf32> to vector<16xf32>
        %max3A_653 = arith.maximumf %max3A_644, %get3A_652 : vector<16xf32>
        %add3A_654 = arith.constant 9 : i32
        %add3A_655 = arith.addi %mul3A_577, %add3A_654 : i32
        %get3A_656 = arith.constant 0 : i32
        %get3A_657 = arith.index_cast %get3A_656 : i32 to index
        %get3A_658 = arith.index_cast %add3A_655 : i32 to index
        %get3A_659 = arith.constant 0 : index
        %get3A_660 = tpu.vector_load %arg6[%get3A_657, %get3A_658, %get3A_659] {strides = array<i32>} : memref<2x2048x16xf32, #tpu.memory_space<vmem>>, vector<1x1x16xf32>,
        %get3A_661 = vector.shape_cast %get3A_660 : vector<1x1x16xf32> to vector<16xf32>
        %max3A_662 = arith.maximumf %max3A_653, %get3A_661 : vector<16xf32>
        %add3A_663 = arith.constant 10 : i32
        %add3A_664 = arith.addi %mul3A_577, %add3A_663 : i32
        %get3A_665 = arith.constant 0 : i32
        %get3A_666 = arith.index_cast %get3A_665 : i32 to index
        %get3A_667 = arith.index_cast %add3A_664 : i32 to index
        %get3A_668 = arith.constant 0 : index
        %get3A_669 = tpu.vector_load %arg6[%get3A_666, %get3A_667, %get3A_668] {strides = array<i32>} : memref<2x2048x16xf32, #tpu.memory_space<vmem>>, vector<1x1x16xf32>,
        %get3A_670 = vector.shape_cast %get3A_669 : vector<1x1x16xf32> to vector<16xf32>
        %max3A_671 = arith.maximumf %max3A_662, %get3A_670 : vector<16xf32>
        %add3A_672 = arith.constant 11 : i32
        %add3A_673 = arith.addi %mul3A_577, %add3A_672 : i32
        %get3A_674 = arith.constant 0 : i32
        %get3A_675 = arith.index_cast %get3A_674 : i32 to index
        %get3A_676 = arith.index_cast %add3A_673 : i32 to index
        %get3A_677 = arith.constant 0 : index
        %get3A_678 = tpu.vector_load %arg6[%get3A_675, %get3A_676, %get3A_677] {strides = array<i32>} : memref<2x2048x16xf32, #tpu.memory_space<vmem>>, vector<1x1x16xf32>,
        %get3A_679 = vector.shape_cast %get3A_678 : vector<1x1x16xf32> to vector<16xf32>
        %max3A_680 = arith.maximumf %max3A_671, %get3A_679 : vector<16xf32>
        %add3A_681 = arith.constant 12 : i32
        %add3A_682 = arith.addi %mul3A_577, %add3A_681 : i32
        %get3A_683 = arith.constant 0 : i32
        %get3A_684 = arith.index_cast %get3A_683 : i32 to index
        %get3A_685 = arith.index_cast %add3A_682 : i32 to index
        %get3A_686 = arith.constant 0 : index
        %get3A_687 = tpu.vector_load %arg6[%get3A_684, %get3A_685, %get3A_686] {strides = array<i32>} : memref<2x2048x16xf32, #tpu.memory_space<vmem>>, vector<1x1x16xf32>,
        %get3A_688 = vector.shape_cast %get3A_687 : vector<1x1x16xf32> to vector<16xf32>
        %max3A_689 = arith.maximumf %max3A_680, %get3A_688 : vector<16xf32>
        %add3A_690 = arith.constant 13 : i32
        %add3A_691 = arith.addi %mul3A_577, %add3A_690 : i32
        %get3A_692 = arith.constant 0 : i32
        %get3A_693 = arith.index_cast %get3A_692 : i32 to index
        %get3A_694 = arith.index_cast %add3A_691 : i32 to index
        %get3A_695 = arith.constant 0 : index
        %get3A_696 = tpu.vector_load %arg6[%get3A_693, %get3A_694, %get3A_695] {strides = array<i32>} : memref<2x2048x16xf32, #tpu.memory_space<vmem>>, vector<1x1x16xf32>,
        %get3A_697 = vector.shape_cast %get3A_696 : vector<1x1x16xf32> to vector<16xf32>
        %max3A_698 = arith.maximumf %max3A_689, %get3A_697 : vector<16xf32>
        %add3A_699 = arith.constant 14 : i32
        %add3A_700 = arith.addi %mul3A_577, %add3A_699 : i32
        %get3A_701 = arith.constant 0 : i32
        %get3A_702 = arith.index_cast %get3A_701 : i32 to index
        %get3A_703 = arith.index_cast %add3A_700 : i32 to index
        %get3A_704 = arith.constant 0 : index
        %get3A_705 = tpu.vector_load %arg6[%get3A_702, %get3A_703, %get3A_704] {strides = array<i32>} : memref<2x2048x16xf32, #tpu.memory_space<vmem>>, vector<1x1x16xf32>,
        %get3A_706 = vector.shape_cast %get3A_705 : vector<1x1x16xf32> to vector<16xf32>
        %max3A_707 = arith.maximumf %max3A_698, %get3A_706 : vector<16xf32>
        %add3A_708 = arith.constant 15 : i32
        %add3A_709 = arith.addi %mul3A_577, %add3A_708 : i32
        %get3A_710 = arith.constant 0 : i32
        %get3A_711 = arith.index_cast %get3A_710 : i32 to index
        %get3A_712 = arith.index_cast %add3A_709 : i32 to index
        %get3A_713 = arith.constant 0 : index
        %get3A_714 = tpu.vector_load %arg6[%get3A_711, %get3A_712, %get3A_713] {strides = array<i32>} : memref<2x2048x16xf32, #tpu.memory_space<vmem>>, vector<1x1x16xf32>,
        %get3A_715 = vector.shape_cast %get3A_714 : vector<1x1x16xf32> to vector<16xf32>
        %max3A_716 = arith.maximumf %max3A_707, %get3A_715 : vector<16xf32>
        %add3A_717 = arith.constant 16 : i32
        %add3A_718 = arith.addi %mul3A_577, %add3A_717 : i32
        %get3A_719 = arith.constant 0 : i32
        %get3A_720 = arith.index_cast %get3A_719 : i32 to index
        %get3A_721 = arith.index_cast %add3A_718 : i32 to index
        %get3A_722 = arith.constant 0 : index
        %get3A_723 = tpu.vector_load %arg6[%get3A_720, %get3A_721, %get3A_722] {strides = array<i32>} : memref<2x2048x16xf32, #tpu.memory_space<vmem>>, vector<1x1x16xf32>,
        %get3A_724 = vector.shape_cast %get3A_723 : vector<1x1x16xf32> to vector<16xf32>
        %max3A_725 = arith.maximumf %max3A_716, %get3A_724 : vector<16xf32>
        %add3A_726 = arith.constant 17 : i32
        %add3A_727 = arith.addi %mul3A_577, %add3A_726 : i32
        %get3A_728 = arith.constant 0 : i32
        %get3A_729 = arith.index_cast %get3A_728 : i32 to index
        %get3A_730 = arith.index_cast %add3A_727 : i32 to index
        %get3A_731 = arith.constant 0 : index
        %get3A_732 = tpu.vector_load %arg6[%get3A_729, %get3A_730, %get3A_731] {strides = array<i32>} : memref<2x2048x16xf32, #tpu.memory_space<vmem>>, vector<1x1x16xf32>,
        %get3A_733 = vector.shape_cast %get3A_732 : vector<1x1x16xf32> to vector<16xf32>
        %max3A_734 = arith.maximumf %max3A_725, %get3A_733 : vector<16xf32>
        %add3A_735 = arith.constant 18 : i32
        %add3A_736 = arith.addi %mul3A_577, %add3A_735 : i32
        %get3A_737 = arith.constant 0 : i32
        %get3A_738 = arith.index_cast %get3A_737 : i32 to index
        %get3A_739 = arith.index_cast %add3A_736 : i32 to index
        %get3A_740 = arith.constant 0 : index
        %get3A_741 = tpu.vector_load %arg6[%get3A_738, %get3A_739, %get3A_740] {strides = array<i32>} : memref<2x2048x16xf32, #tpu.memory_space<vmem>>, vector<1x1x16xf32>,
        %get3A_742 = vector.shape_cast %get3A_741 : vector<1x1x16xf32> to vector<16xf32>
        %max3A_743 = arith.maximumf %max3A_734, %get3A_742 : vector<16xf32>
        %add3A_744 = arith.constant 19 : i32
        %add3A_745 = arith.addi %mul3A_577, %add3A_744 : i32
        %get3A_746 = arith.constant 0 : i32
        %get3A_747 = arith.index_cast %get3A_746 : i32 to index
        %get3A_748 = arith.index_cast %add3A_745 : i32 to index
        %get3A_749 = arith.constant 0 : index
        %get3A_750 = tpu.vector_load %arg6[%get3A_747, %get3A_748, %get3A_749] {strides = array<i32>} : memref<2x2048x16xf32, #tpu.memory_space<vmem>>, vector<1x1x16xf32>,
        %get3A_751 = vector.shape_cast %get3A_750 : vector<1x1x16xf32> to vector<16xf32>
        %max3A_752 = arith.maximumf %max3A_743, %get3A_751 : vector<16xf32>
        %add3A_753 = arith.constant 20 : i32
        %add3A_754 = arith.addi %mul3A_577, %add3A_753 : i32
        %get3A_755 = arith.constant 0 : i32
        %get3A_756 = arith.index_cast %get3A_755 : i32 to index
        %get3A_757 = arith.index_cast %add3A_754 : i32 to index
        %get3A_758 = arith.constant 0 : index
        %get3A_759 = tpu.vector_load %arg6[%get3A_756, %get3A_757, %get3A_758] {strides = array<i32>} : memref<2x2048x16xf32, #tpu.memory_space<vmem>>, vector<1x1x16xf32>,
        %get3A_760 = vector.shape_cast %get3A_759 : vector<1x1x16xf32> to vector<16xf32>
        %max3A_761 = arith.maximumf %max3A_752, %get3A_760 : vector<16xf32>
        %add3A_762 = arith.constant 21 : i32
        %add3A_763 = arith.addi %mul3A_577, %add3A_762 : i32
        %get3A_764 = arith.constant 0 : i32
        %get3A_765 = arith.index_cast %get3A_764 : i32 to index
        %get3A_766 = arith.index_cast %add3A_763 : i32 to index
        %get3A_767 = arith.constant 0 : index
        %get3A_768 = tpu.vector_load %arg6[%get3A_765, %get3A_766, %get3A_767] {strides = array<i32>} : memref<2x2048x16xf32, #tpu.memory_space<vmem>>, vector<1x1x16xf32>,
        %get3A_769 = vector.shape_cast %get3A_768 : vector<1x1x16xf32> to vector<16xf32>
        %max3A_770 = arith.maximumf %max3A_761, %get3A_769 : vector<16xf32>
        %add3A_771 = arith.constant 22 : i32
        %add3A_772 = arith.addi %mul3A_577, %add3A_771 : i32
        %get3A_773 = arith.constant 0 : i32
        %get3A_774 = arith.index_cast %get3A_773 : i32 to index
        %get3A_775 = arith.index_cast %add3A_772 : i32 to index
        %get3A_776 = arith.constant 0 : index
        %get3A_777 = tpu.vector_load %arg6[%get3A_774, %get3A_775, %get3A_776] {strides = array<i32>} : memref<2x2048x16xf32, #tpu.memory_space<vmem>>, vector<1x1x16xf32>,
        %get3A_778 = vector.shape_cast %get3A_777 : vector<1x1x16xf32> to vector<16xf32>
        %max3A_779 = arith.maximumf %max3A_770, %get3A_778 : vector<16xf32>
        %add3A_780 = arith.constant 23 : i32
        %add3A_781 = arith.addi %mul3A_577, %add3A_780 : i32
        %get3A_782 = arith.constant 0 : i32
        %get3A_783 = arith.index_cast %get3A_782 : i32 to index
        %get3A_784 = arith.index_cast %add3A_781 : i32 to index
        %get3A_785 = arith.constant 0 : index
        %get3A_786 = tpu.vector_load %arg6[%get3A_783, %get3A_784, %get3A_785] {strides = array<i32>} : memref<2x2048x16xf32, #tpu.memory_space<vmem>>, vector<1x1x16xf32>,
        %get3A_787 = vector.shape_cast %get3A_786 : vector<1x1x16xf32> to vector<16xf32>
        %max3A_788 = arith.maximumf %max3A_779, %get3A_787 : vector<16xf32>
        %add3A_789 = arith.constant 24 : i32
        %add3A_790 = arith.addi %mul3A_577, %add3A_789 : i32
        %get3A_791 = arith.constant 0 : i32
        %get3A_792 = arith.index_cast %get3A_791 : i32 to index
        %get3A_793 = arith.index_cast %add3A_790 : i32 to index
        %get3A_794 = arith.constant 0 : index
        %get3A_795 = tpu.vector_load %arg6[%get3A_792, %get3A_793, %get3A_794] {strides = array<i32>} : memref<2x2048x16xf32, #tpu.memory_space<vmem>>, vector<1x1x16xf32>,
        %get3A_796 = vector.shape_cast %get3A_795 : vector<1x1x16xf32> to vector<16xf32>
        %max3A_797 = arith.maximumf %max3A_788, %get3A_796 : vector<16xf32>
        %add3A_798 = arith.constant 25 : i32
        %add3A_799 = arith.addi %mul3A_577, %add3A_798 : i32
        %get3A_800 = arith.constant 0 : i32
        %get3A_801 = arith.index_cast %get3A_800 : i32 to index
        %get3A_802 = arith.index_cast %add3A_799 : i32 to index
        %get3A_803 = arith.constant 0 : index
        %get3A_804 = tpu.vector_load %arg6[%get3A_801, %get3A_802, %get3A_803] {strides = array<i32>} : memref<2x2048x16xf32, #tpu.memory_space<vmem>>, vector<1x1x16xf32>,
        %get3A_805 = vector.shape_cast %get3A_804 : vector<1x1x16xf32> to vector<16xf32>
        %max3A_806 = arith.maximumf %max3A_797, %get3A_805 : vector<16xf32>
        %add3A_807 = arith.constant 26 : i32
        %add3A_808 = arith.addi %mul3A_577, %add3A_807 : i32
        %get3A_809 = arith.constant 0 : i32
        %get3A_810 = arith.index_cast %get3A_809 : i32 to index
        %get3A_811 = arith.index_cast %add3A_808 : i32 to index
        %get3A_812 = arith.constant 0 : index
        %get3A_813 = tpu.vector_load %arg6[%get3A_810, %get3A_811, %get3A_812] {strides = array<i32>} : memref<2x2048x16xf32, #tpu.memory_space<vmem>>, vector<1x1x16xf32>,
        %get3A_814 = vector.shape_cast %get3A_813 : vector<1x1x16xf32> to vector<16xf32>
        %max3A_815 = arith.maximumf %max3A_806, %get3A_814 : vector<16xf32>
        %add3A_816 = arith.constant 27 : i32
        %add3A_817 = arith.addi %mul3A_577, %add3A_816 : i32
        %get3A_818 = arith.constant 0 : i32
        %get3A_819 = arith.index_cast %get3A_818 : i32 to index
        %get3A_820 = arith.index_cast %add3A_817 : i32 to index
        %get3A_821 = arith.constant 0 : index
        %get3A_822 = tpu.vector_load %arg6[%get3A_819, %get3A_820, %get3A_821] {strides = array<i32>} : memref<2x2048x16xf32, #tpu.memory_space<vmem>>, vector<1x1x16xf32>,
        %get3A_823 = vector.shape_cast %get3A_822 : vector<1x1x16xf32> to vector<16xf32>
        %max3A_824 = arith.maximumf %max3A_815, %get3A_823 : vector<16xf32>
        %add3A_825 = arith.constant 28 : i32
        %add3A_826 = arith.addi %mul3A_577, %add3A_825 : i32
        %get3A_827 = arith.constant 0 : i32
        %get3A_828 = arith.index_cast %get3A_827 : i32 to index
        %get3A_829 = arith.index_cast %add3A_826 : i32 to index
        %get3A_830 = arith.constant 0 : index
        %get3A_831 = tpu.vector_load %arg6[%get3A_828, %get3A_829, %get3A_830] {strides = array<i32>} : memref<2x2048x16xf32, #tpu.memory_space<vmem>>, vector<1x1x16xf32>,
        %get3A_832 = vector.shape_cast %get3A_831 : vector<1x1x16xf32> to vector<16xf32>
        %max3A_833 = arith.maximumf %max3A_824, %get3A_832 : vector<16xf32>
        %add3A_834 = arith.constant 29 : i32
        %add3A_835 = arith.addi %mul3A_577, %add3A_834 : i32
        %get3A_836 = arith.constant 0 : i32
        %get3A_837 = arith.index_cast %get3A_836 : i32 to index
        %get3A_838 = arith.index_cast %add3A_835 : i32 to index
        %get3A_839 = arith.constant 0 : index
        %get3A_840 = tpu.vector_load %arg6[%get3A_837, %get3A_838, %get3A_839] {strides = array<i32>} : memref<2x2048x16xf32, #tpu.memory_space<vmem>>, vector<1x1x16xf32>,
        %get3A_841 = vector.shape_cast %get3A_840 : vector<1x1x16xf32> to vector<16xf32>
        %max3A_842 = arith.maximumf %max3A_833, %get3A_841 : vector<16xf32>
        %add3A_843 = arith.constant 30 : i32
        %add3A_844 = arith.addi %mul3A_577, %add3A_843 : i32
        %get3A_845 = arith.constant 0 : i32
        %get3A_846 = arith.index_cast %get3A_845 : i32 to index
        %get3A_847 = arith.index_cast %add3A_844 : i32 to index
        %get3A_848 = arith.constant 0 : index
        %get3A_849 = tpu.vector_load %arg6[%get3A_846, %get3A_847, %get3A_848] {strides = array<i32>} : memref<2x2048x16xf32, #tpu.memory_space<vmem>>, vector<1x1x16xf32>,
        %get3A_850 = vector.shape_cast %get3A_849 : vector<1x1x16xf32> to vector<16xf32>
        %max3A_851 = arith.maximumf %max3A_842, %get3A_850 : vector<16xf32>
        %add3A_852 = arith.constant 31 : i32
        %add3A_853 = arith.addi %mul3A_577, %add3A_852 : i32
        %get3A_854 = arith.constant 0 : i32
        %get3A_855 = arith.index_cast %get3A_854 : i32 to index
        %get3A_856 = arith.index_cast %add3A_853 : i32 to index
        %get3A_857 = arith.constant 0 : index
        %get3A_858 = tpu.vector_load %arg6[%get3A_855, %get3A_856, %get3A_857] {strides = array<i32>} : memref<2x2048x16xf32, #tpu.memory_space<vmem>>, vector<1x1x16xf32>,
        %get3A_859 = vector.shape_cast %get3A_858 : vector<1x1x16xf32> to vector<16xf32>
        %max3A_860 = arith.maximumf %max3A_851, %get3A_859 : vector<16xf32>
        %swap3A = arith.constant 0 : i32
        %swap3A_861 = arith.index_cast %swap3A : i32 to index
        %swap3A_862 = arith.index_cast %scan3A_575 : i32 to index
        %swap3A_863 = arith.constant 0 : index
        %swap3A_864 = tpu.vector_load %arg7[%swap3A_861, %swap3A_862, %swap3A_863] {strides = array<i32>} : memref<2x64x16xf32, #tpu.memory_space<vmem>>, vector<1x1x16xf32>,
        %swap3A_865 = vector.shape_cast %swap3A_864 : vector<1x1x16xf32> to vector<16xf32>
        %swap3A_866 = vector.shape_cast %max3A_860 : vector<16xf32> to vector<1x1x16xf32>
        tpu.vector_store %arg7[%swap3A_861, %swap3A_862, %swap3A_863], %swap3A_866 {strides = array<i32>} : memref<2x64x16xf32, #tpu.memory_space<vmem>>, vector<1x1x16xf32>,
        %scan3A_867 = arith.constant 1 : i32
        %scan3A_868 = arith.addi %scan3A_575, %scan3A_867 : i32
        %mul3A_869 = arith.constant 32 : i32
        %mul3A_870 = arith.muli %scan3A_868, %mul3A_869 : i32
        %get3A_871 = arith.constant 0 : i32
        %get3A_872 = arith.index_cast %get3A_871 : i32 to index
        %get3A_873 = arith.index_cast %mul3A_870 : i32 to index
        %get3A_874 = arith.constant 0 : index
        %get3A_875 = tpu.vector_load %arg6[%get3A_872, %get3A_873, %get3A_874] {strides = array<i32>} : memref<2x2048x16xf32, #tpu.memory_space<vmem>>, vector<1x1x16xf32>,
        %get3A_876 = vector.shape_cast %get3A_875 : vector<1x1x16xf32> to vector<16xf32>
        %add3A_877 = arith.constant 1 : i32
        %add3A_878 = arith.addi %mul3A_870, %add3A_877 : i32
        %get3A_879 = arith.constant 0 : i32
        %get3A_880 = arith.index_cast %get3A_879 : i32 to index
        %get3A_881 = arith.index_cast %add3A_878 : i32 to index
        %get3A_882 = arith.constant 0 : index
        %get3A_883 = tpu.vector_load %arg6[%get3A_880, %get3A_881, %get3A_882] {strides = array<i32>} : memref<2x2048x16xf32, #tpu.memory_space<vmem>>, vector<1x1x16xf32>,
        %get3A_884 = vector.shape_cast %get3A_883 : vector<1x1x16xf32> to vector<16xf32>
        %max3A_885 = arith.maximumf %get3A_876, %get3A_884 : vector<16xf32>
        %add3A_886 = arith.constant 2 : i32
        %add3A_887 = arith.addi %mul3A_870, %add3A_886 : i32
        %get3A_888 = arith.constant 0 : i32
        %get3A_889 = arith.index_cast %get3A_888 : i32 to index
        %get3A_890 = arith.index_cast %add3A_887 : i32 to index
        %get3A_891 = arith.constant 0 : index
        %get3A_892 = tpu.vector_load %arg6[%get3A_889, %get3A_890, %get3A_891] {strides = array<i32>} : memref<2x2048x16xf32, #tpu.memory_space<vmem>>, vector<1x1x16xf32>,
        %get3A_893 = vector.shape_cast %get3A_892 : vector<1x1x16xf32> to vector<16xf32>
        %max3A_894 = arith.maximumf %max3A_885, %get3A_893 : vector<16xf32>
        %add3A_895 = arith.constant 3 : i32
        %add3A_896 = arith.addi %mul3A_870, %add3A_895 : i32
        %get3A_897 = arith.constant 0 : i32
        %get3A_898 = arith.index_cast %get3A_897 : i32 to index
        %get3A_899 = arith.index_cast %add3A_896 : i32 to index
        %get3A_900 = arith.constant 0 : index
        %get3A_901 = tpu.vector_load %arg6[%get3A_898, %get3A_899, %get3A_900] {strides = array<i32>} : memref<2x2048x16xf32, #tpu.memory_space<vmem>>, vector<1x1x16xf32>,
        %get3A_902 = vector.shape_cast %get3A_901 : vector<1x1x16xf32> to vector<16xf32>
        %max3A_903 = arith.maximumf %max3A_894, %get3A_902 : vector<16xf32>
        %add3A_904 = arith.constant 4 : i32
        %add3A_905 = arith.addi %mul3A_870, %add3A_904 : i32
        %get3A_906 = arith.constant 0 : i32
        %get3A_907 = arith.index_cast %get3A_906 : i32 to index
        %get3A_908 = arith.index_cast %add3A_905 : i32 to index
        %get3A_909 = arith.constant 0 : index
        %get3A_910 = tpu.vector_load %arg6[%get3A_907, %get3A_908, %get3A_909] {strides = array<i32>} : memref<2x2048x16xf32, #tpu.memory_space<vmem>>, vector<1x1x16xf32>,
        %get3A_911 = vector.shape_cast %get3A_910 : vector<1x1x16xf32> to vector<16xf32>
        %max3A_912 = arith.maximumf %max3A_903, %get3A_911 : vector<16xf32>
        %add3A_913 = arith.constant 5 : i32
        %add3A_914 = arith.addi %mul3A_870, %add3A_913 : i32
        %get3A_915 = arith.constant 0 : i32
        %get3A_916 = arith.index_cast %get3A_915 : i32 to index
        %get3A_917 = arith.index_cast %add3A_914 : i32 to index
        %get3A_918 = arith.constant 0 : index
        %get3A_919 = tpu.vector_load %arg6[%get3A_916, %get3A_917, %get3A_918] {strides = array<i32>} : memref<2x2048x16xf32, #tpu.memory_space<vmem>>, vector<1x1x16xf32>,
        %get3A_920 = vector.shape_cast %get3A_919 : vector<1x1x16xf32> to vector<16xf32>
        %max3A_921 = arith.maximumf %max3A_912, %get3A_920 : vector<16xf32>
        %add3A_922 = arith.constant 6 : i32
        %add3A_923 = arith.addi %mul3A_870, %add3A_922 : i32
        %get3A_924 = arith.constant 0 : i32
        %get3A_925 = arith.index_cast %get3A_924 : i32 to index
        %get3A_926 = arith.index_cast %add3A_923 : i32 to index
        %get3A_927 = arith.constant 0 : index
        %get3A_928 = tpu.vector_load %arg6[%get3A_925, %get3A_926, %get3A_927] {strides = array<i32>} : memref<2x2048x16xf32, #tpu.memory_space<vmem>>, vector<1x1x16xf32>,
        %get3A_929 = vector.shape_cast %get3A_928 : vector<1x1x16xf32> to vector<16xf32>
        %max3A_930 = arith.maximumf %max3A_921, %get3A_929 : vector<16xf32>
        %add3A_931 = arith.constant 7 : i32
        %add3A_932 = arith.addi %mul3A_870, %add3A_931 : i32
        %get3A_933 = arith.constant 0 : i32
        %get3A_934 = arith.index_cast %get3A_933 : i32 to index
        %get3A_935 = arith.index_cast %add3A_932 : i32 to index
        %get3A_936 = arith.constant 0 : index
        %get3A_937 = tpu.vector_load %arg6[%get3A_934, %get3A_935, %get3A_936] {strides = array<i32>} : memref<2x2048x16xf32, #tpu.memory_space<vmem>>, vector<1x1x16xf32>,
        %get3A_938 = vector.shape_cast %get3A_937 : vector<1x1x16xf32> to vector<16xf32>
        %max3A_939 = arith.maximumf %max3A_930, %get3A_938 : vector<16xf32>
        %add3A_940 = arith.constant 8 : i32
        %add3A_941 = arith.addi %mul3A_870, %add3A_940 : i32
        %get3A_942 = arith.constant 0 : i32
        %get3A_943 = arith.index_cast %get3A_942 : i32 to index
        %get3A_944 = arith.index_cast %add3A_941 : i32 to index
        %get3A_945 = arith.constant 0 : index
        %get3A_946 = tpu.vector_load %arg6[%get3A_943, %get3A_944, %get3A_945] {strides = array<i32>} : memref<2x2048x16xf32, #tpu.memory_space<vmem>>, vector<1x1x16xf32>,
        %get3A_947 = vector.shape_cast %get3A_946 : vector<1x1x16xf32> to vector<16xf32>
        %max3A_948 = arith.maximumf %max3A_939, %get3A_947 : vector<16xf32>
        %add3A_949 = arith.constant 9 : i32
        %add3A_950 = arith.addi %mul3A_870, %add3A_949 : i32
        %get3A_951 = arith.constant 0 : i32
        %get3A_952 = arith.index_cast %get3A_951 : i32 to index
        %get3A_953 = arith.index_cast %add3A_950 : i32 to index
        %get3A_954 = arith.constant 0 : index
        %get3A_955 = tpu.vector_load %arg6[%get3A_952, %get3A_953, %get3A_954] {strides = array<i32>} : memref<2x2048x16xf32, #tpu.memory_space<vmem>>, vector<1x1x16xf32>,
        %get3A_956 = vector.shape_cast %get3A_955 : vector<1x1x16xf32> to vector<16xf32>
        %max3A_957 = arith.maximumf %max3A_948, %get3A_956 : vector<16xf32>
        %add3A_958 = arith.constant 10 : i32
        %add3A_959 = arith.addi %mul3A_870, %add3A_958 : i32
        %get3A_960 = arith.constant 0 : i32
        %get3A_961 = arith.index_cast %get3A_960 : i32 to index
        %get3A_962 = arith.index_cast %add3A_959 : i32 to index
        %get3A_963 = arith.constant 0 : index
        %get3A_964 = tpu.vector_load %arg6[%get3A_961, %get3A_962, %get3A_963] {strides = array<i32>} : memref<2x2048x16xf32, #tpu.memory_space<vmem>>, vector<1x1x16xf32>,
        %get3A_965 = vector.shape_cast %get3A_964 : vector<1x1x16xf32> to vector<16xf32>
        %max3A_966 = arith.maximumf %max3A_957, %get3A_965 : vector<16xf32>
        %add3A_967 = arith.constant 11 : i32
        %add3A_968 = arith.addi %mul3A_870, %add3A_967 : i32
        %get3A_969 = arith.constant 0 : i32
        %get3A_970 = arith.index_cast %get3A_969 : i32 to index
        %get3A_971 = arith.index_cast %add3A_968 : i32 to index
        %get3A_972 = arith.constant 0 : index
        %get3A_973 = tpu.vector_load %arg6[%get3A_970, %get3A_971, %get3A_972] {strides = array<i32>} : memref<2x2048x16xf32, #tpu.memory_space<vmem>>, vector<1x1x16xf32>,
        %get3A_974 = vector.shape_cast %get3A_973 : vector<1x1x16xf32> to vector<16xf32>
        %max3A_975 = arith.maximumf %max3A_966, %get3A_974 : vector<16xf32>
        %add3A_976 = arith.constant 12 : i32
        %add3A_977 = arith.addi %mul3A_870, %add3A_976 : i32
        %get3A_978 = arith.constant 0 : i32
        %get3A_979 = arith.index_cast %get3A_978 : i32 to index
        %get3A_980 = arith.index_cast %add3A_977 : i32 to index
        %get3A_981 = arith.constant 0 : index
        %get3A_982 = tpu.vector_load %arg6[%get3A_979, %get3A_980, %get3A_981] {strides = array<i32>} : memref<2x2048x16xf32, #tpu.memory_space<vmem>>, vector<1x1x16xf32>,
        %get3A_983 = vector.shape_cast %get3A_982 : vector<1x1x16xf32> to vector<16xf32>
        %max3A_984 = arith.maximumf %max3A_975, %get3A_983 : vector<16xf32>
        %add3A_985 = arith.constant 13 : i32
        %add3A_986 = arith.addi %mul3A_870, %add3A_985 : i32
        %get3A_987 = arith.constant 0 : i32
        %get3A_988 = arith.index_cast %get3A_987 : i32 to index
        %get3A_989 = arith.index_cast %add3A_986 : i32 to index
        %get3A_990 = arith.constant 0 : index
        %get3A_991 = tpu.vector_load %arg6[%get3A_988, %get3A_989, %get3A_990] {strides = array<i32>} : memref<2x2048x16xf32, #tpu.memory_space<vmem>>, vector<1x1x16xf32>,
        %get3A_992 = vector.shape_cast %get3A_991 : vector<1x1x16xf32> to vector<16xf32>
        %max3A_993 = arith.maximumf %max3A_984, %get3A_992 : vector<16xf32>
        %add3A_994 = arith.constant 14 : i32
        %add3A_995 = arith.addi %mul3A_870, %add3A_994 : i32
        %get3A_996 = arith.constant 0 : i32
        %get3A_997 = arith.index_cast %get3A_996 : i32 to index
        %get3A_998 = arith.index_cast %add3A_995 : i32 to index
        %get3A_999 = arith.constant 0 : index
        %get3A_1000 = tpu.vector_load %arg6[%get3A_997, %get3A_998, %get3A_999] {strides = array<i32>} : memref<2x2048x16xf32, #tpu.memory_space<vmem>>, vector<1x1x16xf32>,
        %get3A_1001 = vector.shape_cast %get3A_1000 : vector<1x1x16xf32> to vector<16xf32>
        %max3A_1002 = arith.maximumf %max3A_993, %get3A_1001 : vector<16xf32>
        %add3A_1003 = arith.constant 15 : i32
        %add3A_1004 = arith.addi %mul3A_870, %add3A_1003 : i32
        %get3A_1005 = arith.constant 0 : i32
        %get3A_1006 = arith.index_cast %get3A_1005 : i32 to index
        %get3A_1007 = arith.index_cast %add3A_1004 : i32 to index
        %get3A_1008 = arith.constant 0 : index
        %get3A_1009 = tpu.vector_load %arg6[%get3A_1006, %get3A_1007, %get3A_1008] {strides = array<i32>} : memref<2x2048x16xf32, #tpu.memory_space<vmem>>, vector<1x1x16xf32>,
        %get3A_1010 = vector.shape_cast %get3A_1009 : vector<1x1x16xf32> to vector<16xf32>
        %max3A_1011 = arith.maximumf %max3A_1002, %get3A_1010 : vector<16xf32>
        %add3A_1012 = arith.constant 16 : i32
        %add3A_1013 = arith.addi %mul3A_870, %add3A_1012 : i32
        %get3A_1014 = arith.constant 0 : i32
        %get3A_1015 = arith.index_cast %get3A_1014 : i32 to index
        %get3A_1016 = arith.index_cast %add3A_1013 : i32 to index
        %get3A_1017 = arith.constant 0 : index
        %get3A_1018 = tpu.vector_load %arg6[%get3A_1015, %get3A_1016, %get3A_1017] {strides = array<i32>} : memref<2x2048x16xf32, #tpu.memory_space<vmem>>, vector<1x1x16xf32>,
        %get3A_1019 = vector.shape_cast %get3A_1018 : vector<1x1x16xf32> to vector<16xf32>
        %max3A_1020 = arith.maximumf %max3A_1011, %get3A_1019 : vector<16xf32>
        %add3A_1021 = arith.constant 17 : i32
        %add3A_1022 = arith.addi %mul3A_870, %add3A_1021 : i32
        %get3A_1023 = arith.constant 0 : i32
        %get3A_1024 = arith.index_cast %get3A_1023 : i32 to index
        %get3A_1025 = arith.index_cast %add3A_1022 : i32 to index
        %get3A_1026 = arith.constant 0 : index
        %get3A_1027 = tpu.vector_load %arg6[%get3A_1024, %get3A_1025, %get3A_1026] {strides = array<i32>} : memref<2x2048x16xf32, #tpu.memory_space<vmem>>, vector<1x1x16xf32>,
        %get3A_1028 = vector.shape_cast %get3A_1027 : vector<1x1x16xf32> to vector<16xf32>
        %max3A_1029 = arith.maximumf %max3A_1020, %get3A_1028 : vector<16xf32>
        %add3A_1030 = arith.constant 18 : i32
        %add3A_1031 = arith.addi %mul3A_870, %add3A_1030 : i32
        %get3A_1032 = arith.constant 0 : i32
        %get3A_1033 = arith.index_cast %get3A_1032 : i32 to index
        %get3A_1034 = arith.index_cast %add3A_1031 : i32 to index
        %get3A_1035 = arith.constant 0 : index
        %get3A_1036 = tpu.vector_load %arg6[%get3A_1033, %get3A_1034, %get3A_1035] {strides = array<i32>} : memref<2x2048x16xf32, #tpu.memory_space<vmem>>, vector<1x1x16xf32>,
        %get3A_1037 = vector.shape_cast %get3A_1036 : vector<1x1x16xf32> to vector<16xf32>
        %max3A_1038 = arith.maximumf %max3A_1029, %get3A_1037 : vector<16xf32>
        %add3A_1039 = arith.constant 19 : i32
        %add3A_1040 = arith.addi %mul3A_870, %add3A_1039 : i32
        %get3A_1041 = arith.constant 0 : i32
        %get3A_1042 = arith.index_cast %get3A_1041 : i32 to index
        %get3A_1043 = arith.index_cast %add3A_1040 : i32 to index
        %get3A_1044 = arith.constant 0 : index
        %get3A_1045 = tpu.vector_load %arg6[%get3A_1042, %get3A_1043, %get3A_1044] {strides = array<i32>} : memref<2x2048x16xf32, #tpu.memory_space<vmem>>, vector<1x1x16xf32>,
        %get3A_1046 = vector.shape_cast %get3A_1045 : vector<1x1x16xf32> to vector<16xf32>
        %max3A_1047 = arith.maximumf %max3A_1038, %get3A_1046 : vector<16xf32>
        %add3A_1048 = arith.constant 20 : i32
        %add3A_1049 = arith.addi %mul3A_870, %add3A_1048 : i32
        %get3A_1050 = arith.constant 0 : i32
        %get3A_1051 = arith.index_cast %get3A_1050 : i32 to index
        %get3A_1052 = arith.index_cast %add3A_1049 : i32 to index
        %get3A_1053 = arith.constant 0 : index
        %get3A_1054 = tpu.vector_load %arg6[%get3A_1051, %get3A_1052, %get3A_1053] {strides = array<i32>} : memref<2x2048x16xf32, #tpu.memory_space<vmem>>, vector<1x1x16xf32>,
        %get3A_1055 = vector.shape_cast %get3A_1054 : vector<1x1x16xf32> to vector<16xf32>
        %max3A_1056 = arith.maximumf %max3A_1047, %get3A_1055 : vector<16xf32>
        %add3A_1057 = arith.constant 21 : i32
        %add3A_1058 = arith.addi %mul3A_870, %add3A_1057 : i32
        %get3A_1059 = arith.constant 0 : i32
        %get3A_1060 = arith.index_cast %get3A_1059 : i32 to index
        %get3A_1061 = arith.index_cast %add3A_1058 : i32 to index
        %get3A_1062 = arith.constant 0 : index
        %get3A_1063 = tpu.vector_load %arg6[%get3A_1060, %get3A_1061, %get3A_1062] {strides = array<i32>} : memref<2x2048x16xf32, #tpu.memory_space<vmem>>, vector<1x1x16xf32>,
        %get3A_1064 = vector.shape_cast %get3A_1063 : vector<1x1x16xf32> to vector<16xf32>
        %max3A_1065 = arith.maximumf %max3A_1056, %get3A_1064 : vector<16xf32>
        %add3A_1066 = arith.constant 22 : i32
        %add3A_1067 = arith.addi %mul3A_870, %add3A_1066 : i32
        %get3A_1068 = arith.constant 0 : i32
        %get3A_1069 = arith.index_cast %get3A_1068 : i32 to index
        %get3A_1070 = arith.index_cast %add3A_1067 : i32 to index
        %get3A_1071 = arith.constant 0 : index
        %get3A_1072 = tpu.vector_load %arg6[%get3A_1069, %get3A_1070, %get3A_1071] {strides = array<i32>} : memref<2x2048x16xf32, #tpu.memory_space<vmem>>, vector<1x1x16xf32>,
        %get3A_1073 = vector.shape_cast %get3A_1072 : vector<1x1x16xf32> to vector<16xf32>
        %max3A_1074 = arith.maximumf %max3A_1065, %get3A_1073 : vector<16xf32>
        %add3A_1075 = arith.constant 23 : i32
        %add3A_1076 = arith.addi %mul3A_870, %add3A_1075 : i32
        %get3A_1077 = arith.constant 0 : i32
        %get3A_1078 = arith.index_cast %get3A_1077 : i32 to index
        %get3A_1079 = arith.index_cast %add3A_1076 : i32 to index
        %get3A_1080 = arith.constant 0 : index
        %get3A_1081 = tpu.vector_load %arg6[%get3A_1078, %get3A_1079, %get3A_1080] {strides = array<i32>} : memref<2x2048x16xf32, #tpu.memory_space<vmem>>, vector<1x1x16xf32>,
        %get3A_1082 = vector.shape_cast %get3A_1081 : vector<1x1x16xf32> to vector<16xf32>
        %max3A_1083 = arith.maximumf %max3A_1074, %get3A_1082 : vector<16xf32>
        %add3A_1084 = arith.constant 24 : i32
        %add3A_1085 = arith.addi %mul3A_870, %add3A_1084 : i32
        %get3A_1086 = arith.constant 0 : i32
        %get3A_1087 = arith.index_cast %get3A_1086 : i32 to index
        %get3A_1088 = arith.index_cast %add3A_1085 : i32 to index
        %get3A_1089 = arith.constant 0 : index
        %get3A_1090 = tpu.vector_load %arg6[%get3A_1087, %get3A_1088, %get3A_1089] {strides = array<i32>} : memref<2x2048x16xf32, #tpu.memory_space<vmem>>, vector<1x1x16xf32>,
        %get3A_1091 = vector.shape_cast %get3A_1090 : vector<1x1x16xf32> to vector<16xf32>
        %max3A_1092 = arith.maximumf %max3A_1083, %get3A_1091 : vector<16xf32>
        %add3A_1093 = arith.constant 25 : i32
        %add3A_1094 = arith.addi %mul3A_870, %add3A_1093 : i32
        %get3A_1095 = arith.constant 0 : i32
        %get3A_1096 = arith.index_cast %get3A_1095 : i32 to index
        %get3A_1097 = arith.index_cast %add3A_1094 : i32 to index
        %get3A_1098 = arith.constant 0 : index
        %get3A_1099 = tpu.vector_load %arg6[%get3A_1096, %get3A_1097, %get3A_1098] {strides = array<i32>} : memref<2x2048x16xf32, #tpu.memory_space<vmem>>, vector<1x1x16xf32>,
        %get3A_1100 = vector.shape_cast %get3A_1099 : vector<1x1x16xf32> to vector<16xf32>
        %max3A_1101 = arith.maximumf %max3A_1092, %get3A_1100 : vector<16xf32>
        %add3A_1102 = arith.constant 26 : i32
        %add3A_1103 = arith.addi %mul3A_870, %add3A_1102 : i32
        %get3A_1104 = arith.constant 0 : i32
        %get3A_1105 = arith.index_cast %get3A_1104 : i32 to index
        %get3A_1106 = arith.index_cast %add3A_1103 : i32 to index
        %get3A_1107 = arith.constant 0 : index
        %get3A_1108 = tpu.vector_load %arg6[%get3A_1105, %get3A_1106, %get3A_1107] {strides = array<i32>} : memref<2x2048x16xf32, #tpu.memory_space<vmem>>, vector<1x1x16xf32>,
        %get3A_1109 = vector.shape_cast %get3A_1108 : vector<1x1x16xf32> to vector<16xf32>
        %max3A_1110 = arith.maximumf %max3A_1101, %get3A_1109 : vector<16xf32>
        %add3A_1111 = arith.constant 27 : i32
        %add3A_1112 = arith.addi %mul3A_870, %add3A_1111 : i32
        %get3A_1113 = arith.constant 0 : i32
        %get3A_1114 = arith.index_cast %get3A_1113 : i32 to index
        %get3A_1115 = arith.index_cast %add3A_1112 : i32 to index
        %get3A_1116 = arith.constant 0 : index
        %get3A_1117 = tpu.vector_load %arg6[%get3A_1114, %get3A_1115, %get3A_1116] {strides = array<i32>} : memref<2x2048x16xf32, #tpu.memory_space<vmem>>, vector<1x1x16xf32>,
        %get3A_1118 = vector.shape_cast %get3A_1117 : vector<1x1x16xf32> to vector<16xf32>
        %max3A_1119 = arith.maximumf %max3A_1110, %get3A_1118 : vector<16xf32>
        %add3A_1120 = arith.constant 28 : i32
        %add3A_1121 = arith.addi %mul3A_870, %add3A_1120 : i32
        %get3A_1122 = arith.constant 0 : i32
        %get3A_1123 = arith.index_cast %get3A_1122 : i32 to index
        %get3A_1124 = arith.index_cast %add3A_1121 : i32 to index
        %get3A_1125 = arith.constant 0 : index
        %get3A_1126 = tpu.vector_load %arg6[%get3A_1123, %get3A_1124, %get3A_1125] {strides = array<i32>} : memref<2x2048x16xf32, #tpu.memory_space<vmem>>, vector<1x1x16xf32>,
        %get3A_1127 = vector.shape_cast %get3A_1126 : vector<1x1x16xf32> to vector<16xf32>
        %max3A_1128 = arith.maximumf %max3A_1119, %get3A_1127 : vector<16xf32>
        %add3A_1129 = arith.constant 29 : i32
        %add3A_1130 = arith.addi %mul3A_870, %add3A_1129 : i32
        %get3A_1131 = arith.constant 0 : i32
        %get3A_1132 = arith.index_cast %get3A_1131 : i32 to index
        %get3A_1133 = arith.index_cast %add3A_1130 : i32 to index
        %get3A_1134 = arith.constant 0 : index
        %get3A_1135 = tpu.vector_load %arg6[%get3A_1132, %get3A_1133, %get3A_1134] {strides = array<i32>} : memref<2x2048x16xf32, #tpu.memory_space<vmem>>, vector<1x1x16xf32>,
        %get3A_1136 = vector.shape_cast %get3A_1135 : vector<1x1x16xf32> to vector<16xf32>
        %max3A_1137 = arith.maximumf %max3A_1128, %get3A_1136 : vector<16xf32>
        %add3A_1138 = arith.constant 30 : i32
        %add3A_1139 = arith.addi %mul3A_870, %add3A_1138 : i32
        %get3A_1140 = arith.constant 0 : i32
        %get3A_1141 = arith.index_cast %get3A_1140 : i32 to index
        %get3A_1142 = arith.index_cast %add3A_1139 : i32 to index
        %get3A_1143 = arith.constant 0 : index
        %get3A_1144 = tpu.vector_load %arg6[%get3A_1141, %get3A_1142, %get3A_1143] {strides = array<i32>} : memref<2x2048x16xf32, #tpu.memory_space<vmem>>, vector<1x1x16xf32>,
        %get3A_1145 = vector.shape_cast %get3A_1144 : vector<1x1x16xf32> to vector<16xf32>
        %max3A_1146 = arith.maximumf %max3A_1137, %get3A_1145 : vector<16xf32>
        %add3A_1147 = arith.constant 31 : i32
        %add3A_1148 = arith.addi %mul3A_870, %add3A_1147 : i32
        %get3A_1149 = arith.constant 0 : i32
        %get3A_1150 = arith.index_cast %get3A_1149 : i32 to index
        %get3A_1151 = arith.index_cast %add3A_1148 : i32 to index
        %get3A_1152 = arith.constant 0 : index
        %get3A_1153 = tpu.vector_load %arg6[%get3A_1150, %get3A_1151, %get3A_1152] {strides = array<i32>} : memref<2x2048x16xf32, #tpu.memory_space<vmem>>, vector<1x1x16xf32>,
        %get3A_1154 = vector.shape_cast %get3A_1153 : vector<1x1x16xf32> to vector<16xf32>
        %max3A_1155 = arith.maximumf %max3A_1146, %get3A_1154 : vector<16xf32>
        %swap3A_1156 = arith.constant 0 : i32
        %swap3A_1157 = arith.index_cast %swap3A_1156 : i32 to index
        %swap3A_1158 = arith.index_cast %scan3A_868 : i32 to index
        %swap3A_1159 = arith.constant 0 : index
        %swap3A_1160 = tpu.vector_load %arg7[%swap3A_1157, %swap3A_1158, %swap3A_1159] {strides = array<i32>} : memref<2x64x16xf32, #tpu.memory_space<vmem>>, vector<1x1x16xf32>,
        %swap3A_1161 = vector.shape_cast %swap3A_1160 : vector<1x1x16xf32> to vector<16xf32>
        %swap3A_1162 = vector.shape_cast %max3A_1155 : vector<16xf32> to vector<1x1x16xf32>
        tpu.vector_store %arg7[%swap3A_1157, %swap3A_1158, %swap3A_1159], %swap3A_1162 {strides = array<i32>} : memref<2x64x16xf32, #tpu.memory_space<vmem>>, vector<1x1x16xf32>,
      }
      %scan3A_534 = arith.constant 64 : i32
      %mul3A_535 = arith.constant 64 : i32
      %mul3A_536 = arith.muli %mul3A_528, %mul3A_535 : i32
      %add3A_537 = arith.addi %mul3A_4, %mul3A_536 : i32
      %run_scoped3A_538 = arith.constant 0 : i32
      "tpu.region"() ({
        %run_scoped3A_575 = tpu.sem_alloc : memref<!tpu.dma_semaphore, #tpu.memory_space<semaphore_mem>>
        %dma_start3A_576 = arith.constant 0 : i32
        %dma_start3A_577 = arith.constant 0 : i32
        %dma_start3A_578 = tpu.memref_slice %arg7[%run_scoped3A_538, %dma_start3A_576, %dma_start3A_577] : memref<2x64x16xf32, #tpu.memory_space<vmem>> -> memref<1x64x16xf32, #tpu.memory_space<vmem>>
        %dma_start3A_579 = tpu.memref_squeeze %dma_start3A_578 : memref<1x64x16xf32, #tpu.memory_space<vmem>> -> memref<64x16xf32, #tpu.memory_space<vmem>>
        %dma_start3A_580 = arith.constant 0 : i32
        %dma_start3A_581 = tpu.memref_slice %arg4[%add3A_537, %dma_start3A_580] : memref<65536x16xf32, #tpu.memory_space<hbm>> -> memref<64x16xf32, #tpu.memory_space<hbm>>
        %dma_start3A_582 = arith.constant 0 : i32
        %dma_start3A_583 = tpu.memref_slice %arg4[%add3A_537, %dma_start3A_582] : memref<65536x16xf32, #tpu.memory_space<hbm>> -> memref<64x16xf32, #tpu.memory_space<hbm>>
        %dma_start3A_584 = arith.constant 0 : i32
        %dma_start3A_585 = arith.constant 0 : i32
        %dma_start3A_586 = tpu.memref_slice %arg7[%run_scoped3A_538, %dma_start3A_584, %dma_start3A_585] : memref<2x64x16xf32, #tpu.memory_space<vmem>> -> memref<1x64x16xf32, #tpu.memory_space<vmem>>
        %dma_start3A_587 = tpu.memref_squeeze %dma_start3A_586 : memref<1x64x16xf32, #tpu.memory_space<vmem>> -> memref<64x16xf32, #tpu.memory_space<vmem>>
        tpu.enqueue_dma source(%dma_start3A_587 : memref<64x16xf32, #tpu.memory_space<vmem>>) target(%dma_start3A_583 : memref<64x16xf32, #tpu.memory_space<hbm>>) target_semaphore(%run_scoped3A_575 : memref<!tpu.dma_semaphore, #tpu.memory_space<semaphore_mem>>)
        %dma_wait3A_588 = arith.constant 0 : i32
        %dma_wait3A_589 = arith.constant 0 : i32
        %dma_wait3A_590 = tpu.memref_slice %arg7[%run_scoped3A_538, %dma_wait3A_588, %dma_wait3A_589] : memref<2x64x16xf32, #tpu.memory_space<vmem>> -> memref<1x64x16xf32, #tpu.memory_space<vmem>>
        %dma_wait3A_591 = tpu.memref_squeeze %dma_wait3A_590 : memref<1x64x16xf32, #tpu.memory_space<vmem>> -> memref<64x16xf32, #tpu.memory_space<vmem>>
        %dma_wait3A_592 = arith.constant 0 : i32
        %dma_wait3A_593 = tpu.memref_slice %arg4[%add3A_537, %dma_wait3A_592] : memref<65536x16xf32, #tpu.memory_space<hbm>> -> memref<64x16xf32, #tpu.memory_space<hbm>>
        %dma_wait3A_594 = arith.constant 0 : i32
        %dma_wait3A_595 = tpu.memref_slice %arg4[%add3A_537, %dma_wait3A_594] : memref<65536x16xf32, #tpu.memory_space<hbm>> -> memref<64x16xf32, #tpu.memory_space<hbm>>
        %dma_wait3A_596 = arith.constant 0 : i32
        %dma_wait3A_597 = arith.constant 0 : i32
        %dma_wait3A_598 = tpu.memref_slice %arg7[%run_scoped3A_538, %dma_wait3A_596, %dma_wait3A_597] : memref<2x64x16xf32, #tpu.memory_space<vmem>> -> memref<1x64x16xf32, #tpu.memory_space<vmem>>
        %dma_wait3A_599 = tpu.memref_squeeze %dma_wait3A_598 : memref<1x64x16xf32, #tpu.memory_space<vmem>> -> memref<64x16xf32, #tpu.memory_space<vmem>>
        tpu.wait_dma2 semaphore(%run_scoped3A_575 : memref<!tpu.dma_semaphore, #tpu.memory_space<semaphore_mem>>) src(%dma_wait3A_599 : memref<64x16xf32, #tpu.memory_space<vmem>>) dst(%dma_wait3A_595 : memref<64x16xf32, #tpu.memory_space<hbm>>)
        tpu.yield
      }) : () -> ()
      %lt3A = arith.constant 15 : i32
      %lt3A_539 = arith.cmpi slt, %scan3A_512, %lt3A : i32
      %convert_element_type3A = arith.extui %lt3A_539 : i1 to i32
      %cond3A = arith.constant 0 : i32
      %cond3A_540 = arith.cmpi ne, %convert_element_type3A, %cond3A : i32
      scf.if %cond3A_540 {
        %mul3A_575 = arith.constant 2 : i32
        %mul3A_576 = arith.muli %mul3A_575, %scan3A_512 : i32
        %add3A_577 = arith.constant 2 : i32
        %add3A_578 = arith.addi %mul3A_576, %add3A_577 : i32
        %mul3A_579 = arith.constant 16 : i32
        %mul3A_580 = arith.muli %add3A_578, %mul3A_579 : i32
        %add3A_581 = arith.addi %mul3A_2, %mul3A_580 : i32
        %run_scoped3A_582 = arith.constant 0 : i32
        "tpu.region"() ({
          %run_scoped3A_823 = tpu.sem_alloc : memref<!tpu.dma_semaphore, #tpu.memory_space<semaphore_mem>>
          %dma_start3A_824 = arith.constant 0 : i32
          %dma_start3A_825 = arith.constant 0 : i32
          %dma_start3A_826 = tpu.memref_slice %arg5[%run_scoped3A_582, %dma_start3A_824, %dma_start3A_825] : memref<2x16x128xi32, #tpu.memory_space<vmem>> -> memref<1x16x128xi32, #tpu.memory_space<vmem>>
          %dma_start3A_827 = tpu.memref_squeeze %dma_start3A_826 : memref<1x16x128xi32, #tpu.memory_space<vmem>> -> memref<16x128xi32, #tpu.memory_space<vmem>>
          %dma_start3A_828 = arith.constant 0 : i32
          %dma_start3A_829 = tpu.memref_slice %arg3[%add3A_581, %dma_start3A_828] : memref<16384x128xi32, #tpu.memory_space<hbm>> -> memref<16x128xi32, #tpu.memory_space<hbm>>
          %dma_start3A_830 = arith.constant 0 : i32
          %dma_start3A_831 = arith.constant 0 : i32
          %dma_start3A_832 = tpu.memref_slice %arg5[%run_scoped3A_582, %dma_start3A_830, %dma_start3A_831] : memref<2x16x128xi32, #tpu.memory_space<vmem>> -> memref<1x16x128xi32, #tpu.memory_space<vmem>>
          %dma_start3A_833 = tpu.memref_squeeze %dma_start3A_832 : memref<1x16x128xi32, #tpu.memory_space<vmem>> -> memref<16x128xi32, #tpu.memory_space<vmem>>
          %dma_start3A_834 = arith.constant 0 : i32
          %dma_start3A_835 = tpu.memref_slice %arg3[%add3A_581, %dma_start3A_834] : memref<16384x128xi32, #tpu.memory_space<hbm>> -> memref<16x128xi32, #tpu.memory_space<hbm>>
          tpu.enqueue_dma source(%dma_start3A_835 : memref<16x128xi32, #tpu.memory_space<hbm>>) target(%dma_start3A_833 : memref<16x128xi32, #tpu.memory_space<vmem>>) target_semaphore(%run_scoped3A_823 : memref<!tpu.dma_semaphore, #tpu.memory_space<semaphore_mem>>)
          %dma_wait3A_836 = arith.constant 0 : i32
          %dma_wait3A_837 = arith.constant 0 : i32
          %dma_wait3A_838 = tpu.memref_slice %arg5[%run_scoped3A_582, %dma_wait3A_836, %dma_wait3A_837] : memref<2x16x128xi32, #tpu.memory_space<vmem>> -> memref<1x16x128xi32, #tpu.memory_space<vmem>>
          %dma_wait3A_839 = tpu.memref_squeeze %dma_wait3A_838 : memref<1x16x128xi32, #tpu.memory_space<vmem>> -> memref<16x128xi32, #tpu.memory_space<vmem>>
          %dma_wait3A_840 = arith.constant 0 : i32
          %dma_wait3A_841 = tpu.memref_slice %arg3[%add3A_581, %dma_wait3A_840] : memref<16384x128xi32, #tpu.memory_space<hbm>> -> memref<16x128xi32, #tpu.memory_space<hbm>>
          %dma_wait3A_842 = arith.constant 0 : i32
          %dma_wait3A_843 = arith.constant 0 : i32
          %dma_wait3A_844 = tpu.memref_slice %arg5[%run_scoped3A_582, %dma_wait3A_842, %dma_wait3A_843] : memref<2x16x128xi32, #tpu.memory_space<vmem>> -> memref<1x16x128xi32, #tpu.memory_space<vmem>>
          %dma_wait3A_845 = tpu.memref_squeeze %dma_wait3A_844 : memref<1x16x128xi32, #tpu.memory_space<vmem>> -> memref<16x128xi32, #tpu.memory_space<vmem>>
          %dma_wait3A_846 = arith.constant 0 : i32
          %dma_wait3A_847 = tpu.memref_slice %arg3[%add3A_581, %dma_wait3A_846] : memref<16384x128xi32, #tpu.memory_space<hbm>> -> memref<16x128xi32, #tpu.memory_space<hbm>>
          tpu.wait_dma2 semaphore(%run_scoped3A_823 : memref<!tpu.dma_semaphore, #tpu.memory_space<semaphore_mem>>) src(%dma_wait3A_847 : memref<16x128xi32, #tpu.memory_space<hbm>>) dst(%dma_wait3A_845 : memref<16x128xi32, #tpu.memory_space<vmem>>)
          tpu.yield
        }) : () -> ()
        %dma_start3A_583 = arith.constant 0 : i32
        %dma_start3A_584 = arith.constant 0 : i32
        %dma_start3A_585 = arith.constant 0 : i32
        %dma_start3A_586 = arith.constant 0 : i32
        %dma_start3A_587 = arith.constant 0 : i32
        %dma_start3A_588 = tpu.memref_slice %arg6[%dma_start3A_585, %dma_start3A_586, %dma_start3A_587] : memref<2x2048x16xf32, #tpu.memory_space<vmem>> -> memref<1x128x16xf32, #tpu.memory_space<vmem>>
        %dma_start3A_589 = tpu.memref_squeeze %dma_start3A_588 : memref<1x128x16xf32, #tpu.memory_space<vmem>> -> memref<128x16xf32, #tpu.memory_space<vmem>>
        %dma_start3A_590 = arith.constant 0 : i32
        %dma_start3A_591 = tpu.memref_slice %arg5[%dma_start3A_583, %dma_start3A_584, %dma_start3A_590] : memref<2x16x128xi32, #tpu.memory_space<vmem>> -> memref<1x1x128xi32, #tpu.memory_space<vmem>>
        %dma_start3A_592 = tpu.memref_squeeze %dma_start3A_591 : memref<1x1x128xi32, #tpu.memory_space<vmem>> -> memref<128xi32, #tpu.memory_space<vmem>>
        %dma_start3A_593 = arith.constant 0 : i32
        %dma_start3A_594 = tpu.memref_slice %arg2[%mul3A_22, %dma_start3A_593] : memref<65536x16xf32, #tpu.memory_space<hbm>> -> memref<16384x16xf32, #tpu.memory_space<hbm>>
        %dma_start3A_595 = arith.constant 0 : i32
        %dma_start3A_596 = arith.constant 0 : i32
        %dma_start3A_597 = tpu.memref_slice %dma_start3A_594[%dma_start3A_595, %dma_start3A_596] : memref<16384x16xf32, #tpu.memory_space<hbm>> -> memref<16384x16xf32, #tpu.memory_space<hbm>>
        tpu.enqueue_indirect_dma source(%dma_start3A_597 : memref<16384x16xf32, #tpu.memory_space<hbm>>) target(%dma_start3A_589 : memref<128x16xf32, #tpu.memory_space<vmem>>) offsets(%dma_start3A_592 : memref<128xi32, #tpu.memory_space<vmem>>) semaphore(%arg8 : memref<!tpu.dma_semaphore, #tpu.memory_space<semaphore_mem>>)
        %dma_start3A_598 = arith.constant 0 : i32
        %dma_start3A_599 = arith.constant 1 : i32
        %dma_start3A_600 = arith.constant 0 : i32
        %dma_start3A_601 = arith.constant 128 : i32
        %dma_start3A_602 = arith.constant 0 : i32
        %dma_start3A_603 = tpu.memref_slice %arg6[%dma_start3A_600, %dma_start3A_601, %dma_start3A_602] : memref<2x2048x16xf32, #tpu.memory_space<vmem>> -> memref<1x128x16xf32, #tpu.memory_space<vmem>>
        %dma_start3A_604 = tpu.memref_squeeze %dma_start3A_603 : memref<1x128x16xf32, #tpu.memory_space<vmem>> -> memref<128x16xf32, #tpu.memory_space<vmem>>
        %dma_start3A_605 = arith.constant 0 : i32
        %dma_start3A_606 = tpu.memref_slice %arg5[%dma_start3A_598, %dma_start3A_599, %dma_start3A_605] : memref<2x16x128xi32, #tpu.memory_space<vmem>> -> memref<1x1x128xi32, #tpu.memory_space<vmem>>
        %dma_start3A_607 = tpu.memref_squeeze %dma_start3A_606 : memref<1x1x128xi32, #tpu.memory_space<vmem>> -> memref<128xi32, #tpu.memory_space<vmem>>
        %dma_start3A_608 = arith.constant 0 : i32
        %dma_start3A_609 = tpu.memref_slice %arg2[%mul3A_22, %dma_start3A_608] : memref<65536x16xf32, #tpu.memory_space<hbm>> -> memref<16384x16xf32, #tpu.memory_space<hbm>>
        %dma_start3A_610 = arith.constant 0 : i32
        %dma_start3A_611 = arith.constant 0 : i32
        %dma_start3A_612 = tpu.memref_slice %dma_start3A_609[%dma_start3A_610, %dma_start3A_611] : memref<16384x16xf32, #tpu.memory_space<hbm>> -> memref<16384x16xf32, #tpu.memory_space<hbm>>
        tpu.enqueue_indirect_dma source(%dma_start3A_612 : memref<16384x16xf32, #tpu.memory_space<hbm>>) target(%dma_start3A_604 : memref<128x16xf32, #tpu.memory_space<vmem>>) offsets(%dma_start3A_607 : memref<128xi32, #tpu.memory_space<vmem>>) semaphore(%arg8 : memref<!tpu.dma_semaphore, #tpu.memory_space<semaphore_mem>>)
        %dma_start3A_613 = arith.constant 0 : i32
        %dma_start3A_614 = arith.constant 2 : i32
        %dma_start3A_615 = arith.constant 0 : i32
        %dma_start3A_616 = arith.constant 256 : i32
        %dma_start3A_617 = arith.constant 0 : i32
        %dma_start3A_618 = tpu.memref_slice %arg6[%dma_start3A_615, %dma_start3A_616, %dma_start3A_617] : memref<2x2048x16xf32, #tpu.memory_space<vmem>> -> memref<1x128x16xf32, #tpu.memory_space<vmem>>
        %dma_start3A_619 = tpu.memref_squeeze %dma_start3A_618 : memref<1x128x16xf32, #tpu.memory_space<vmem>> -> memref<128x16xf32, #tpu.memory_space<vmem>>
        %dma_start3A_620 = arith.constant 0 : i32
        %dma_start3A_621 = tpu.memref_slice %arg5[%dma_start3A_613, %dma_start3A_614, %dma_start3A_620] : memref<2x16x128xi32, #tpu.memory_space<vmem>> -> memref<1x1x128xi32, #tpu.memory_space<vmem>>
        %dma_start3A_622 = tpu.memref_squeeze %dma_start3A_621 : memref<1x1x128xi32, #tpu.memory_space<vmem>> -> memref<128xi32, #tpu.memory_space<vmem>>
        %dma_start3A_623 = arith.constant 0 : i32
        %dma_start3A_624 = tpu.memref_slice %arg2[%mul3A_22, %dma_start3A_623] : memref<65536x16xf32, #tpu.memory_space<hbm>> -> memref<16384x16xf32, #tpu.memory_space<hbm>>
        %dma_start3A_625 = arith.constant 0 : i32
        %dma_start3A_626 = arith.constant 0 : i32
        %dma_start3A_627 = tpu.memref_slice %dma_start3A_624[%dma_start3A_625, %dma_start3A_626] : memref<16384x16xf32, #tpu.memory_space<hbm>> -> memref<16384x16xf32, #tpu.memory_space<hbm>>
        tpu.enqueue_indirect_dma source(%dma_start3A_627 : memref<16384x16xf32, #tpu.memory_space<hbm>>) target(%dma_start3A_619 : memref<128x16xf32, #tpu.memory_space<vmem>>) offsets(%dma_start3A_622 : memref<128xi32, #tpu.memory_space<vmem>>) semaphore(%arg8 : memref<!tpu.dma_semaphore, #tpu.memory_space<semaphore_mem>>)
        %dma_start3A_628 = arith.constant 0 : i32
        %dma_start3A_629 = arith.constant 3 : i32
        %dma_start3A_630 = arith.constant 0 : i32
        %dma_start3A_631 = arith.constant 384 : i32
        %dma_start3A_632 = arith.constant 0 : i32
        %dma_start3A_633 = tpu.memref_slice %arg6[%dma_start3A_630, %dma_start3A_631, %dma_start3A_632] : memref<2x2048x16xf32, #tpu.memory_space<vmem>> -> memref<1x128x16xf32, #tpu.memory_space<vmem>>
        %dma_start3A_634 = tpu.memref_squeeze %dma_start3A_633 : memref<1x128x16xf32, #tpu.memory_space<vmem>> -> memref<128x16xf32, #tpu.memory_space<vmem>>
        %dma_start3A_635 = arith.constant 0 : i32
        %dma_start3A_636 = tpu.memref_slice %arg5[%dma_start3A_628, %dma_start3A_629, %dma_start3A_635] : memref<2x16x128xi32, #tpu.memory_space<vmem>> -> memref<1x1x128xi32, #tpu.memory_space<vmem>>
        %dma_start3A_637 = tpu.memref_squeeze %dma_start3A_636 : memref<1x1x128xi32, #tpu.memory_space<vmem>> -> memref<128xi32, #tpu.memory_space<vmem>>
        %dma_start3A_638 = arith.constant 0 : i32
        %dma_start3A_639 = tpu.memref_slice %arg2[%mul3A_22, %dma_start3A_638] : memref<65536x16xf32, #tpu.memory_space<hbm>> -> memref<16384x16xf32, #tpu.memory_space<hbm>>
        %dma_start3A_640 = arith.constant 0 : i32
        %dma_start3A_641 = arith.constant 0 : i32
        %dma_start3A_642 = tpu.memref_slice %dma_start3A_639[%dma_start3A_640, %dma_start3A_641] : memref<16384x16xf32, #tpu.memory_space<hbm>> -> memref<16384x16xf32, #tpu.memory_space<hbm>>
        tpu.enqueue_indirect_dma source(%dma_start3A_642 : memref<16384x16xf32, #tpu.memory_space<hbm>>) target(%dma_start3A_634 : memref<128x16xf32, #tpu.memory_space<vmem>>) offsets(%dma_start3A_637 : memref<128xi32, #tpu.memory_space<vmem>>) semaphore(%arg8 : memref<!tpu.dma_semaphore, #tpu.memory_space<semaphore_mem>>)
        %dma_start3A_643 = arith.constant 0 : i32
        %dma_start3A_644 = arith.constant 4 : i32
        %dma_start3A_645 = arith.constant 0 : i32
        %dma_start3A_646 = arith.constant 512 : i32
        %dma_start3A_647 = arith.constant 0 : i32
        %dma_start3A_648 = tpu.memref_slice %arg6[%dma_start3A_645, %dma_start3A_646, %dma_start3A_647] : memref<2x2048x16xf32, #tpu.memory_space<vmem>> -> memref<1x128x16xf32, #tpu.memory_space<vmem>>
        %dma_start3A_649 = tpu.memref_squeeze %dma_start3A_648 : memref<1x128x16xf32, #tpu.memory_space<vmem>> -> memref<128x16xf32, #tpu.memory_space<vmem>>
        %dma_start3A_650 = arith.constant 0 : i32
        %dma_start3A_651 = tpu.memref_slice %arg5[%dma_start3A_643, %dma_start3A_644, %dma_start3A_650] : memref<2x16x128xi32, #tpu.memory_space<vmem>> -> memref<1x1x128xi32, #tpu.memory_space<vmem>>
        %dma_start3A_652 = tpu.memref_squeeze %dma_start3A_651 : memref<1x1x128xi32, #tpu.memory_space<vmem>> -> memref<128xi32, #tpu.memory_space<vmem>>
        %dma_start3A_653 = arith.constant 0 : i32
        %dma_start3A_654 = tpu.memref_slice %arg2[%mul3A_22, %dma_start3A_653] : memref<65536x16xf32, #tpu.memory_space<hbm>> -> memref<16384x16xf32, #tpu.memory_space<hbm>>
        %dma_start3A_655 = arith.constant 0 : i32
        %dma_start3A_656 = arith.constant 0 : i32
        %dma_start3A_657 = tpu.memref_slice %dma_start3A_654[%dma_start3A_655, %dma_start3A_656] : memref<16384x16xf32, #tpu.memory_space<hbm>> -> memref<16384x16xf32, #tpu.memory_space<hbm>>
        tpu.enqueue_indirect_dma source(%dma_start3A_657 : memref<16384x16xf32, #tpu.memory_space<hbm>>) target(%dma_start3A_649 : memref<128x16xf32, #tpu.memory_space<vmem>>) offsets(%dma_start3A_652 : memref<128xi32, #tpu.memory_space<vmem>>) semaphore(%arg8 : memref<!tpu.dma_semaphore, #tpu.memory_space<semaphore_mem>>)
        %dma_start3A_658 = arith.constant 0 : i32
        %dma_start3A_659 = arith.constant 5 : i32
        %dma_start3A_660 = arith.constant 0 : i32
        %dma_start3A_661 = arith.constant 640 : i32
        %dma_start3A_662 = arith.constant 0 : i32
        %dma_start3A_663 = tpu.memref_slice %arg6[%dma_start3A_660, %dma_start3A_661, %dma_start3A_662] : memref<2x2048x16xf32, #tpu.memory_space<vmem>> -> memref<1x128x16xf32, #tpu.memory_space<vmem>>
        %dma_start3A_664 = tpu.memref_squeeze %dma_start3A_663 : memref<1x128x16xf32, #tpu.memory_space<vmem>> -> memref<128x16xf32, #tpu.memory_space<vmem>>
        %dma_start3A_665 = arith.constant 0 : i32
        %dma_start3A_666 = tpu.memref_slice %arg5[%dma_start3A_658, %dma_start3A_659, %dma_start3A_665] : memref<2x16x128xi32, #tpu.memory_space<vmem>> -> memref<1x1x128xi32, #tpu.memory_space<vmem>>
        %dma_start3A_667 = tpu.memref_squeeze %dma_start3A_666 : memref<1x1x128xi32, #tpu.memory_space<vmem>> -> memref<128xi32, #tpu.memory_space<vmem>>
        %dma_start3A_668 = arith.constant 0 : i32
        %dma_start3A_669 = tpu.memref_slice %arg2[%mul3A_22, %dma_start3A_668] : memref<65536x16xf32, #tpu.memory_space<hbm>> -> memref<16384x16xf32, #tpu.memory_space<hbm>>
        %dma_start3A_670 = arith.constant 0 : i32
        %dma_start3A_671 = arith.constant 0 : i32
        %dma_start3A_672 = tpu.memref_slice %dma_start3A_669[%dma_start3A_670, %dma_start3A_671] : memref<16384x16xf32, #tpu.memory_space<hbm>> -> memref<16384x16xf32, #tpu.memory_space<hbm>>
        tpu.enqueue_indirect_dma source(%dma_start3A_672 : memref<16384x16xf32, #tpu.memory_space<hbm>>) target(%dma_start3A_664 : memref<128x16xf32, #tpu.memory_space<vmem>>) offsets(%dma_start3A_667 : memref<128xi32, #tpu.memory_space<vmem>>) semaphore(%arg8 : memref<!tpu.dma_semaphore, #tpu.memory_space<semaphore_mem>>)
        %dma_start3A_673 = arith.constant 0 : i32
        %dma_start3A_674 = arith.constant 6 : i32
        %dma_start3A_675 = arith.constant 0 : i32
        %dma_start3A_676 = arith.constant 768 : i32
        %dma_start3A_677 = arith.constant 0 : i32
        %dma_start3A_678 = tpu.memref_slice %arg6[%dma_start3A_675, %dma_start3A_676, %dma_start3A_677] : memref<2x2048x16xf32, #tpu.memory_space<vmem>> -> memref<1x128x16xf32, #tpu.memory_space<vmem>>
        %dma_start3A_679 = tpu.memref_squeeze %dma_start3A_678 : memref<1x128x16xf32, #tpu.memory_space<vmem>> -> memref<128x16xf32, #tpu.memory_space<vmem>>
        %dma_start3A_680 = arith.constant 0 : i32
        %dma_start3A_681 = tpu.memref_slice %arg5[%dma_start3A_673, %dma_start3A_674, %dma_start3A_680] : memref<2x16x128xi32, #tpu.memory_space<vmem>> -> memref<1x1x128xi32, #tpu.memory_space<vmem>>
        %dma_start3A_682 = tpu.memref_squeeze %dma_start3A_681 : memref<1x1x128xi32, #tpu.memory_space<vmem>> -> memref<128xi32, #tpu.memory_space<vmem>>
        %dma_start3A_683 = arith.constant 0 : i32
        %dma_start3A_684 = tpu.memref_slice %arg2[%mul3A_22, %dma_start3A_683] : memref<65536x16xf32, #tpu.memory_space<hbm>> -> memref<16384x16xf32, #tpu.memory_space<hbm>>
        %dma_start3A_685 = arith.constant 0 : i32
        %dma_start3A_686 = arith.constant 0 : i32
        %dma_start3A_687 = tpu.memref_slice %dma_start3A_684[%dma_start3A_685, %dma_start3A_686] : memref<16384x16xf32, #tpu.memory_space<hbm>> -> memref<16384x16xf32, #tpu.memory_space<hbm>>
        tpu.enqueue_indirect_dma source(%dma_start3A_687 : memref<16384x16xf32, #tpu.memory_space<hbm>>) target(%dma_start3A_679 : memref<128x16xf32, #tpu.memory_space<vmem>>) offsets(%dma_start3A_682 : memref<128xi32, #tpu.memory_space<vmem>>) semaphore(%arg8 : memref<!tpu.dma_semaphore, #tpu.memory_space<semaphore_mem>>)
        %dma_start3A_688 = arith.constant 0 : i32
        %dma_start3A_689 = arith.constant 7 : i32
        %dma_start3A_690 = arith.constant 0 : i32
        %dma_start3A_691 = arith.constant 896 : i32
        %dma_start3A_692 = arith.constant 0 : i32
        %dma_start3A_693 = tpu.memref_slice %arg6[%dma_start3A_690, %dma_start3A_691, %dma_start3A_692] : memref<2x2048x16xf32, #tpu.memory_space<vmem>> -> memref<1x128x16xf32, #tpu.memory_space<vmem>>
        %dma_start3A_694 = tpu.memref_squeeze %dma_start3A_693 : memref<1x128x16xf32, #tpu.memory_space<vmem>> -> memref<128x16xf32, #tpu.memory_space<vmem>>
        %dma_start3A_695 = arith.constant 0 : i32
        %dma_start3A_696 = tpu.memref_slice %arg5[%dma_start3A_688, %dma_start3A_689, %dma_start3A_695] : memref<2x16x128xi32, #tpu.memory_space<vmem>> -> memref<1x1x128xi32, #tpu.memory_space<vmem>>
        %dma_start3A_697 = tpu.memref_squeeze %dma_start3A_696 : memref<1x1x128xi32, #tpu.memory_space<vmem>> -> memref<128xi32, #tpu.memory_space<vmem>>
        %dma_start3A_698 = arith.constant 0 : i32
        %dma_start3A_699 = tpu.memref_slice %arg2[%mul3A_22, %dma_start3A_698] : memref<65536x16xf32, #tpu.memory_space<hbm>> -> memref<16384x16xf32, #tpu.memory_space<hbm>>
        %dma_start3A_700 = arith.constant 0 : i32
        %dma_start3A_701 = arith.constant 0 : i32
        %dma_start3A_702 = tpu.memref_slice %dma_start3A_699[%dma_start3A_700, %dma_start3A_701] : memref<16384x16xf32, #tpu.memory_space<hbm>> -> memref<16384x16xf32, #tpu.memory_space<hbm>>
        tpu.enqueue_indirect_dma source(%dma_start3A_702 : memref<16384x16xf32, #tpu.memory_space<hbm>>) target(%dma_start3A_694 : memref<128x16xf32, #tpu.memory_space<vmem>>) offsets(%dma_start3A_697 : memref<128xi32, #tpu.memory_space<vmem>>) semaphore(%arg8 : memref<!tpu.dma_semaphore, #tpu.memory_space<semaphore_mem>>)
        %dma_start3A_703 = arith.constant 0 : i32
        %dma_start3A_704 = arith.constant 8 : i32
        %dma_start3A_705 = arith.constant 0 : i32
        %dma_start3A_706 = arith.constant 1024 : i32
        %dma_start3A_707 = arith.constant 0 : i32
        %dma_start3A_708 = tpu.memref_slice %arg6[%dma_start3A_705, %dma_start3A_706, %dma_start3A_707] : memref<2x2048x16xf32, #tpu.memory_space<vmem>> -> memref<1x128x16xf32, #tpu.memory_space<vmem>>
        %dma_start3A_709 = tpu.memref_squeeze %dma_start3A_708 : memref<1x128x16xf32, #tpu.memory_space<vmem>> -> memref<128x16xf32, #tpu.memory_space<vmem>>
        %dma_start3A_710 = arith.constant 0 : i32
        %dma_start3A_711 = tpu.memref_slice %arg5[%dma_start3A_703, %dma_start3A_704, %dma_start3A_710] : memref<2x16x128xi32, #tpu.memory_space<vmem>> -> memref<1x1x128xi32, #tpu.memory_space<vmem>>
        %dma_start3A_712 = tpu.memref_squeeze %dma_start3A_711 : memref<1x1x128xi32, #tpu.memory_space<vmem>> -> memref<128xi32, #tpu.memory_space<vmem>>
        %dma_start3A_713 = arith.constant 0 : i32
        %dma_start3A_714 = tpu.memref_slice %arg2[%mul3A_22, %dma_start3A_713] : memref<65536x16xf32, #tpu.memory_space<hbm>> -> memref<16384x16xf32, #tpu.memory_space<hbm>>
        %dma_start3A_715 = arith.constant 0 : i32
        %dma_start3A_716 = arith.constant 0 : i32
        %dma_start3A_717 = tpu.memref_slice %dma_start3A_714[%dma_start3A_715, %dma_start3A_716] : memref<16384x16xf32, #tpu.memory_space<hbm>> -> memref<16384x16xf32, #tpu.memory_space<hbm>>
        tpu.enqueue_indirect_dma source(%dma_start3A_717 : memref<16384x16xf32, #tpu.memory_space<hbm>>) target(%dma_start3A_709 : memref<128x16xf32, #tpu.memory_space<vmem>>) offsets(%dma_start3A_712 : memref<128xi32, #tpu.memory_space<vmem>>) semaphore(%arg8 : memref<!tpu.dma_semaphore, #tpu.memory_space<semaphore_mem>>)
        %dma_start3A_718 = arith.constant 0 : i32
        %dma_start3A_719 = arith.constant 9 : i32
        %dma_start3A_720 = arith.constant 0 : i32
        %dma_start3A_721 = arith.constant 1152 : i32
        %dma_start3A_722 = arith.constant 0 : i32
        %dma_start3A_723 = tpu.memref_slice %arg6[%dma_start3A_720, %dma_start3A_721, %dma_start3A_722] : memref<2x2048x16xf32, #tpu.memory_space<vmem>> -> memref<1x128x16xf32, #tpu.memory_space<vmem>>
        %dma_start3A_724 = tpu.memref_squeeze %dma_start3A_723 : memref<1x128x16xf32, #tpu.memory_space<vmem>> -> memref<128x16xf32, #tpu.memory_space<vmem>>
        %dma_start3A_725 = arith.constant 0 : i32
        %dma_start3A_726 = tpu.memref_slice %arg5[%dma_start3A_718, %dma_start3A_719, %dma_start3A_725] : memref<2x16x128xi32, #tpu.memory_space<vmem>> -> memref<1x1x128xi32, #tpu.memory_space<vmem>>
        %dma_start3A_727 = tpu.memref_squeeze %dma_start3A_726 : memref<1x1x128xi32, #tpu.memory_space<vmem>> -> memref<128xi32, #tpu.memory_space<vmem>>
        %dma_start3A_728 = arith.constant 0 : i32
        %dma_start3A_729 = tpu.memref_slice %arg2[%mul3A_22, %dma_start3A_728] : memref<65536x16xf32, #tpu.memory_space<hbm>> -> memref<16384x16xf32, #tpu.memory_space<hbm>>
        %dma_start3A_730 = arith.constant 0 : i32
        %dma_start3A_731 = arith.constant 0 : i32
        %dma_start3A_732 = tpu.memref_slice %dma_start3A_729[%dma_start3A_730, %dma_start3A_731] : memref<16384x16xf32, #tpu.memory_space<hbm>> -> memref<16384x16xf32, #tpu.memory_space<hbm>>
        tpu.enqueue_indirect_dma source(%dma_start3A_732 : memref<16384x16xf32, #tpu.memory_space<hbm>>) target(%dma_start3A_724 : memref<128x16xf32, #tpu.memory_space<vmem>>) offsets(%dma_start3A_727 : memref<128xi32, #tpu.memory_space<vmem>>) semaphore(%arg8 : memref<!tpu.dma_semaphore, #tpu.memory_space<semaphore_mem>>)
        %dma_start3A_733 = arith.constant 0 : i32
        %dma_start3A_734 = arith.constant 10 : i32
        %dma_start3A_735 = arith.constant 0 : i32
        %dma_start3A_736 = arith.constant 1280 : i32
        %dma_start3A_737 = arith.constant 0 : i32
        %dma_start3A_738 = tpu.memref_slice %arg6[%dma_start3A_735, %dma_start3A_736, %dma_start3A_737] : memref<2x2048x16xf32, #tpu.memory_space<vmem>> -> memref<1x128x16xf32, #tpu.memory_space<vmem>>
        %dma_start3A_739 = tpu.memref_squeeze %dma_start3A_738 : memref<1x128x16xf32, #tpu.memory_space<vmem>> -> memref<128x16xf32, #tpu.memory_space<vmem>>
        %dma_start3A_740 = arith.constant 0 : i32
        %dma_start3A_741 = tpu.memref_slice %arg5[%dma_start3A_733, %dma_start3A_734, %dma_start3A_740] : memref<2x16x128xi32, #tpu.memory_space<vmem>> -> memref<1x1x128xi32, #tpu.memory_space<vmem>>
        %dma_start3A_742 = tpu.memref_squeeze %dma_start3A_741 : memref<1x1x128xi32, #tpu.memory_space<vmem>> -> memref<128xi32, #tpu.memory_space<vmem>>
        %dma_start3A_743 = arith.constant 0 : i32
        %dma_start3A_744 = tpu.memref_slice %arg2[%mul3A_22, %dma_start3A_743] : memref<65536x16xf32, #tpu.memory_space<hbm>> -> memref<16384x16xf32, #tpu.memory_space<hbm>>
        %dma_start3A_745 = arith.constant 0 : i32
        %dma_start3A_746 = arith.constant 0 : i32
        %dma_start3A_747 = tpu.memref_slice %dma_start3A_744[%dma_start3A_745, %dma_start3A_746] : memref<16384x16xf32, #tpu.memory_space<hbm>> -> memref<16384x16xf32, #tpu.memory_space<hbm>>
        tpu.enqueue_indirect_dma source(%dma_start3A_747 : memref<16384x16xf32, #tpu.memory_space<hbm>>) target(%dma_start3A_739 : memref<128x16xf32, #tpu.memory_space<vmem>>) offsets(%dma_start3A_742 : memref<128xi32, #tpu.memory_space<vmem>>) semaphore(%arg8 : memref<!tpu.dma_semaphore, #tpu.memory_space<semaphore_mem>>)
        %dma_start3A_748 = arith.constant 0 : i32
        %dma_start3A_749 = arith.constant 11 : i32
        %dma_start3A_750 = arith.constant 0 : i32
        %dma_start3A_751 = arith.constant 1408 : i32
        %dma_start3A_752 = arith.constant 0 : i32
        %dma_start3A_753 = tpu.memref_slice %arg6[%dma_start3A_750, %dma_start3A_751, %dma_start3A_752] : memref<2x2048x16xf32, #tpu.memory_space<vmem>> -> memref<1x128x16xf32, #tpu.memory_space<vmem>>
        %dma_start3A_754 = tpu.memref_squeeze %dma_start3A_753 : memref<1x128x16xf32, #tpu.memory_space<vmem>> -> memref<128x16xf32, #tpu.memory_space<vmem>>
        %dma_start3A_755 = arith.constant 0 : i32
        %dma_start3A_756 = tpu.memref_slice %arg5[%dma_start3A_748, %dma_start3A_749, %dma_start3A_755] : memref<2x16x128xi32, #tpu.memory_space<vmem>> -> memref<1x1x128xi32, #tpu.memory_space<vmem>>
        %dma_start3A_757 = tpu.memref_squeeze %dma_start3A_756 : memref<1x1x128xi32, #tpu.memory_space<vmem>> -> memref<128xi32, #tpu.memory_space<vmem>>
        %dma_start3A_758 = arith.constant 0 : i32
        %dma_start3A_759 = tpu.memref_slice %arg2[%mul3A_22, %dma_start3A_758] : memref<65536x16xf32, #tpu.memory_space<hbm>> -> memref<16384x16xf32, #tpu.memory_space<hbm>>
        %dma_start3A_760 = arith.constant 0 : i32
        %dma_start3A_761 = arith.constant 0 : i32
        %dma_start3A_762 = tpu.memref_slice %dma_start3A_759[%dma_start3A_760, %dma_start3A_761] : memref<16384x16xf32, #tpu.memory_space<hbm>> -> memref<16384x16xf32, #tpu.memory_space<hbm>>
        tpu.enqueue_indirect_dma source(%dma_start3A_762 : memref<16384x16xf32, #tpu.memory_space<hbm>>) target(%dma_start3A_754 : memref<128x16xf32, #tpu.memory_space<vmem>>) offsets(%dma_start3A_757 : memref<128xi32, #tpu.memory_space<vmem>>) semaphore(%arg8 : memref<!tpu.dma_semaphore, #tpu.memory_space<semaphore_mem>>)
        %dma_start3A_763 = arith.constant 0 : i32
        %dma_start3A_764 = arith.constant 12 : i32
        %dma_start3A_765 = arith.constant 0 : i32
        %dma_start3A_766 = arith.constant 1536 : i32
        %dma_start3A_767 = arith.constant 0 : i32
        %dma_start3A_768 = tpu.memref_slice %arg6[%dma_start3A_765, %dma_start3A_766, %dma_start3A_767] : memref<2x2048x16xf32, #tpu.memory_space<vmem>> -> memref<1x128x16xf32, #tpu.memory_space<vmem>>
        %dma_start3A_769 = tpu.memref_squeeze %dma_start3A_768 : memref<1x128x16xf32, #tpu.memory_space<vmem>> -> memref<128x16xf32, #tpu.memory_space<vmem>>
        %dma_start3A_770 = arith.constant 0 : i32
        %dma_start3A_771 = tpu.memref_slice %arg5[%dma_start3A_763, %dma_start3A_764, %dma_start3A_770] : memref<2x16x128xi32, #tpu.memory_space<vmem>> -> memref<1x1x128xi32, #tpu.memory_space<vmem>>
        %dma_start3A_772 = tpu.memref_squeeze %dma_start3A_771 : memref<1x1x128xi32, #tpu.memory_space<vmem>> -> memref<128xi32, #tpu.memory_space<vmem>>
        %dma_start3A_773 = arith.constant 0 : i32
        %dma_start3A_774 = tpu.memref_slice %arg2[%mul3A_22, %dma_start3A_773] : memref<65536x16xf32, #tpu.memory_space<hbm>> -> memref<16384x16xf32, #tpu.memory_space<hbm>>
        %dma_start3A_775 = arith.constant 0 : i32
        %dma_start3A_776 = arith.constant 0 : i32
        %dma_start3A_777 = tpu.memref_slice %dma_start3A_774[%dma_start3A_775, %dma_start3A_776] : memref<16384x16xf32, #tpu.memory_space<hbm>> -> memref<16384x16xf32, #tpu.memory_space<hbm>>
        tpu.enqueue_indirect_dma source(%dma_start3A_777 : memref<16384x16xf32, #tpu.memory_space<hbm>>) target(%dma_start3A_769 : memref<128x16xf32, #tpu.memory_space<vmem>>) offsets(%dma_start3A_772 : memref<128xi32, #tpu.memory_space<vmem>>) semaphore(%arg8 : memref<!tpu.dma_semaphore, #tpu.memory_space<semaphore_mem>>)
        %dma_start3A_778 = arith.constant 0 : i32
        %dma_start3A_779 = arith.constant 13 : i32
        %dma_start3A_780 = arith.constant 0 : i32
        %dma_start3A_781 = arith.constant 1664 : i32
        %dma_start3A_782 = arith.constant 0 : i32
        %dma_start3A_783 = tpu.memref_slice %arg6[%dma_start3A_780, %dma_start3A_781, %dma_start3A_782] : memref<2x2048x16xf32, #tpu.memory_space<vmem>> -> memref<1x128x16xf32, #tpu.memory_space<vmem>>
        %dma_start3A_784 = tpu.memref_squeeze %dma_start3A_783 : memref<1x128x16xf32, #tpu.memory_space<vmem>> -> memref<128x16xf32, #tpu.memory_space<vmem>>
        %dma_start3A_785 = arith.constant 0 : i32
        %dma_start3A_786 = tpu.memref_slice %arg5[%dma_start3A_778, %dma_start3A_779, %dma_start3A_785] : memref<2x16x128xi32, #tpu.memory_space<vmem>> -> memref<1x1x128xi32, #tpu.memory_space<vmem>>
        %dma_start3A_787 = tpu.memref_squeeze %dma_start3A_786 : memref<1x1x128xi32, #tpu.memory_space<vmem>> -> memref<128xi32, #tpu.memory_space<vmem>>
        %dma_start3A_788 = arith.constant 0 : i32
        %dma_start3A_789 = tpu.memref_slice %arg2[%mul3A_22, %dma_start3A_788] : memref<65536x16xf32, #tpu.memory_space<hbm>> -> memref<16384x16xf32, #tpu.memory_space<hbm>>
        %dma_start3A_790 = arith.constant 0 : i32
        %dma_start3A_791 = arith.constant 0 : i32
        %dma_start3A_792 = tpu.memref_slice %dma_start3A_789[%dma_start3A_790, %dma_start3A_791] : memref<16384x16xf32, #tpu.memory_space<hbm>> -> memref<16384x16xf32, #tpu.memory_space<hbm>>
        tpu.enqueue_indirect_dma source(%dma_start3A_792 : memref<16384x16xf32, #tpu.memory_space<hbm>>) target(%dma_start3A_784 : memref<128x16xf32, #tpu.memory_space<vmem>>) offsets(%dma_start3A_787 : memref<128xi32, #tpu.memory_space<vmem>>) semaphore(%arg8 : memref<!tpu.dma_semaphore, #tpu.memory_space<semaphore_mem>>)
        %dma_start3A_793 = arith.constant 0 : i32
        %dma_start3A_794 = arith.constant 14 : i32
        %dma_start3A_795 = arith.constant 0 : i32
        %dma_start3A_796 = arith.constant 1792 : i32
        %dma_start3A_797 = arith.constant 0 : i32
        %dma_start3A_798 = tpu.memref_slice %arg6[%dma_start3A_795, %dma_start3A_796, %dma_start3A_797] : memref<2x2048x16xf32, #tpu.memory_space<vmem>> -> memref<1x128x16xf32, #tpu.memory_space<vmem>>
        %dma_start3A_799 = tpu.memref_squeeze %dma_start3A_798 : memref<1x128x16xf32, #tpu.memory_space<vmem>> -> memref<128x16xf32, #tpu.memory_space<vmem>>
        %dma_start3A_800 = arith.constant 0 : i32
        %dma_start3A_801 = tpu.memref_slice %arg5[%dma_start3A_793, %dma_start3A_794, %dma_start3A_800] : memref<2x16x128xi32, #tpu.memory_space<vmem>> -> memref<1x1x128xi32, #tpu.memory_space<vmem>>
        %dma_start3A_802 = tpu.memref_squeeze %dma_start3A_801 : memref<1x1x128xi32, #tpu.memory_space<vmem>> -> memref<128xi32, #tpu.memory_space<vmem>>
        %dma_start3A_803 = arith.constant 0 : i32
        %dma_start3A_804 = tpu.memref_slice %arg2[%mul3A_22, %dma_start3A_803] : memref<65536x16xf32, #tpu.memory_space<hbm>> -> memref<16384x16xf32, #tpu.memory_space<hbm>>
        %dma_start3A_805 = arith.constant 0 : i32
        %dma_start3A_806 = arith.constant 0 : i32
        %dma_start3A_807 = tpu.memref_slice %dma_start3A_804[%dma_start3A_805, %dma_start3A_806] : memref<16384x16xf32, #tpu.memory_space<hbm>> -> memref<16384x16xf32, #tpu.memory_space<hbm>>
        tpu.enqueue_indirect_dma source(%dma_start3A_807 : memref<16384x16xf32, #tpu.memory_space<hbm>>) target(%dma_start3A_799 : memref<128x16xf32, #tpu.memory_space<vmem>>) offsets(%dma_start3A_802 : memref<128xi32, #tpu.memory_space<vmem>>) semaphore(%arg8 : memref<!tpu.dma_semaphore, #tpu.memory_space<semaphore_mem>>)
        %dma_start3A_808 = arith.constant 0 : i32
        %dma_start3A_809 = arith.constant 15 : i32
        %dma_start3A_810 = arith.constant 0 : i32
        %dma_start3A_811 = arith.constant 1920 : i32
        %dma_start3A_812 = arith.constant 0 : i32
        %dma_start3A_813 = tpu.memref_slice %arg6[%dma_start3A_810, %dma_start3A_811, %dma_start3A_812] : memref<2x2048x16xf32, #tpu.memory_space<vmem>> -> memref<1x128x16xf32, #tpu.memory_space<vmem>>
        %dma_start3A_814 = tpu.memref_squeeze %dma_start3A_813 : memref<1x128x16xf32, #tpu.memory_space<vmem>> -> memref<128x16xf32, #tpu.memory_space<vmem>>
        %dma_start3A_815 = arith.constant 0 : i32
        %dma_start3A_816 = tpu.memref_slice %arg5[%dma_start3A_808, %dma_start3A_809, %dma_start3A_815] : memref<2x16x128xi32, #tpu.memory_space<vmem>> -> memref<1x1x128xi32, #tpu.memory_space<vmem>>
        %dma_start3A_817 = tpu.memref_squeeze %dma_start3A_816 : memref<1x1x128xi32, #tpu.memory_space<vmem>> -> memref<128xi32, #tpu.memory_space<vmem>>
        %dma_start3A_818 = arith.constant 0 : i32
        %dma_start3A_819 = tpu.memref_slice %arg2[%mul3A_22, %dma_start3A_818] : memref<65536x16xf32, #tpu.memory_space<hbm>> -> memref<16384x16xf32, #tpu.memory_space<hbm>>
        %dma_start3A_820 = arith.constant 0 : i32
        %dma_start3A_821 = arith.constant 0 : i32
        %dma_start3A_822 = tpu.memref_slice %dma_start3A_819[%dma_start3A_820, %dma_start3A_821] : memref<16384x16xf32, #tpu.memory_space<hbm>> -> memref<16384x16xf32, #tpu.memory_space<hbm>>
        tpu.enqueue_indirect_dma source(%dma_start3A_822 : memref<16384x16xf32, #tpu.memory_space<hbm>>) target(%dma_start3A_814 : memref<128x16xf32, #tpu.memory_space<vmem>>) offsets(%dma_start3A_817 : memref<128xi32, #tpu.memory_space<vmem>>) semaphore(%arg8 : memref<!tpu.dma_semaphore, #tpu.memory_space<semaphore_mem>>)
      } else {
      }
      %dma_wait3A_541 = arith.constant 1 : i32
      %dma_wait3A_542 = arith.constant 0 : i32
      %dma_wait3A_543 = arith.constant 0 : i32
      %dma_wait3A_544 = tpu.memref_slice %arg6[%dma_wait3A_541, %dma_wait3A_542, %dma_wait3A_543] : memref<2x2048x16xf32, #tpu.memory_space<vmem>> -> memref<1x2048x16xf32, #tpu.memory_space<vmem>>
      %dma_wait3A_545 = tpu.memref_squeeze %dma_wait3A_544 : memref<1x2048x16xf32, #tpu.memory_space<vmem>> -> memref<2048x16xf32, #tpu.memory_space<vmem>>
      %dma_wait3A_546 = arith.constant 0 : i32
      %dma_wait3A_547 = arith.constant 0 : i32
      %dma_wait3A_548 = tpu.memref_slice %arg2[%dma_wait3A_546, %dma_wait3A_547] : memref<65536x16xf32, #tpu.memory_space<hbm>> -> memref<2048x16xf32, #tpu.memory_space<hbm>>
      %dma_wait3A_549 = arith.constant 0 : i32
      %dma_wait3A_550 = arith.constant 0 : i32
      %dma_wait3A_551 = tpu.memref_slice %arg6[%dma_wait3A_541, %dma_wait3A_549, %dma_wait3A_550] : memref<2x2048x16xf32, #tpu.memory_space<vmem>> -> memref<1x2048x16xf32, #tpu.memory_space<vmem>>
      %dma_wait3A_552 = tpu.memref_squeeze %dma_wait3A_551 : memref<1x2048x16xf32, #tpu.memory_space<vmem>> -> memref<2048x16xf32, #tpu.memory_space<vmem>>
      %dma_wait3A_553 = arith.constant 0 : i32
      %dma_wait3A_554 = arith.constant 0 : i32
      %dma_wait3A_555 = tpu.memref_slice %arg2[%dma_wait3A_553, %dma_wait3A_554] : memref<65536x16xf32, #tpu.memory_space<hbm>> -> memref<2048x16xf32, #tpu.memory_space<hbm>>
      tpu.wait_dma2 semaphore(%arg9 : memref<!tpu.dma_semaphore, #tpu.memory_space<semaphore_mem>>) src(%dma_wait3A_555 : memref<2048x16xf32, #tpu.memory_space<hbm>>) dst(%dma_wait3A_552 : memref<2048x16xf32, #tpu.memory_space<vmem>>)
      %mul3A_556 = arith.constant 2 : i32
      %mul3A_557 = arith.muli %mul3A_556, %scan3A_512 : i32
      %add3A_558 = arith.constant 1 : i32
      %add3A_559 = arith.addi %mul3A_557, %add3A_558 : i32
      %scan3A_560 = arith.constant 0 : i32
      %scan3A_561 = arith.constant 0 : i32
      %scan3A_562 = arith.constant 64 : i32
      %scan3A_563 = arith.addi %scan3A_561, %scan3A_562 : i32
      %scan3A_564 = arith.constant 2 : i32
      scf.for %scan3A_575 = %scan3A_561 to %scan3A_563 step %scan3A_564  : i32 {
        %mul3A_576 = arith.constant 32 : i32
        %mul3A_577 = arith.muli %scan3A_575, %mul3A_576 : i32
        %get3A = arith.constant 1 : i32
        %get3A_578 = arith.index_cast %get3A : i32 to index
        %get3A_579 = arith.index_cast %mul3A_577 : i32 to index
        %get3A_580 = arith.constant 0 : index
        %get3A_581 = tpu.vector_load %arg6[%get3A_578, %get3A_579, %get3A_580] {strides = array<i32>} : memref<2x2048x16xf32, #tpu.memory_space<vmem>>, vector<1x1x16xf32>,
        %get3A_582 = vector.shape_cast %get3A_581 : vector<1x1x16xf32> to vector<16xf32>
        %add3A_583 = arith.constant 1 : i32
        %add3A_584 = arith.addi %mul3A_577, %add3A_583 : i32
        %get3A_585 = arith.constant 1 : i32
        %get3A_586 = arith.index_cast %get3A_585 : i32 to index
        %get3A_587 = arith.index_cast %add3A_584 : i32 to index
        %get3A_588 = arith.constant 0 : index
        %get3A_589 = tpu.vector_load %arg6[%get3A_586, %get3A_587, %get3A_588] {strides = array<i32>} : memref<2x2048x16xf32, #tpu.memory_space<vmem>>, vector<1x1x16xf32>,
        %get3A_590 = vector.shape_cast %get3A_589 : vector<1x1x16xf32> to vector<16xf32>
        %max3A = arith.maximumf %get3A_582, %get3A_590 : vector<16xf32>
        %add3A_591 = arith.constant 2 : i32
        %add3A_592 = arith.addi %mul3A_577, %add3A_591 : i32
        %get3A_593 = arith.constant 1 : i32
        %get3A_594 = arith.index_cast %get3A_593 : i32 to index
        %get3A_595 = arith.index_cast %add3A_592 : i32 to index
        %get3A_596 = arith.constant 0 : index
        %get3A_597 = tpu.vector_load %arg6[%get3A_594, %get3A_595, %get3A_596] {strides = array<i32>} : memref<2x2048x16xf32, #tpu.memory_space<vmem>>, vector<1x1x16xf32>,
        %get3A_598 = vector.shape_cast %get3A_597 : vector<1x1x16xf32> to vector<16xf32>
        %max3A_599 = arith.maximumf %max3A, %get3A_598 : vector<16xf32>
        %add3A_600 = arith.constant 3 : i32
        %add3A_601 = arith.addi %mul3A_577, %add3A_600 : i32
        %get3A_602 = arith.constant 1 : i32
        %get3A_603 = arith.index_cast %get3A_602 : i32 to index
        %get3A_604 = arith.index_cast %add3A_601 : i32 to index
        %get3A_605 = arith.constant 0 : index
        %get3A_606 = tpu.vector_load %arg6[%get3A_603, %get3A_604, %get3A_605] {strides = array<i32>} : memref<2x2048x16xf32, #tpu.memory_space<vmem>>, vector<1x1x16xf32>,
        %get3A_607 = vector.shape_cast %get3A_606 : vector<1x1x16xf32> to vector<16xf32>
        %max3A_608 = arith.maximumf %max3A_599, %get3A_607 : vector<16xf32>
        %add3A_609 = arith.constant 4 : i32
        %add3A_610 = arith.addi %mul3A_577, %add3A_609 : i32
        %get3A_611 = arith.constant 1 : i32
        %get3A_612 = arith.index_cast %get3A_611 : i32 to index
        %get3A_613 = arith.index_cast %add3A_610 : i32 to index
        %get3A_614 = arith.constant 0 : index
        %get3A_615 = tpu.vector_load %arg6[%get3A_612, %get3A_613, %get3A_614] {strides = array<i32>} : memref<2x2048x16xf32, #tpu.memory_space<vmem>>, vector<1x1x16xf32>,
        %get3A_616 = vector.shape_cast %get3A_615 : vector<1x1x16xf32> to vector<16xf32>
        %max3A_617 = arith.maximumf %max3A_608, %get3A_616 : vector<16xf32>
        %add3A_618 = arith.constant 5 : i32
        %add3A_619 = arith.addi %mul3A_577, %add3A_618 : i32
        %get3A_620 = arith.constant 1 : i32
        %get3A_621 = arith.index_cast %get3A_620 : i32 to index
        %get3A_622 = arith.index_cast %add3A_619 : i32 to index
        %get3A_623 = arith.constant 0 : index
        %get3A_624 = tpu.vector_load %arg6[%get3A_621, %get3A_622, %get3A_623] {strides = array<i32>} : memref<2x2048x16xf32, #tpu.memory_space<vmem>>, vector<1x1x16xf32>,
        %get3A_625 = vector.shape_cast %get3A_624 : vector<1x1x16xf32> to vector<16xf32>
        %max3A_626 = arith.maximumf %max3A_617, %get3A_625 : vector<16xf32>
        %add3A_627 = arith.constant 6 : i32
        %add3A_628 = arith.addi %mul3A_577, %add3A_627 : i32
        %get3A_629 = arith.constant 1 : i32
        %get3A_630 = arith.index_cast %get3A_629 : i32 to index
        %get3A_631 = arith.index_cast %add3A_628 : i32 to index
        %get3A_632 = arith.constant 0 : index
        %get3A_633 = tpu.vector_load %arg6[%get3A_630, %get3A_631, %get3A_632] {strides = array<i32>} : memref<2x2048x16xf32, #tpu.memory_space<vmem>>, vector<1x1x16xf32>,
        %get3A_634 = vector.shape_cast %get3A_633 : vector<1x1x16xf32> to vector<16xf32>
        %max3A_635 = arith.maximumf %max3A_626, %get3A_634 : vector<16xf32>
        %add3A_636 = arith.constant 7 : i32
        %add3A_637 = arith.addi %mul3A_577, %add3A_636 : i32
        %get3A_638 = arith.constant 1 : i32
        %get3A_639 = arith.index_cast %get3A_638 : i32 to index
        %get3A_640 = arith.index_cast %add3A_637 : i32 to index
        %get3A_641 = arith.constant 0 : index
        %get3A_642 = tpu.vector_load %arg6[%get3A_639, %get3A_640, %get3A_641] {strides = array<i32>} : memref<2x2048x16xf32, #tpu.memory_space<vmem>>, vector<1x1x16xf32>,
        %get3A_643 = vector.shape_cast %get3A_642 : vector<1x1x16xf32> to vector<16xf32>
        %max3A_644 = arith.maximumf %max3A_635, %get3A_643 : vector<16xf32>
        %add3A_645 = arith.constant 8 : i32
        %add3A_646 = arith.addi %mul3A_577, %add3A_645 : i32
        %get3A_647 = arith.constant 1 : i32
        %get3A_648 = arith.index_cast %get3A_647 : i32 to index
        %get3A_649 = arith.index_cast %add3A_646 : i32 to index
        %get3A_650 = arith.constant 0 : index
        %get3A_651 = tpu.vector_load %arg6[%get3A_648, %get3A_649, %get3A_650] {strides = array<i32>} : memref<2x2048x16xf32, #tpu.memory_space<vmem>>, vector<1x1x16xf32>,
        %get3A_652 = vector.shape_cast %get3A_651 : vector<1x1x16xf32> to vector<16xf32>
        %max3A_653 = arith.maximumf %max3A_644, %get3A_652 : vector<16xf32>
        %add3A_654 = arith.constant 9 : i32
        %add3A_655 = arith.addi %mul3A_577, %add3A_654 : i32
        %get3A_656 = arith.constant 1 : i32
        %get3A_657 = arith.index_cast %get3A_656 : i32 to index
        %get3A_658 = arith.index_cast %add3A_655 : i32 to index
        %get3A_659 = arith.constant 0 : index
        %get3A_660 = tpu.vector_load %arg6[%get3A_657, %get3A_658, %get3A_659] {strides = array<i32>} : memref<2x2048x16xf32, #tpu.memory_space<vmem>>, vector<1x1x16xf32>,
        %get3A_661 = vector.shape_cast %get3A_660 : vector<1x1x16xf32> to vector<16xf32>
        %max3A_662 = arith.maximumf %max3A_653, %get3A_661 : vector<16xf32>
        %add3A_663 = arith.constant 10 : i32
        %add3A_664 = arith.addi %mul3A_577, %add3A_663 : i32
        %get3A_665 = arith.constant 1 : i32
        %get3A_666 = arith.index_cast %get3A_665 : i32 to index
        %get3A_667 = arith.index_cast %add3A_664 : i32 to index
        %get3A_668 = arith.constant 0 : index
        %get3A_669 = tpu.vector_load %arg6[%get3A_666, %get3A_667, %get3A_668] {strides = array<i32>} : memref<2x2048x16xf32, #tpu.memory_space<vmem>>, vector<1x1x16xf32>,
        %get3A_670 = vector.shape_cast %get3A_669 : vector<1x1x16xf32> to vector<16xf32>
        %max3A_671 = arith.maximumf %max3A_662, %get3A_670 : vector<16xf32>
        %add3A_672 = arith.constant 11 : i32
        %add3A_673 = arith.addi %mul3A_577, %add3A_672 : i32
        %get3A_674 = arith.constant 1 : i32
        %get3A_675 = arith.index_cast %get3A_674 : i32 to index
        %get3A_676 = arith.index_cast %add3A_673 : i32 to index
        %get3A_677 = arith.constant 0 : index
        %get3A_678 = tpu.vector_load %arg6[%get3A_675, %get3A_676, %get3A_677] {strides = array<i32>} : memref<2x2048x16xf32, #tpu.memory_space<vmem>>, vector<1x1x16xf32>,
        %get3A_679 = vector.shape_cast %get3A_678 : vector<1x1x16xf32> to vector<16xf32>
        %max3A_680 = arith.maximumf %max3A_671, %get3A_679 : vector<16xf32>
        %add3A_681 = arith.constant 12 : i32
        %add3A_682 = arith.addi %mul3A_577, %add3A_681 : i32
        %get3A_683 = arith.constant 1 : i32
        %get3A_684 = arith.index_cast %get3A_683 : i32 to index
        %get3A_685 = arith.index_cast %add3A_682 : i32 to index
        %get3A_686 = arith.constant 0 : index
        %get3A_687 = tpu.vector_load %arg6[%get3A_684, %get3A_685, %get3A_686] {strides = array<i32>} : memref<2x2048x16xf32, #tpu.memory_space<vmem>>, vector<1x1x16xf32>,
        %get3A_688 = vector.shape_cast %get3A_687 : vector<1x1x16xf32> to vector<16xf32>
        %max3A_689 = arith.maximumf %max3A_680, %get3A_688 : vector<16xf32>
        %add3A_690 = arith.constant 13 : i32
        %add3A_691 = arith.addi %mul3A_577, %add3A_690 : i32
        %get3A_692 = arith.constant 1 : i32
        %get3A_693 = arith.index_cast %get3A_692 : i32 to index
        %get3A_694 = arith.index_cast %add3A_691 : i32 to index
        %get3A_695 = arith.constant 0 : index
        %get3A_696 = tpu.vector_load %arg6[%get3A_693, %get3A_694, %get3A_695] {strides = array<i32>} : memref<2x2048x16xf32, #tpu.memory_space<vmem>>, vector<1x1x16xf32>,
        %get3A_697 = vector.shape_cast %get3A_696 : vector<1x1x16xf32> to vector<16xf32>
        %max3A_698 = arith.maximumf %max3A_689, %get3A_697 : vector<16xf32>
        %add3A_699 = arith.constant 14 : i32
        %add3A_700 = arith.addi %mul3A_577, %add3A_699 : i32
        %get3A_701 = arith.constant 1 : i32
        %get3A_702 = arith.index_cast %get3A_701 : i32 to index
        %get3A_703 = arith.index_cast %add3A_700 : i32 to index
        %get3A_704 = arith.constant 0 : index
        %get3A_705 = tpu.vector_load %arg6[%get3A_702, %get3A_703, %get3A_704] {strides = array<i32>} : memref<2x2048x16xf32, #tpu.memory_space<vmem>>, vector<1x1x16xf32>,
        %get3A_706 = vector.shape_cast %get3A_705 : vector<1x1x16xf32> to vector<16xf32>
        %max3A_707 = arith.maximumf %max3A_698, %get3A_706 : vector<16xf32>
        %add3A_708 = arith.constant 15 : i32
        %add3A_709 = arith.addi %mul3A_577, %add3A_708 : i32
        %get3A_710 = arith.constant 1 : i32
        %get3A_711 = arith.index_cast %get3A_710 : i32 to index
        %get3A_712 = arith.index_cast %add3A_709 : i32 to index
        %get3A_713 = arith.constant 0 : index
        %get3A_714 = tpu.vector_load %arg6[%get3A_711, %get3A_712, %get3A_713] {strides = array<i32>} : memref<2x2048x16xf32, #tpu.memory_space<vmem>>, vector<1x1x16xf32>,
        %get3A_715 = vector.shape_cast %get3A_714 : vector<1x1x16xf32> to vector<16xf32>
        %max3A_716 = arith.maximumf %max3A_707, %get3A_715 : vector<16xf32>
        %add3A_717 = arith.constant 16 : i32
        %add3A_718 = arith.addi %mul3A_577, %add3A_717 : i32
        %get3A_719 = arith.constant 1 : i32
        %get3A_720 = arith.index_cast %get3A_719 : i32 to index
        %get3A_721 = arith.index_cast %add3A_718 : i32 to index
        %get3A_722 = arith.constant 0 : index
        %get3A_723 = tpu.vector_load %arg6[%get3A_720, %get3A_721, %get3A_722] {strides = array<i32>} : memref<2x2048x16xf32, #tpu.memory_space<vmem>>, vector<1x1x16xf32>,
        %get3A_724 = vector.shape_cast %get3A_723 : vector<1x1x16xf32> to vector<16xf32>
        %max3A_725 = arith.maximumf %max3A_716, %get3A_724 : vector<16xf32>
        %add3A_726 = arith.constant 17 : i32
        %add3A_727 = arith.addi %mul3A_577, %add3A_726 : i32
        %get3A_728 = arith.constant 1 : i32
        %get3A_729 = arith.index_cast %get3A_728 : i32 to index
        %get3A_730 = arith.index_cast %add3A_727 : i32 to index
        %get3A_731 = arith.constant 0 : index
        %get3A_732 = tpu.vector_load %arg6[%get3A_729, %get3A_730, %get3A_731] {strides = array<i32>} : memref<2x2048x16xf32, #tpu.memory_space<vmem>>, vector<1x1x16xf32>,
        %get3A_733 = vector.shape_cast %get3A_732 : vector<1x1x16xf32> to vector<16xf32>
        %max3A_734 = arith.maximumf %max3A_725, %get3A_733 : vector<16xf32>
        %add3A_735 = arith.constant 18 : i32
        %add3A_736 = arith.addi %mul3A_577, %add3A_735 : i32
        %get3A_737 = arith.constant 1 : i32
        %get3A_738 = arith.index_cast %get3A_737 : i32 to index
        %get3A_739 = arith.index_cast %add3A_736 : i32 to index
        %get3A_740 = arith.constant 0 : index
        %get3A_741 = tpu.vector_load %arg6[%get3A_738, %get3A_739, %get3A_740] {strides = array<i32>} : memref<2x2048x16xf32, #tpu.memory_space<vmem>>, vector<1x1x16xf32>,
        %get3A_742 = vector.shape_cast %get3A_741 : vector<1x1x16xf32> to vector<16xf32>
        %max3A_743 = arith.maximumf %max3A_734, %get3A_742 : vector<16xf32>
        %add3A_744 = arith.constant 19 : i32
        %add3A_745 = arith.addi %mul3A_577, %add3A_744 : i32
        %get3A_746 = arith.constant 1 : i32
        %get3A_747 = arith.index_cast %get3A_746 : i32 to index
        %get3A_748 = arith.index_cast %add3A_745 : i32 to index
        %get3A_749 = arith.constant 0 : index
        %get3A_750 = tpu.vector_load %arg6[%get3A_747, %get3A_748, %get3A_749] {strides = array<i32>} : memref<2x2048x16xf32, #tpu.memory_space<vmem>>, vector<1x1x16xf32>,
        %get3A_751 = vector.shape_cast %get3A_750 : vector<1x1x16xf32> to vector<16xf32>
        %max3A_752 = arith.maximumf %max3A_743, %get3A_751 : vector<16xf32>
        %add3A_753 = arith.constant 20 : i32
        %add3A_754 = arith.addi %mul3A_577, %add3A_753 : i32
        %get3A_755 = arith.constant 1 : i32
        %get3A_756 = arith.index_cast %get3A_755 : i32 to index
        %get3A_757 = arith.index_cast %add3A_754 : i32 to index
        %get3A_758 = arith.constant 0 : index
        %get3A_759 = tpu.vector_load %arg6[%get3A_756, %get3A_757, %get3A_758] {strides = array<i32>} : memref<2x2048x16xf32, #tpu.memory_space<vmem>>, vector<1x1x16xf32>,
        %get3A_760 = vector.shape_cast %get3A_759 : vector<1x1x16xf32> to vector<16xf32>
        %max3A_761 = arith.maximumf %max3A_752, %get3A_760 : vector<16xf32>
        %add3A_762 = arith.constant 21 : i32
        %add3A_763 = arith.addi %mul3A_577, %add3A_762 : i32
        %get3A_764 = arith.constant 1 : i32
        %get3A_765 = arith.index_cast %get3A_764 : i32 to index
        %get3A_766 = arith.index_cast %add3A_763 : i32 to index
        %get3A_767 = arith.constant 0 : index
        %get3A_768 = tpu.vector_load %arg6[%get3A_765, %get3A_766, %get3A_767] {strides = array<i32>} : memref<2x2048x16xf32, #tpu.memory_space<vmem>>, vector<1x1x16xf32>,
        %get3A_769 = vector.shape_cast %get3A_768 : vector<1x1x16xf32> to vector<16xf32>
        %max3A_770 = arith.maximumf %max3A_761, %get3A_769 : vector<16xf32>
        %add3A_771 = arith.constant 22 : i32
        %add3A_772 = arith.addi %mul3A_577, %add3A_771 : i32
        %get3A_773 = arith.constant 1 : i32
        %get3A_774 = arith.index_cast %get3A_773 : i32 to index
        %get3A_775 = arith.index_cast %add3A_772 : i32 to index
        %get3A_776 = arith.constant 0 : index
        %get3A_777 = tpu.vector_load %arg6[%get3A_774, %get3A_775, %get3A_776] {strides = array<i32>} : memref<2x2048x16xf32, #tpu.memory_space<vmem>>, vector<1x1x16xf32>,
        %get3A_778 = vector.shape_cast %get3A_777 : vector<1x1x16xf32> to vector<16xf32>
        %max3A_779 = arith.maximumf %max3A_770, %get3A_778 : vector<16xf32>
        %add3A_780 = arith.constant 23 : i32
        %add3A_781 = arith.addi %mul3A_577, %add3A_780 : i32
        %get3A_782 = arith.constant 1 : i32
        %get3A_783 = arith.index_cast %get3A_782 : i32 to index
        %get3A_784 = arith.index_cast %add3A_781 : i32 to index
        %get3A_785 = arith.constant 0 : index
        %get3A_786 = tpu.vector_load %arg6[%get3A_783, %get3A_784, %get3A_785] {strides = array<i32>} : memref<2x2048x16xf32, #tpu.memory_space<vmem>>, vector<1x1x16xf32>,
        %get3A_787 = vector.shape_cast %get3A_786 : vector<1x1x16xf32> to vector<16xf32>
        %max3A_788 = arith.maximumf %max3A_779, %get3A_787 : vector<16xf32>
        %add3A_789 = arith.constant 24 : i32
        %add3A_790 = arith.addi %mul3A_577, %add3A_789 : i32
        %get3A_791 = arith.constant 1 : i32
        %get3A_792 = arith.index_cast %get3A_791 : i32 to index
        %get3A_793 = arith.index_cast %add3A_790 : i32 to index
        %get3A_794 = arith.constant 0 : index
        %get3A_795 = tpu.vector_load %arg6[%get3A_792, %get3A_793, %get3A_794] {strides = array<i32>} : memref<2x2048x16xf32, #tpu.memory_space<vmem>>, vector<1x1x16xf32>,
        %get3A_796 = vector.shape_cast %get3A_795 : vector<1x1x16xf32> to vector<16xf32>
        %max3A_797 = arith.maximumf %max3A_788, %get3A_796 : vector<16xf32>
        %add3A_798 = arith.constant 25 : i32
        %add3A_799 = arith.addi %mul3A_577, %add3A_798 : i32
        %get3A_800 = arith.constant 1 : i32
        %get3A_801 = arith.index_cast %get3A_800 : i32 to index
        %get3A_802 = arith.index_cast %add3A_799 : i32 to index
        %get3A_803 = arith.constant 0 : index
        %get3A_804 = tpu.vector_load %arg6[%get3A_801, %get3A_802, %get3A_803] {strides = array<i32>} : memref<2x2048x16xf32, #tpu.memory_space<vmem>>, vector<1x1x16xf32>,
        %get3A_805 = vector.shape_cast %get3A_804 : vector<1x1x16xf32> to vector<16xf32>
        %max3A_806 = arith.maximumf %max3A_797, %get3A_805 : vector<16xf32>
        %add3A_807 = arith.constant 26 : i32
        %add3A_808 = arith.addi %mul3A_577, %add3A_807 : i32
        %get3A_809 = arith.constant 1 : i32
        %get3A_810 = arith.index_cast %get3A_809 : i32 to index
        %get3A_811 = arith.index_cast %add3A_808 : i32 to index
        %get3A_812 = arith.constant 0 : index
        %get3A_813 = tpu.vector_load %arg6[%get3A_810, %get3A_811, %get3A_812] {strides = array<i32>} : memref<2x2048x16xf32, #tpu.memory_space<vmem>>, vector<1x1x16xf32>,
        %get3A_814 = vector.shape_cast %get3A_813 : vector<1x1x16xf32> to vector<16xf32>
        %max3A_815 = arith.maximumf %max3A_806, %get3A_814 : vector<16xf32>
        %add3A_816 = arith.constant 27 : i32
        %add3A_817 = arith.addi %mul3A_577, %add3A_816 : i32
        %get3A_818 = arith.constant 1 : i32
        %get3A_819 = arith.index_cast %get3A_818 : i32 to index
        %get3A_820 = arith.index_cast %add3A_817 : i32 to index
        %get3A_821 = arith.constant 0 : index
        %get3A_822 = tpu.vector_load %arg6[%get3A_819, %get3A_820, %get3A_821] {strides = array<i32>} : memref<2x2048x16xf32, #tpu.memory_space<vmem>>, vector<1x1x16xf32>,
        %get3A_823 = vector.shape_cast %get3A_822 : vector<1x1x16xf32> to vector<16xf32>
        %max3A_824 = arith.maximumf %max3A_815, %get3A_823 : vector<16xf32>
        %add3A_825 = arith.constant 28 : i32
        %add3A_826 = arith.addi %mul3A_577, %add3A_825 : i32
        %get3A_827 = arith.constant 1 : i32
        %get3A_828 = arith.index_cast %get3A_827 : i32 to index
        %get3A_829 = arith.index_cast %add3A_826 : i32 to index
        %get3A_830 = arith.constant 0 : index
        %get3A_831 = tpu.vector_load %arg6[%get3A_828, %get3A_829, %get3A_830] {strides = array<i32>} : memref<2x2048x16xf32, #tpu.memory_space<vmem>>, vector<1x1x16xf32>,
        %get3A_832 = vector.shape_cast %get3A_831 : vector<1x1x16xf32> to vector<16xf32>
        %max3A_833 = arith.maximumf %max3A_824, %get3A_832 : vector<16xf32>
        %add3A_834 = arith.constant 29 : i32
        %add3A_835 = arith.addi %mul3A_577, %add3A_834 : i32
        %get3A_836 = arith.constant 1 : i32
        %get3A_837 = arith.index_cast %get3A_836 : i32 to index
        %get3A_838 = arith.index_cast %add3A_835 : i32 to index
        %get3A_839 = arith.constant 0 : index
        %get3A_840 = tpu.vector_load %arg6[%get3A_837, %get3A_838, %get3A_839] {strides = array<i32>} : memref<2x2048x16xf32, #tpu.memory_space<vmem>>, vector<1x1x16xf32>,
        %get3A_841 = vector.shape_cast %get3A_840 : vector<1x1x16xf32> to vector<16xf32>
        %max3A_842 = arith.maximumf %max3A_833, %get3A_841 : vector<16xf32>
        %add3A_843 = arith.constant 30 : i32
        %add3A_844 = arith.addi %mul3A_577, %add3A_843 : i32
        %get3A_845 = arith.constant 1 : i32
        %get3A_846 = arith.index_cast %get3A_845 : i32 to index
        %get3A_847 = arith.index_cast %add3A_844 : i32 to index
        %get3A_848 = arith.constant 0 : index
        %get3A_849 = tpu.vector_load %arg6[%get3A_846, %get3A_847, %get3A_848] {strides = array<i32>} : memref<2x2048x16xf32, #tpu.memory_space<vmem>>, vector<1x1x16xf32>,
        %get3A_850 = vector.shape_cast %get3A_849 : vector<1x1x16xf32> to vector<16xf32>
        %max3A_851 = arith.maximumf %max3A_842, %get3A_850 : vector<16xf32>
        %add3A_852 = arith.constant 31 : i32
        %add3A_853 = arith.addi %mul3A_577, %add3A_852 : i32
        %get3A_854 = arith.constant 1 : i32
        %get3A_855 = arith.index_cast %get3A_854 : i32 to index
        %get3A_856 = arith.index_cast %add3A_853 : i32 to index
        %get3A_857 = arith.constant 0 : index
        %get3A_858 = tpu.vector_load %arg6[%get3A_855, %get3A_856, %get3A_857] {strides = array<i32>} : memref<2x2048x16xf32, #tpu.memory_space<vmem>>, vector<1x1x16xf32>,
        %get3A_859 = vector.shape_cast %get3A_858 : vector<1x1x16xf32> to vector<16xf32>
        %max3A_860 = arith.maximumf %max3A_851, %get3A_859 : vector<16xf32>
        %swap3A = arith.constant 1 : i32
        %swap3A_861 = arith.index_cast %swap3A : i32 to index
        %swap3A_862 = arith.index_cast %scan3A_575 : i32 to index
        %swap3A_863 = arith.constant 0 : index
        %swap3A_864 = tpu.vector_load %arg7[%swap3A_861, %swap3A_862, %swap3A_863] {strides = array<i32>} : memref<2x64x16xf32, #tpu.memory_space<vmem>>, vector<1x1x16xf32>,
        %swap3A_865 = vector.shape_cast %swap3A_864 : vector<1x1x16xf32> to vector<16xf32>
        %swap3A_866 = vector.shape_cast %max3A_860 : vector<16xf32> to vector<1x1x16xf32>
        tpu.vector_store %arg7[%swap3A_861, %swap3A_862, %swap3A_863], %swap3A_866 {strides = array<i32>} : memref<2x64x16xf32, #tpu.memory_space<vmem>>, vector<1x1x16xf32>,
        %scan3A_867 = arith.constant 1 : i32
        %scan3A_868 = arith.addi %scan3A_575, %scan3A_867 : i32
        %mul3A_869 = arith.constant 32 : i32
        %mul3A_870 = arith.muli %scan3A_868, %mul3A_869 : i32
        %get3A_871 = arith.constant 1 : i32
        %get3A_872 = arith.index_cast %get3A_871 : i32 to index
        %get3A_873 = arith.index_cast %mul3A_870 : i32 to index
        %get3A_874 = arith.constant 0 : index
        %get3A_875 = tpu.vector_load %arg6[%get3A_872, %get3A_873, %get3A_874] {strides = array<i32>} : memref<2x2048x16xf32, #tpu.memory_space<vmem>>, vector<1x1x16xf32>,
        %get3A_876 = vector.shape_cast %get3A_875 : vector<1x1x16xf32> to vector<16xf32>
        %add3A_877 = arith.constant 1 : i32
        %add3A_878 = arith.addi %mul3A_870, %add3A_877 : i32
        %get3A_879 = arith.constant 1 : i32
        %get3A_880 = arith.index_cast %get3A_879 : i32 to index
        %get3A_881 = arith.index_cast %add3A_878 : i32 to index
        %get3A_882 = arith.constant 0 : index
        %get3A_883 = tpu.vector_load %arg6[%get3A_880, %get3A_881, %get3A_882] {strides = array<i32>} : memref<2x2048x16xf32, #tpu.memory_space<vmem>>, vector<1x1x16xf32>,
        %get3A_884 = vector.shape_cast %get3A_883 : vector<1x1x16xf32> to vector<16xf32>
        %max3A_885 = arith.maximumf %get3A_876, %get3A_884 : vector<16xf32>
        %add3A_886 = arith.constant 2 : i32
        %add3A_887 = arith.addi %mul3A_870, %add3A_886 : i32
        %get3A_888 = arith.constant 1 : i32
        %get3A_889 = arith.index_cast %get3A_888 : i32 to index
        %get3A_890 = arith.index_cast %add3A_887 : i32 to index
        %get3A_891 = arith.constant 0 : index
        %get3A_892 = tpu.vector_load %arg6[%get3A_889, %get3A_890, %get3A_891] {strides = array<i32>} : memref<2x2048x16xf32, #tpu.memory_space<vmem>>, vector<1x1x16xf32>,
        %get3A_893 = vector.shape_cast %get3A_892 : vector<1x1x16xf32> to vector<16xf32>
        %max3A_894 = arith.maximumf %max3A_885, %get3A_893 : vector<16xf32>
        %add3A_895 = arith.constant 3 : i32
        %add3A_896 = arith.addi %mul3A_870, %add3A_895 : i32
        %get3A_897 = arith.constant 1 : i32
        %get3A_898 = arith.index_cast %get3A_897 : i32 to index
        %get3A_899 = arith.index_cast %add3A_896 : i32 to index
        %get3A_900 = arith.constant 0 : index
        %get3A_901 = tpu.vector_load %arg6[%get3A_898, %get3A_899, %get3A_900] {strides = array<i32>} : memref<2x2048x16xf32, #tpu.memory_space<vmem>>, vector<1x1x16xf32>,
        %get3A_902 = vector.shape_cast %get3A_901 : vector<1x1x16xf32> to vector<16xf32>
        %max3A_903 = arith.maximumf %max3A_894, %get3A_902 : vector<16xf32>
        %add3A_904 = arith.constant 4 : i32
        %add3A_905 = arith.addi %mul3A_870, %add3A_904 : i32
        %get3A_906 = arith.constant 1 : i32
        %get3A_907 = arith.index_cast %get3A_906 : i32 to index
        %get3A_908 = arith.index_cast %add3A_905 : i32 to index
        %get3A_909 = arith.constant 0 : index
        %get3A_910 = tpu.vector_load %arg6[%get3A_907, %get3A_908, %get3A_909] {strides = array<i32>} : memref<2x2048x16xf32, #tpu.memory_space<vmem>>, vector<1x1x16xf32>,
        %get3A_911 = vector.shape_cast %get3A_910 : vector<1x1x16xf32> to vector<16xf32>
        %max3A_912 = arith.maximumf %max3A_903, %get3A_911 : vector<16xf32>
        %add3A_913 = arith.constant 5 : i32
        %add3A_914 = arith.addi %mul3A_870, %add3A_913 : i32
        %get3A_915 = arith.constant 1 : i32
        %get3A_916 = arith.index_cast %get3A_915 : i32 to index
        %get3A_917 = arith.index_cast %add3A_914 : i32 to index
        %get3A_918 = arith.constant 0 : index
        %get3A_919 = tpu.vector_load %arg6[%get3A_916, %get3A_917, %get3A_918] {strides = array<i32>} : memref<2x2048x16xf32, #tpu.memory_space<vmem>>, vector<1x1x16xf32>,
        %get3A_920 = vector.shape_cast %get3A_919 : vector<1x1x16xf32> to vector<16xf32>
        %max3A_921 = arith.maximumf %max3A_912, %get3A_920 : vector<16xf32>
        %add3A_922 = arith.constant 6 : i32
        %add3A_923 = arith.addi %mul3A_870, %add3A_922 : i32
        %get3A_924 = arith.constant 1 : i32
        %get3A_925 = arith.index_cast %get3A_924 : i32 to index
        %get3A_926 = arith.index_cast %add3A_923 : i32 to index
        %get3A_927 = arith.constant 0 : index
        %get3A_928 = tpu.vector_load %arg6[%get3A_925, %get3A_926, %get3A_927] {strides = array<i32>} : memref<2x2048x16xf32, #tpu.memory_space<vmem>>, vector<1x1x16xf32>,
        %get3A_929 = vector.shape_cast %get3A_928 : vector<1x1x16xf32> to vector<16xf32>
        %max3A_930 = arith.maximumf %max3A_921, %get3A_929 : vector<16xf32>
        %add3A_931 = arith.constant 7 : i32
        %add3A_932 = arith.addi %mul3A_870, %add3A_931 : i32
        %get3A_933 = arith.constant 1 : i32
        %get3A_934 = arith.index_cast %get3A_933 : i32 to index
        %get3A_935 = arith.index_cast %add3A_932 : i32 to index
        %get3A_936 = arith.constant 0 : index
        %get3A_937 = tpu.vector_load %arg6[%get3A_934, %get3A_935, %get3A_936] {strides = array<i32>} : memref<2x2048x16xf32, #tpu.memory_space<vmem>>, vector<1x1x16xf32>,
        %get3A_938 = vector.shape_cast %get3A_937 : vector<1x1x16xf32> to vector<16xf32>
        %max3A_939 = arith.maximumf %max3A_930, %get3A_938 : vector<16xf32>
        %add3A_940 = arith.constant 8 : i32
        %add3A_941 = arith.addi %mul3A_870, %add3A_940 : i32
        %get3A_942 = arith.constant 1 : i32
        %get3A_943 = arith.index_cast %get3A_942 : i32 to index
        %get3A_944 = arith.index_cast %add3A_941 : i32 to index
        %get3A_945 = arith.constant 0 : index
        %get3A_946 = tpu.vector_load %arg6[%get3A_943, %get3A_944, %get3A_945] {strides = array<i32>} : memref<2x2048x16xf32, #tpu.memory_space<vmem>>, vector<1x1x16xf32>,
        %get3A_947 = vector.shape_cast %get3A_946 : vector<1x1x16xf32> to vector<16xf32>
        %max3A_948 = arith.maximumf %max3A_939, %get3A_947 : vector<16xf32>
        %add3A_949 = arith.constant 9 : i32
        %add3A_950 = arith.addi %mul3A_870, %add3A_949 : i32
        %get3A_951 = arith.constant 1 : i32
        %get3A_952 = arith.index_cast %get3A_951 : i32 to index
        %get3A_953 = arith.index_cast %add3A_950 : i32 to index
        %get3A_954 = arith.constant 0 : index
        %get3A_955 = tpu.vector_load %arg6[%get3A_952, %get3A_953, %get3A_954] {strides = array<i32>} : memref<2x2048x16xf32, #tpu.memory_space<vmem>>, vector<1x1x16xf32>,
        %get3A_956 = vector.shape_cast %get3A_955 : vector<1x1x16xf32> to vector<16xf32>
        %max3A_957 = arith.maximumf %max3A_948, %get3A_956 : vector<16xf32>
        %add3A_958 = arith.constant 10 : i32
        %add3A_959 = arith.addi %mul3A_870, %add3A_958 : i32
        %get3A_960 = arith.constant 1 : i32
        %get3A_961 = arith.index_cast %get3A_960 : i32 to index
        %get3A_962 = arith.index_cast %add3A_959 : i32 to index
        %get3A_963 = arith.constant 0 : index
        %get3A_964 = tpu.vector_load %arg6[%get3A_961, %get3A_962, %get3A_963] {strides = array<i32>} : memref<2x2048x16xf32, #tpu.memory_space<vmem>>, vector<1x1x16xf32>,
        %get3A_965 = vector.shape_cast %get3A_964 : vector<1x1x16xf32> to vector<16xf32>
        %max3A_966 = arith.maximumf %max3A_957, %get3A_965 : vector<16xf32>
        %add3A_967 = arith.constant 11 : i32
        %add3A_968 = arith.addi %mul3A_870, %add3A_967 : i32
        %get3A_969 = arith.constant 1 : i32
        %get3A_970 = arith.index_cast %get3A_969 : i32 to index
        %get3A_971 = arith.index_cast %add3A_968 : i32 to index
        %get3A_972 = arith.constant 0 : index
        %get3A_973 = tpu.vector_load %arg6[%get3A_970, %get3A_971, %get3A_972] {strides = array<i32>} : memref<2x2048x16xf32, #tpu.memory_space<vmem>>, vector<1x1x16xf32>,
        %get3A_974 = vector.shape_cast %get3A_973 : vector<1x1x16xf32> to vector<16xf32>
        %max3A_975 = arith.maximumf %max3A_966, %get3A_974 : vector<16xf32>
        %add3A_976 = arith.constant 12 : i32
        %add3A_977 = arith.addi %mul3A_870, %add3A_976 : i32
        %get3A_978 = arith.constant 1 : i32
        %get3A_979 = arith.index_cast %get3A_978 : i32 to index
        %get3A_980 = arith.index_cast %add3A_977 : i32 to index
        %get3A_981 = arith.constant 0 : index
        %get3A_982 = tpu.vector_load %arg6[%get3A_979, %get3A_980, %get3A_981] {strides = array<i32>} : memref<2x2048x16xf32, #tpu.memory_space<vmem>>, vector<1x1x16xf32>,
        %get3A_983 = vector.shape_cast %get3A_982 : vector<1x1x16xf32> to vector<16xf32>
        %max3A_984 = arith.maximumf %max3A_975, %get3A_983 : vector<16xf32>
        %add3A_985 = arith.constant 13 : i32
        %add3A_986 = arith.addi %mul3A_870, %add3A_985 : i32
        %get3A_987 = arith.constant 1 : i32
        %get3A_988 = arith.index_cast %get3A_987 : i32 to index
        %get3A_989 = arith.index_cast %add3A_986 : i32 to index
        %get3A_990 = arith.constant 0 : index
        %get3A_991 = tpu.vector_load %arg6[%get3A_988, %get3A_989, %get3A_990] {strides = array<i32>} : memref<2x2048x16xf32, #tpu.memory_space<vmem>>, vector<1x1x16xf32>,
        %get3A_992 = vector.shape_cast %get3A_991 : vector<1x1x16xf32> to vector<16xf32>
        %max3A_993 = arith.maximumf %max3A_984, %get3A_992 : vector<16xf32>
        %add3A_994 = arith.constant 14 : i32
        %add3A_995 = arith.addi %mul3A_870, %add3A_994 : i32
        %get3A_996 = arith.constant 1 : i32
        %get3A_997 = arith.index_cast %get3A_996 : i32 to index
        %get3A_998 = arith.index_cast %add3A_995 : i32 to index
        %get3A_999 = arith.constant 0 : index
        %get3A_1000 = tpu.vector_load %arg6[%get3A_997, %get3A_998, %get3A_999] {strides = array<i32>} : memref<2x2048x16xf32, #tpu.memory_space<vmem>>, vector<1x1x16xf32>,
        %get3A_1001 = vector.shape_cast %get3A_1000 : vector<1x1x16xf32> to vector<16xf32>
        %max3A_1002 = arith.maximumf %max3A_993, %get3A_1001 : vector<16xf32>
        %add3A_1003 = arith.constant 15 : i32
        %add3A_1004 = arith.addi %mul3A_870, %add3A_1003 : i32
        %get3A_1005 = arith.constant 1 : i32
        %get3A_1006 = arith.index_cast %get3A_1005 : i32 to index
        %get3A_1007 = arith.index_cast %add3A_1004 : i32 to index
        %get3A_1008 = arith.constant 0 : index
        %get3A_1009 = tpu.vector_load %arg6[%get3A_1006, %get3A_1007, %get3A_1008] {strides = array<i32>} : memref<2x2048x16xf32, #tpu.memory_space<vmem>>, vector<1x1x16xf32>,
        %get3A_1010 = vector.shape_cast %get3A_1009 : vector<1x1x16xf32> to vector<16xf32>
        %max3A_1011 = arith.maximumf %max3A_1002, %get3A_1010 : vector<16xf32>
        %add3A_1012 = arith.constant 16 : i32
        %add3A_1013 = arith.addi %mul3A_870, %add3A_1012 : i32
        %get3A_1014 = arith.constant 1 : i32
        %get3A_1015 = arith.index_cast %get3A_1014 : i32 to index
        %get3A_1016 = arith.index_cast %add3A_1013 : i32 to index
        %get3A_1017 = arith.constant 0 : index
        %get3A_1018 = tpu.vector_load %arg6[%get3A_1015, %get3A_1016, %get3A_1017] {strides = array<i32>} : memref<2x2048x16xf32, #tpu.memory_space<vmem>>, vector<1x1x16xf32>,
        %get3A_1019 = vector.shape_cast %get3A_1018 : vector<1x1x16xf32> to vector<16xf32>
        %max3A_1020 = arith.maximumf %max3A_1011, %get3A_1019 : vector<16xf32>
        %add3A_1021 = arith.constant 17 : i32
        %add3A_1022 = arith.addi %mul3A_870, %add3A_1021 : i32
        %get3A_1023 = arith.constant 1 : i32
        %get3A_1024 = arith.index_cast %get3A_1023 : i32 to index
        %get3A_1025 = arith.index_cast %add3A_1022 : i32 to index
        %get3A_1026 = arith.constant 0 : index
        %get3A_1027 = tpu.vector_load %arg6[%get3A_1024, %get3A_1025, %get3A_1026] {strides = array<i32>} : memref<2x2048x16xf32, #tpu.memory_space<vmem>>, vector<1x1x16xf32>,
        %get3A_1028 = vector.shape_cast %get3A_1027 : vector<1x1x16xf32> to vector<16xf32>
        %max3A_1029 = arith.maximumf %max3A_1020, %get3A_1028 : vector<16xf32>
        %add3A_1030 = arith.constant 18 : i32
        %add3A_1031 = arith.addi %mul3A_870, %add3A_1030 : i32
        %get3A_1032 = arith.constant 1 : i32
        %get3A_1033 = arith.index_cast %get3A_1032 : i32 to index
        %get3A_1034 = arith.index_cast %add3A_1031 : i32 to index
        %get3A_1035 = arith.constant 0 : index
        %get3A_1036 = tpu.vector_load %arg6[%get3A_1033, %get3A_1034, %get3A_1035] {strides = array<i32>} : memref<2x2048x16xf32, #tpu.memory_space<vmem>>, vector<1x1x16xf32>,
        %get3A_1037 = vector.shape_cast %get3A_1036 : vector<1x1x16xf32> to vector<16xf32>
        %max3A_1038 = arith.maximumf %max3A_1029, %get3A_1037 : vector<16xf32>
        %add3A_1039 = arith.constant 19 : i32
        %add3A_1040 = arith.addi %mul3A_870, %add3A_1039 : i32
        %get3A_1041 = arith.constant 1 : i32
        %get3A_1042 = arith.index_cast %get3A_1041 : i32 to index
        %get3A_1043 = arith.index_cast %add3A_1040 : i32 to index
        %get3A_1044 = arith.constant 0 : index
        %get3A_1045 = tpu.vector_load %arg6[%get3A_1042, %get3A_1043, %get3A_1044] {strides = array<i32>} : memref<2x2048x16xf32, #tpu.memory_space<vmem>>, vector<1x1x16xf32>,
        %get3A_1046 = vector.shape_cast %get3A_1045 : vector<1x1x16xf32> to vector<16xf32>
        %max3A_1047 = arith.maximumf %max3A_1038, %get3A_1046 : vector<16xf32>
        %add3A_1048 = arith.constant 20 : i32
        %add3A_1049 = arith.addi %mul3A_870, %add3A_1048 : i32
        %get3A_1050 = arith.constant 1 : i32
        %get3A_1051 = arith.index_cast %get3A_1050 : i32 to index
        %get3A_1052 = arith.index_cast %add3A_1049 : i32 to index
        %get3A_1053 = arith.constant 0 : index
        %get3A_1054 = tpu.vector_load %arg6[%get3A_1051, %get3A_1052, %get3A_1053] {strides = array<i32>} : memref<2x2048x16xf32, #tpu.memory_space<vmem>>, vector<1x1x16xf32>,
        %get3A_1055 = vector.shape_cast %get3A_1054 : vector<1x1x16xf32> to vector<16xf32>
        %max3A_1056 = arith.maximumf %max3A_1047, %get3A_1055 : vector<16xf32>
        %add3A_1057 = arith.constant 21 : i32
        %add3A_1058 = arith.addi %mul3A_870, %add3A_1057 : i32
        %get3A_1059 = arith.constant 1 : i32
        %get3A_1060 = arith.index_cast %get3A_1059 : i32 to index
        %get3A_1061 = arith.index_cast %add3A_1058 : i32 to index
        %get3A_1062 = arith.constant 0 : index
        %get3A_1063 = tpu.vector_load %arg6[%get3A_1060, %get3A_1061, %get3A_1062] {strides = array<i32>} : memref<2x2048x16xf32, #tpu.memory_space<vmem>>, vector<1x1x16xf32>,
        %get3A_1064 = vector.shape_cast %get3A_1063 : vector<1x1x16xf32> to vector<16xf32>
        %max3A_1065 = arith.maximumf %max3A_1056, %get3A_1064 : vector<16xf32>
        %add3A_1066 = arith.constant 22 : i32
        %add3A_1067 = arith.addi %mul3A_870, %add3A_1066 : i32
        %get3A_1068 = arith.constant 1 : i32
        %get3A_1069 = arith.index_cast %get3A_1068 : i32 to index
        %get3A_1070 = arith.index_cast %add3A_1067 : i32 to index
        %get3A_1071 = arith.constant 0 : index
        %get3A_1072 = tpu.vector_load %arg6[%get3A_1069, %get3A_1070, %get3A_1071] {strides = array<i32>} : memref<2x2048x16xf32, #tpu.memory_space<vmem>>, vector<1x1x16xf32>,
        %get3A_1073 = vector.shape_cast %get3A_1072 : vector<1x1x16xf32> to vector<16xf32>
        %max3A_1074 = arith.maximumf %max3A_1065, %get3A_1073 : vector<16xf32>
        %add3A_1075 = arith.constant 23 : i32
        %add3A_1076 = arith.addi %mul3A_870, %add3A_1075 : i32
        %get3A_1077 = arith.constant 1 : i32
        %get3A_1078 = arith.index_cast %get3A_1077 : i32 to index
        %get3A_1079 = arith.index_cast %add3A_1076 : i32 to index
        %get3A_1080 = arith.constant 0 : index
        %get3A_1081 = tpu.vector_load %arg6[%get3A_1078, %get3A_1079, %get3A_1080] {strides = array<i32>} : memref<2x2048x16xf32, #tpu.memory_space<vmem>>, vector<1x1x16xf32>,
        %get3A_1082 = vector.shape_cast %get3A_1081 : vector<1x1x16xf32> to vector<16xf32>
        %max3A_1083 = arith.maximumf %max3A_1074, %get3A_1082 : vector<16xf32>
        %add3A_1084 = arith.constant 24 : i32
        %add3A_1085 = arith.addi %mul3A_870, %add3A_1084 : i32
        %get3A_1086 = arith.constant 1 : i32
        %get3A_1087 = arith.index_cast %get3A_1086 : i32 to index
        %get3A_1088 = arith.index_cast %add3A_1085 : i32 to index
        %get3A_1089 = arith.constant 0 : index
        %get3A_1090 = tpu.vector_load %arg6[%get3A_1087, %get3A_1088, %get3A_1089] {strides = array<i32>} : memref<2x2048x16xf32, #tpu.memory_space<vmem>>, vector<1x1x16xf32>,
        %get3A_1091 = vector.shape_cast %get3A_1090 : vector<1x1x16xf32> to vector<16xf32>
        %max3A_1092 = arith.maximumf %max3A_1083, %get3A_1091 : vector<16xf32>
        %add3A_1093 = arith.constant 25 : i32
        %add3A_1094 = arith.addi %mul3A_870, %add3A_1093 : i32
        %get3A_1095 = arith.constant 1 : i32
        %get3A_1096 = arith.index_cast %get3A_1095 : i32 to index
        %get3A_1097 = arith.index_cast %add3A_1094 : i32 to index
        %get3A_1098 = arith.constant 0 : index
        %get3A_1099 = tpu.vector_load %arg6[%get3A_1096, %get3A_1097, %get3A_1098] {strides = array<i32>} : memref<2x2048x16xf32, #tpu.memory_space<vmem>>, vector<1x1x16xf32>,
        %get3A_1100 = vector.shape_cast %get3A_1099 : vector<1x1x16xf32> to vector<16xf32>
        %max3A_1101 = arith.maximumf %max3A_1092, %get3A_1100 : vector<16xf32>
        %add3A_1102 = arith.constant 26 : i32
        %add3A_1103 = arith.addi %mul3A_870, %add3A_1102 : i32
        %get3A_1104 = arith.constant 1 : i32
        %get3A_1105 = arith.index_cast %get3A_1104 : i32 to index
        %get3A_1106 = arith.index_cast %add3A_1103 : i32 to index
        %get3A_1107 = arith.constant 0 : index
        %get3A_1108 = tpu.vector_load %arg6[%get3A_1105, %get3A_1106, %get3A_1107] {strides = array<i32>} : memref<2x2048x16xf32, #tpu.memory_space<vmem>>, vector<1x1x16xf32>,
        %get3A_1109 = vector.shape_cast %get3A_1108 : vector<1x1x16xf32> to vector<16xf32>
        %max3A_1110 = arith.maximumf %max3A_1101, %get3A_1109 : vector<16xf32>
        %add3A_1111 = arith.constant 27 : i32
        %add3A_1112 = arith.addi %mul3A_870, %add3A_1111 : i32
        %get3A_1113 = arith.constant 1 : i32
        %get3A_1114 = arith.index_cast %get3A_1113 : i32 to index
        %get3A_1115 = arith.index_cast %add3A_1112 : i32 to index
        %get3A_1116 = arith.constant 0 : index
        %get3A_1117 = tpu.vector_load %arg6[%get3A_1114, %get3A_1115, %get3A_1116] {strides = array<i32>} : memref<2x2048x16xf32, #tpu.memory_space<vmem>>, vector<1x1x16xf32>,
        %get3A_1118 = vector.shape_cast %get3A_1117 : vector<1x1x16xf32> to vector<16xf32>
        %max3A_1119 = arith.maximumf %max3A_1110, %get3A_1118 : vector<16xf32>
        %add3A_1120 = arith.constant 28 : i32
        %add3A_1121 = arith.addi %mul3A_870, %add3A_1120 : i32
        %get3A_1122 = arith.constant 1 : i32
        %get3A_1123 = arith.index_cast %get3A_1122 : i32 to index
        %get3A_1124 = arith.index_cast %add3A_1121 : i32 to index
        %get3A_1125 = arith.constant 0 : index
        %get3A_1126 = tpu.vector_load %arg6[%get3A_1123, %get3A_1124, %get3A_1125] {strides = array<i32>} : memref<2x2048x16xf32, #tpu.memory_space<vmem>>, vector<1x1x16xf32>,
        %get3A_1127 = vector.shape_cast %get3A_1126 : vector<1x1x16xf32> to vector<16xf32>
        %max3A_1128 = arith.maximumf %max3A_1119, %get3A_1127 : vector<16xf32>
        %add3A_1129 = arith.constant 29 : i32
        %add3A_1130 = arith.addi %mul3A_870, %add3A_1129 : i32
        %get3A_1131 = arith.constant 1 : i32
        %get3A_1132 = arith.index_cast %get3A_1131 : i32 to index
        %get3A_1133 = arith.index_cast %add3A_1130 : i32 to index
        %get3A_1134 = arith.constant 0 : index
        %get3A_1135 = tpu.vector_load %arg6[%get3A_1132, %get3A_1133, %get3A_1134] {strides = array<i32>} : memref<2x2048x16xf32, #tpu.memory_space<vmem>>, vector<1x1x16xf32>,
        %get3A_1136 = vector.shape_cast %get3A_1135 : vector<1x1x16xf32> to vector<16xf32>
        %max3A_1137 = arith.maximumf %max3A_1128, %get3A_1136 : vector<16xf32>
        %add3A_1138 = arith.constant 30 : i32
        %add3A_1139 = arith.addi %mul3A_870, %add3A_1138 : i32
        %get3A_1140 = arith.constant 1 : i32
        %get3A_1141 = arith.index_cast %get3A_1140 : i32 to index
        %get3A_1142 = arith.index_cast %add3A_1139 : i32 to index
        %get3A_1143 = arith.constant 0 : index
        %get3A_1144 = tpu.vector_load %arg6[%get3A_1141, %get3A_1142, %get3A_1143] {strides = array<i32>} : memref<2x2048x16xf32, #tpu.memory_space<vmem>>, vector<1x1x16xf32>,
        %get3A_1145 = vector.shape_cast %get3A_1144 : vector<1x1x16xf32> to vector<16xf32>
        %max3A_1146 = arith.maximumf %max3A_1137, %get3A_1145 : vector<16xf32>
        %add3A_1147 = arith.constant 31 : i32
        %add3A_1148 = arith.addi %mul3A_870, %add3A_1147 : i32
        %get3A_1149 = arith.constant 1 : i32
        %get3A_1150 = arith.index_cast %get3A_1149 : i32 to index
        %get3A_1151 = arith.index_cast %add3A_1148 : i32 to index
        %get3A_1152 = arith.constant 0 : index
        %get3A_1153 = tpu.vector_load %arg6[%get3A_1150, %get3A_1151, %get3A_1152] {strides = array<i32>} : memref<2x2048x16xf32, #tpu.memory_space<vmem>>, vector<1x1x16xf32>,
        %get3A_1154 = vector.shape_cast %get3A_1153 : vector<1x1x16xf32> to vector<16xf32>
        %max3A_1155 = arith.maximumf %max3A_1146, %get3A_1154 : vector<16xf32>
        %swap3A_1156 = arith.constant 1 : i32
        %swap3A_1157 = arith.index_cast %swap3A_1156 : i32 to index
        %swap3A_1158 = arith.index_cast %scan3A_868 : i32 to index
        %swap3A_1159 = arith.constant 0 : index
        %swap3A_1160 = tpu.vector_load %arg7[%swap3A_1157, %swap3A_1158, %swap3A_1159] {strides = array<i32>} : memref<2x64x16xf32, #tpu.memory_space<vmem>>, vector<1x1x16xf32>,
        %swap3A_1161 = vector.shape_cast %swap3A_1160 : vector<1x1x16xf32> to vector<16xf32>
        %swap3A_1162 = vector.shape_cast %max3A_1155 : vector<16xf32> to vector<1x1x16xf32>
        tpu.vector_store %arg7[%swap3A_1157, %swap3A_1158, %swap3A_1159], %swap3A_1162 {strides = array<i32>} : memref<2x64x16xf32, #tpu.memory_space<vmem>>, vector<1x1x16xf32>,
      }
      %scan3A_565 = arith.constant 64 : i32
      %mul3A_566 = arith.constant 64 : i32
      %mul3A_567 = arith.muli %add3A_559, %mul3A_566 : i32
      %add3A_568 = arith.addi %mul3A_4, %mul3A_567 : i32
      %run_scoped3A_569 = arith.constant 1 : i32
      "tpu.region"() ({
        %run_scoped3A_575 = tpu.sem_alloc : memref<!tpu.dma_semaphore, #tpu.memory_space<semaphore_mem>>
        %dma_start3A_576 = arith.constant 0 : i32
        %dma_start3A_577 = arith.constant 0 : i32
        %dma_start3A_578 = tpu.memref_slice %arg7[%run_scoped3A_569, %dma_start3A_576, %dma_start3A_577] : memref<2x64x16xf32, #tpu.memory_space<vmem>> -> memref<1x64x16xf32, #tpu.memory_space<vmem>>
        %dma_start3A_579 = tpu.memref_squeeze %dma_start3A_578 : memref<1x64x16xf32, #tpu.memory_space<vmem>> -> memref<64x16xf32, #tpu.memory_space<vmem>>
        %dma_start3A_580 = arith.constant 0 : i32
        %dma_start3A_581 = tpu.memref_slice %arg4[%add3A_568, %dma_start3A_580] : memref<65536x16xf32, #tpu.memory_space<hbm>> -> memref<64x16xf32, #tpu.memory_space<hbm>>
        %dma_start3A_582 = arith.constant 0 : i32
        %dma_start3A_583 = tpu.memref_slice %arg4[%add3A_568, %dma_start3A_582] : memref<65536x16xf32, #tpu.memory_space<hbm>> -> memref<64x16xf32, #tpu.memory_space<hbm>>
        %dma_start3A_584 = arith.constant 0 : i32
        %dma_start3A_585 = arith.constant 0 : i32
        %dma_start3A_586 = tpu.memref_slice %arg7[%run_scoped3A_569, %dma_start3A_584, %dma_start3A_585] : memref<2x64x16xf32, #tpu.memory_space<vmem>> -> memref<1x64x16xf32, #tpu.memory_space<vmem>>
        %dma_start3A_587 = tpu.memref_squeeze %dma_start3A_586 : memref<1x64x16xf32, #tpu.memory_space<vmem>> -> memref<64x16xf32, #tpu.memory_space<vmem>>
        tpu.enqueue_dma source(%dma_start3A_587 : memref<64x16xf32, #tpu.memory_space<vmem>>) target(%dma_start3A_583 : memref<64x16xf32, #tpu.memory_space<hbm>>) target_semaphore(%run_scoped3A_575 : memref<!tpu.dma_semaphore, #tpu.memory_space<semaphore_mem>>)
        %dma_wait3A_588 = arith.constant 0 : i32
        %dma_wait3A_589 = arith.constant 0 : i32
        %dma_wait3A_590 = tpu.memref_slice %arg7[%run_scoped3A_569, %dma_wait3A_588, %dma_wait3A_589] : memref<2x64x16xf32, #tpu.memory_space<vmem>> -> memref<1x64x16xf32, #tpu.memory_space<vmem>>
        %dma_wait3A_591 = tpu.memref_squeeze %dma_wait3A_590 : memref<1x64x16xf32, #tpu.memory_space<vmem>> -> memref<64x16xf32, #tpu.memory_space<vmem>>
        %dma_wait3A_592 = arith.constant 0 : i32
        %dma_wait3A_593 = tpu.memref_slice %arg4[%add3A_568, %dma_wait3A_592] : memref<65536x16xf32, #tpu.memory_space<hbm>> -> memref<64x16xf32, #tpu.memory_space<hbm>>
        %dma_wait3A_594 = arith.constant 0 : i32
        %dma_wait3A_595 = tpu.memref_slice %arg4[%add3A_568, %dma_wait3A_594] : memref<65536x16xf32, #tpu.memory_space<hbm>> -> memref<64x16xf32, #tpu.memory_space<hbm>>
        %dma_wait3A_596 = arith.constant 0 : i32
        %dma_wait3A_597 = arith.constant 0 : i32
        %dma_wait3A_598 = tpu.memref_slice %arg7[%run_scoped3A_569, %dma_wait3A_596, %dma_wait3A_597] : memref<2x64x16xf32, #tpu.memory_space<vmem>> -> memref<1x64x16xf32, #tpu.memory_space<vmem>>
        %dma_wait3A_599 = tpu.memref_squeeze %dma_wait3A_598 : memref<1x64x16xf32, #tpu.memory_space<vmem>> -> memref<64x16xf32, #tpu.memory_space<vmem>>
        tpu.wait_dma2 semaphore(%run_scoped3A_575 : memref<!tpu.dma_semaphore, #tpu.memory_space<semaphore_mem>>) src(%dma_wait3A_599 : memref<64x16xf32, #tpu.memory_space<vmem>>) dst(%dma_wait3A_595 : memref<64x16xf32, #tpu.memory_space<hbm>>)
        tpu.yield
      }) : () -> ()
      %lt3A_570 = arith.constant 15 : i32
      %lt3A_571 = arith.cmpi slt, %scan3A_512, %lt3A_570 : i32
      %convert_element_type3A_572 = arith.extui %lt3A_571 : i1 to i32
      %cond3A_573 = arith.constant 0 : i32
      %cond3A_574 = arith.cmpi ne, %convert_element_type3A_572, %cond3A_573 : i32
      scf.if %cond3A_574 {
        %mul3A_575 = arith.constant 2 : i32
        %mul3A_576 = arith.muli %mul3A_575, %scan3A_512 : i32
        %add3A_577 = arith.constant 3 : i32
        %add3A_578 = arith.addi %mul3A_576, %add3A_577 : i32
        %mul3A_579 = arith.constant 16 : i32
        %mul3A_580 = arith.muli %add3A_578, %mul3A_579 : i32
        %add3A_581 = arith.addi %mul3A_2, %mul3A_580 : i32
        %run_scoped3A_582 = arith.constant 1 : i32
        "tpu.region"() ({
          %run_scoped3A_823 = tpu.sem_alloc : memref<!tpu.dma_semaphore, #tpu.memory_space<semaphore_mem>>
          %dma_start3A_824 = arith.constant 0 : i32
          %dma_start3A_825 = arith.constant 0 : i32
          %dma_start3A_826 = tpu.memref_slice %arg5[%run_scoped3A_582, %dma_start3A_824, %dma_start3A_825] : memref<2x16x128xi32, #tpu.memory_space<vmem>> -> memref<1x16x128xi32, #tpu.memory_space<vmem>>
          %dma_start3A_827 = tpu.memref_squeeze %dma_start3A_826 : memref<1x16x128xi32, #tpu.memory_space<vmem>> -> memref<16x128xi32, #tpu.memory_space<vmem>>
          %dma_start3A_828 = arith.constant 0 : i32
          %dma_start3A_829 = tpu.memref_slice %arg3[%add3A_581, %dma_start3A_828] : memref<16384x128xi32, #tpu.memory_space<hbm>> -> memref<16x128xi32, #tpu.memory_space<hbm>>
          %dma_start3A_830 = arith.constant 0 : i32
          %dma_start3A_831 = arith.constant 0 : i32
          %dma_start3A_832 = tpu.memref_slice %arg5[%run_scoped3A_582, %dma_start3A_830, %dma_start3A_831] : memref<2x16x128xi32, #tpu.memory_space<vmem>> -> memref<1x16x128xi32, #tpu.memory_space<vmem>>
          %dma_start3A_833 = tpu.memref_squeeze %dma_start3A_832 : memref<1x16x128xi32, #tpu.memory_space<vmem>> -> memref<16x128xi32, #tpu.memory_space<vmem>>
          %dma_start3A_834 = arith.constant 0 : i32
          %dma_start3A_835 = tpu.memref_slice %arg3[%add3A_581, %dma_start3A_834] : memref<16384x128xi32, #tpu.memory_space<hbm>> -> memref<16x128xi32, #tpu.memory_space<hbm>>
          tpu.enqueue_dma source(%dma_start3A_835 : memref<16x128xi32, #tpu.memory_space<hbm>>) target(%dma_start3A_833 : memref<16x128xi32, #tpu.memory_space<vmem>>) target_semaphore(%run_scoped3A_823 : memref<!tpu.dma_semaphore, #tpu.memory_space<semaphore_mem>>)
          %dma_wait3A_836 = arith.constant 0 : i32
          %dma_wait3A_837 = arith.constant 0 : i32
          %dma_wait3A_838 = tpu.memref_slice %arg5[%run_scoped3A_582, %dma_wait3A_836, %dma_wait3A_837] : memref<2x16x128xi32, #tpu.memory_space<vmem>> -> memref<1x16x128xi32, #tpu.memory_space<vmem>>
          %dma_wait3A_839 = tpu.memref_squeeze %dma_wait3A_838 : memref<1x16x128xi32, #tpu.memory_space<vmem>> -> memref<16x128xi32, #tpu.memory_space<vmem>>
          %dma_wait3A_840 = arith.constant 0 : i32
          %dma_wait3A_841 = tpu.memref_slice %arg3[%add3A_581, %dma_wait3A_840] : memref<16384x128xi32, #tpu.memory_space<hbm>> -> memref<16x128xi32, #tpu.memory_space<hbm>>
          %dma_wait3A_842 = arith.constant 0 : i32
          %dma_wait3A_843 = arith.constant 0 : i32
          %dma_wait3A_844 = tpu.memref_slice %arg5[%run_scoped3A_582, %dma_wait3A_842, %dma_wait3A_843] : memref<2x16x128xi32, #tpu.memory_space<vmem>> -> memref<1x16x128xi32, #tpu.memory_space<vmem>>
          %dma_wait3A_845 = tpu.memref_squeeze %dma_wait3A_844 : memref<1x16x128xi32, #tpu.memory_space<vmem>> -> memref<16x128xi32, #tpu.memory_space<vmem>>
          %dma_wait3A_846 = arith.constant 0 : i32
          %dma_wait3A_847 = tpu.memref_slice %arg3[%add3A_581, %dma_wait3A_846] : memref<16384x128xi32, #tpu.memory_space<hbm>> -> memref<16x128xi32, #tpu.memory_space<hbm>>
          tpu.wait_dma2 semaphore(%run_scoped3A_823 : memref<!tpu.dma_semaphore, #tpu.memory_space<semaphore_mem>>) src(%dma_wait3A_847 : memref<16x128xi32, #tpu.memory_space<hbm>>) dst(%dma_wait3A_845 : memref<16x128xi32, #tpu.memory_space<vmem>>)
          tpu.yield
        }) : () -> ()
        %dma_start3A_583 = arith.constant 1 : i32
        %dma_start3A_584 = arith.constant 0 : i32
        %dma_start3A_585 = arith.constant 1 : i32
        %dma_start3A_586 = arith.constant 0 : i32
        %dma_start3A_587 = arith.constant 0 : i32
        %dma_start3A_588 = tpu.memref_slice %arg6[%dma_start3A_585, %dma_start3A_586, %dma_start3A_587] : memref<2x2048x16xf32, #tpu.memory_space<vmem>> -> memref<1x128x16xf32, #tpu.memory_space<vmem>>
        %dma_start3A_589 = tpu.memref_squeeze %dma_start3A_588 : memref<1x128x16xf32, #tpu.memory_space<vmem>> -> memref<128x16xf32, #tpu.memory_space<vmem>>
        %dma_start3A_590 = arith.constant 0 : i32
        %dma_start3A_591 = tpu.memref_slice %arg5[%dma_start3A_583, %dma_start3A_584, %dma_start3A_590] : memref<2x16x128xi32, #tpu.memory_space<vmem>> -> memref<1x1x128xi32, #tpu.memory_space<vmem>>
        %dma_start3A_592 = tpu.memref_squeeze %dma_start3A_591 : memref<1x1x128xi32, #tpu.memory_space<vmem>> -> memref<128xi32, #tpu.memory_space<vmem>>
        %dma_start3A_593 = arith.constant 0 : i32
        %dma_start3A_594 = tpu.memref_slice %arg2[%mul3A_22, %dma_start3A_593] : memref<65536x16xf32, #tpu.memory_space<hbm>> -> memref<16384x16xf32, #tpu.memory_space<hbm>>
        %dma_start3A_595 = arith.constant 0 : i32
        %dma_start3A_596 = arith.constant 0 : i32
        %dma_start3A_597 = tpu.memref_slice %dma_start3A_594[%dma_start3A_595, %dma_start3A_596] : memref<16384x16xf32, #tpu.memory_space<hbm>> -> memref<16384x16xf32, #tpu.memory_space<hbm>>
        tpu.enqueue_indirect_dma source(%dma_start3A_597 : memref<16384x16xf32, #tpu.memory_space<hbm>>) target(%dma_start3A_589 : memref<128x16xf32, #tpu.memory_space<vmem>>) offsets(%dma_start3A_592 : memref<128xi32, #tpu.memory_space<vmem>>) semaphore(%arg9 : memref<!tpu.dma_semaphore, #tpu.memory_space<semaphore_mem>>)
        %dma_start3A_598 = arith.constant 1 : i32
        %dma_start3A_599 = arith.constant 1 : i32
        %dma_start3A_600 = arith.constant 1 : i32
        %dma_start3A_601 = arith.constant 128 : i32
        %dma_start3A_602 = arith.constant 0 : i32
        %dma_start3A_603 = tpu.memref_slice %arg6[%dma_start3A_600, %dma_start3A_601, %dma_start3A_602] : memref<2x2048x16xf32, #tpu.memory_space<vmem>> -> memref<1x128x16xf32, #tpu.memory_space<vmem>>
        %dma_start3A_604 = tpu.memref_squeeze %dma_start3A_603 : memref<1x128x16xf32, #tpu.memory_space<vmem>> -> memref<128x16xf32, #tpu.memory_space<vmem>>
        %dma_start3A_605 = arith.constant 0 : i32
        %dma_start3A_606 = tpu.memref_slice %arg5[%dma_start3A_598, %dma_start3A_599, %dma_start3A_605] : memref<2x16x128xi32, #tpu.memory_space<vmem>> -> memref<1x1x128xi32, #tpu.memory_space<vmem>>
        %dma_start3A_607 = tpu.memref_squeeze %dma_start3A_606 : memref<1x1x128xi32, #tpu.memory_space<vmem>> -> memref<128xi32, #tpu.memory_space<vmem>>
        %dma_start3A_608 = arith.constant 0 : i32
        %dma_start3A_609 = tpu.memref_slice %arg2[%mul3A_22, %dma_start3A_608] : memref<65536x16xf32, #tpu.memory_space<hbm>> -> memref<16384x16xf32, #tpu.memory_space<hbm>>
        %dma_start3A_610 = arith.constant 0 : i32
        %dma_start3A_611 = arith.constant 0 : i32
        %dma_start3A_612 = tpu.memref_slice %dma_start3A_609[%dma_start3A_610, %dma_start3A_611] : memref<16384x16xf32, #tpu.memory_space<hbm>> -> memref<16384x16xf32, #tpu.memory_space<hbm>>
        tpu.enqueue_indirect_dma source(%dma_start3A_612 : memref<16384x16xf32, #tpu.memory_space<hbm>>) target(%dma_start3A_604 : memref<128x16xf32, #tpu.memory_space<vmem>>) offsets(%dma_start3A_607 : memref<128xi32, #tpu.memory_space<vmem>>) semaphore(%arg9 : memref<!tpu.dma_semaphore, #tpu.memory_space<semaphore_mem>>)
        %dma_start3A_613 = arith.constant 1 : i32
        %dma_start3A_614 = arith.constant 2 : i32
        %dma_start3A_615 = arith.constant 1 : i32
        %dma_start3A_616 = arith.constant 256 : i32
        %dma_start3A_617 = arith.constant 0 : i32
        %dma_start3A_618 = tpu.memref_slice %arg6[%dma_start3A_615, %dma_start3A_616, %dma_start3A_617] : memref<2x2048x16xf32, #tpu.memory_space<vmem>> -> memref<1x128x16xf32, #tpu.memory_space<vmem>>
        %dma_start3A_619 = tpu.memref_squeeze %dma_start3A_618 : memref<1x128x16xf32, #tpu.memory_space<vmem>> -> memref<128x16xf32, #tpu.memory_space<vmem>>
        %dma_start3A_620 = arith.constant 0 : i32
        %dma_start3A_621 = tpu.memref_slice %arg5[%dma_start3A_613, %dma_start3A_614, %dma_start3A_620] : memref<2x16x128xi32, #tpu.memory_space<vmem>> -> memref<1x1x128xi32, #tpu.memory_space<vmem>>
        %dma_start3A_622 = tpu.memref_squeeze %dma_start3A_621 : memref<1x1x128xi32, #tpu.memory_space<vmem>> -> memref<128xi32, #tpu.memory_space<vmem>>
        %dma_start3A_623 = arith.constant 0 : i32
        %dma_start3A_624 = tpu.memref_slice %arg2[%mul3A_22, %dma_start3A_623] : memref<65536x16xf32, #tpu.memory_space<hbm>> -> memref<16384x16xf32, #tpu.memory_space<hbm>>
        %dma_start3A_625 = arith.constant 0 : i32
        %dma_start3A_626 = arith.constant 0 : i32
        %dma_start3A_627 = tpu.memref_slice %dma_start3A_624[%dma_start3A_625, %dma_start3A_626] : memref<16384x16xf32, #tpu.memory_space<hbm>> -> memref<16384x16xf32, #tpu.memory_space<hbm>>
        tpu.enqueue_indirect_dma source(%dma_start3A_627 : memref<16384x16xf32, #tpu.memory_space<hbm>>) target(%dma_start3A_619 : memref<128x16xf32, #tpu.memory_space<vmem>>) offsets(%dma_start3A_622 : memref<128xi32, #tpu.memory_space<vmem>>) semaphore(%arg9 : memref<!tpu.dma_semaphore, #tpu.memory_space<semaphore_mem>>)
        %dma_start3A_628 = arith.constant 1 : i32
        %dma_start3A_629 = arith.constant 3 : i32
        %dma_start3A_630 = arith.constant 1 : i32
        %dma_start3A_631 = arith.constant 384 : i32
        %dma_start3A_632 = arith.constant 0 : i32
        %dma_start3A_633 = tpu.memref_slice %arg6[%dma_start3A_630, %dma_start3A_631, %dma_start3A_632] : memref<2x2048x16xf32, #tpu.memory_space<vmem>> -> memref<1x128x16xf32, #tpu.memory_space<vmem>>
        %dma_start3A_634 = tpu.memref_squeeze %dma_start3A_633 : memref<1x128x16xf32, #tpu.memory_space<vmem>> -> memref<128x16xf32, #tpu.memory_space<vmem>>
        %dma_start3A_635 = arith.constant 0 : i32
        %dma_start3A_636 = tpu.memref_slice %arg5[%dma_start3A_628, %dma_start3A_629, %dma_start3A_635] : memref<2x16x128xi32, #tpu.memory_space<vmem>> -> memref<1x1x128xi32, #tpu.memory_space<vmem>>
        %dma_start3A_637 = tpu.memref_squeeze %dma_start3A_636 : memref<1x1x128xi32, #tpu.memory_space<vmem>> -> memref<128xi32, #tpu.memory_space<vmem>>
        %dma_start3A_638 = arith.constant 0 : i32
        %dma_start3A_639 = tpu.memref_slice %arg2[%mul3A_22, %dma_start3A_638] : memref<65536x16xf32, #tpu.memory_space<hbm>> -> memref<16384x16xf32, #tpu.memory_space<hbm>>
        %dma_start3A_640 = arith.constant 0 : i32
        %dma_start3A_641 = arith.constant 0 : i32
        %dma_start3A_642 = tpu.memref_slice %dma_start3A_639[%dma_start3A_640, %dma_start3A_641] : memref<16384x16xf32, #tpu.memory_space<hbm>> -> memref<16384x16xf32, #tpu.memory_space<hbm>>
        tpu.enqueue_indirect_dma source(%dma_start3A_642 : memref<16384x16xf32, #tpu.memory_space<hbm>>) target(%dma_start3A_634 : memref<128x16xf32, #tpu.memory_space<vmem>>) offsets(%dma_start3A_637 : memref<128xi32, #tpu.memory_space<vmem>>) semaphore(%arg9 : memref<!tpu.dma_semaphore, #tpu.memory_space<semaphore_mem>>)
        %dma_start3A_643 = arith.constant 1 : i32
        %dma_start3A_644 = arith.constant 4 : i32
        %dma_start3A_645 = arith.constant 1 : i32
        %dma_start3A_646 = arith.constant 512 : i32
        %dma_start3A_647 = arith.constant 0 : i32
        %dma_start3A_648 = tpu.memref_slice %arg6[%dma_start3A_645, %dma_start3A_646, %dma_start3A_647] : memref<2x2048x16xf32, #tpu.memory_space<vmem>> -> memref<1x128x16xf32, #tpu.memory_space<vmem>>
        %dma_start3A_649 = tpu.memref_squeeze %dma_start3A_648 : memref<1x128x16xf32, #tpu.memory_space<vmem>> -> memref<128x16xf32, #tpu.memory_space<vmem>>
        %dma_start3A_650 = arith.constant 0 : i32
        %dma_start3A_651 = tpu.memref_slice %arg5[%dma_start3A_643, %dma_start3A_644, %dma_start3A_650] : memref<2x16x128xi32, #tpu.memory_space<vmem>> -> memref<1x1x128xi32, #tpu.memory_space<vmem>>
        %dma_start3A_652 = tpu.memref_squeeze %dma_start3A_651 : memref<1x1x128xi32, #tpu.memory_space<vmem>> -> memref<128xi32, #tpu.memory_space<vmem>>
        %dma_start3A_653 = arith.constant 0 : i32
        %dma_start3A_654 = tpu.memref_slice %arg2[%mul3A_22, %dma_start3A_653] : memref<65536x16xf32, #tpu.memory_space<hbm>> -> memref<16384x16xf32, #tpu.memory_space<hbm>>
        %dma_start3A_655 = arith.constant 0 : i32
        %dma_start3A_656 = arith.constant 0 : i32
        %dma_start3A_657 = tpu.memref_slice %dma_start3A_654[%dma_start3A_655, %dma_start3A_656] : memref<16384x16xf32, #tpu.memory_space<hbm>> -> memref<16384x16xf32, #tpu.memory_space<hbm>>
        tpu.enqueue_indirect_dma source(%dma_start3A_657 : memref<16384x16xf32, #tpu.memory_space<hbm>>) target(%dma_start3A_649 : memref<128x16xf32, #tpu.memory_space<vmem>>) offsets(%dma_start3A_652 : memref<128xi32, #tpu.memory_space<vmem>>) semaphore(%arg9 : memref<!tpu.dma_semaphore, #tpu.memory_space<semaphore_mem>>)
        %dma_start3A_658 = arith.constant 1 : i32
        %dma_start3A_659 = arith.constant 5 : i32
        %dma_start3A_660 = arith.constant 1 : i32
        %dma_start3A_661 = arith.constant 640 : i32
        %dma_start3A_662 = arith.constant 0 : i32
        %dma_start3A_663 = tpu.memref_slice %arg6[%dma_start3A_660, %dma_start3A_661, %dma_start3A_662] : memref<2x2048x16xf32, #tpu.memory_space<vmem>> -> memref<1x128x16xf32, #tpu.memory_space<vmem>>
        %dma_start3A_664 = tpu.memref_squeeze %dma_start3A_663 : memref<1x128x16xf32, #tpu.memory_space<vmem>> -> memref<128x16xf32, #tpu.memory_space<vmem>>
        %dma_start3A_665 = arith.constant 0 : i32
        %dma_start3A_666 = tpu.memref_slice %arg5[%dma_start3A_658, %dma_start3A_659, %dma_start3A_665] : memref<2x16x128xi32, #tpu.memory_space<vmem>> -> memref<1x1x128xi32, #tpu.memory_space<vmem>>
        %dma_start3A_667 = tpu.memref_squeeze %dma_start3A_666 : memref<1x1x128xi32, #tpu.memory_space<vmem>> -> memref<128xi32, #tpu.memory_space<vmem>>
        %dma_start3A_668 = arith.constant 0 : i32
        %dma_start3A_669 = tpu.memref_slice %arg2[%mul3A_22, %dma_start3A_668] : memref<65536x16xf32, #tpu.memory_space<hbm>> -> memref<16384x16xf32, #tpu.memory_space<hbm>>
        %dma_start3A_670 = arith.constant 0 : i32
        %dma_start3A_671 = arith.constant 0 : i32
        %dma_start3A_672 = tpu.memref_slice %dma_start3A_669[%dma_start3A_670, %dma_start3A_671] : memref<16384x16xf32, #tpu.memory_space<hbm>> -> memref<16384x16xf32, #tpu.memory_space<hbm>>
        tpu.enqueue_indirect_dma source(%dma_start3A_672 : memref<16384x16xf32, #tpu.memory_space<hbm>>) target(%dma_start3A_664 : memref<128x16xf32, #tpu.memory_space<vmem>>) offsets(%dma_start3A_667 : memref<128xi32, #tpu.memory_space<vmem>>) semaphore(%arg9 : memref<!tpu.dma_semaphore, #tpu.memory_space<semaphore_mem>>)
        %dma_start3A_673 = arith.constant 1 : i32
        %dma_start3A_674 = arith.constant 6 : i32
        %dma_start3A_675 = arith.constant 1 : i32
        %dma_start3A_676 = arith.constant 768 : i32
        %dma_start3A_677 = arith.constant 0 : i32
        %dma_start3A_678 = tpu.memref_slice %arg6[%dma_start3A_675, %dma_start3A_676, %dma_start3A_677] : memref<2x2048x16xf32, #tpu.memory_space<vmem>> -> memref<1x128x16xf32, #tpu.memory_space<vmem>>
        %dma_start3A_679 = tpu.memref_squeeze %dma_start3A_678 : memref<1x128x16xf32, #tpu.memory_space<vmem>> -> memref<128x16xf32, #tpu.memory_space<vmem>>
        %dma_start3A_680 = arith.constant 0 : i32
        %dma_start3A_681 = tpu.memref_slice %arg5[%dma_start3A_673, %dma_start3A_674, %dma_start3A_680] : memref<2x16x128xi32, #tpu.memory_space<vmem>> -> memref<1x1x128xi32, #tpu.memory_space<vmem>>
        %dma_start3A_682 = tpu.memref_squeeze %dma_start3A_681 : memref<1x1x128xi32, #tpu.memory_space<vmem>> -> memref<128xi32, #tpu.memory_space<vmem>>
        %dma_start3A_683 = arith.constant 0 : i32
        %dma_start3A_684 = tpu.memref_slice %arg2[%mul3A_22, %dma_start3A_683] : memref<65536x16xf32, #tpu.memory_space<hbm>> -> memref<16384x16xf32, #tpu.memory_space<hbm>>
        %dma_start3A_685 = arith.constant 0 : i32
        %dma_start3A_686 = arith.constant 0 : i32
        %dma_start3A_687 = tpu.memref_slice %dma_start3A_684[%dma_start3A_685, %dma_start3A_686] : memref<16384x16xf32, #tpu.memory_space<hbm>> -> memref<16384x16xf32, #tpu.memory_space<hbm>>
        tpu.enqueue_indirect_dma source(%dma_start3A_687 : memref<16384x16xf32, #tpu.memory_space<hbm>>) target(%dma_start3A_679 : memref<128x16xf32, #tpu.memory_space<vmem>>) offsets(%dma_start3A_682 : memref<128xi32, #tpu.memory_space<vmem>>) semaphore(%arg9 : memref<!tpu.dma_semaphore, #tpu.memory_space<semaphore_mem>>)
        %dma_start3A_688 = arith.constant 1 : i32
        %dma_start3A_689 = arith.constant 7 : i32
        %dma_start3A_690 = arith.constant 1 : i32
        %dma_start3A_691 = arith.constant 896 : i32
        %dma_start3A_692 = arith.constant 0 : i32
        %dma_start3A_693 = tpu.memref_slice %arg6[%dma_start3A_690, %dma_start3A_691, %dma_start3A_692] : memref<2x2048x16xf32, #tpu.memory_space<vmem>> -> memref<1x128x16xf32, #tpu.memory_space<vmem>>
        %dma_start3A_694 = tpu.memref_squeeze %dma_start3A_693 : memref<1x128x16xf32, #tpu.memory_space<vmem>> -> memref<128x16xf32, #tpu.memory_space<vmem>>
        %dma_start3A_695 = arith.constant 0 : i32
        %dma_start3A_696 = tpu.memref_slice %arg5[%dma_start3A_688, %dma_start3A_689, %dma_start3A_695] : memref<2x16x128xi32, #tpu.memory_space<vmem>> -> memref<1x1x128xi32, #tpu.memory_space<vmem>>
        %dma_start3A_697 = tpu.memref_squeeze %dma_start3A_696 : memref<1x1x128xi32, #tpu.memory_space<vmem>> -> memref<128xi32, #tpu.memory_space<vmem>>
        %dma_start3A_698 = arith.constant 0 : i32
        %dma_start3A_699 = tpu.memref_slice %arg2[%mul3A_22, %dma_start3A_698] : memref<65536x16xf32, #tpu.memory_space<hbm>> -> memref<16384x16xf32, #tpu.memory_space<hbm>>
        %dma_start3A_700 = arith.constant 0 : i32
        %dma_start3A_701 = arith.constant 0 : i32
        %dma_start3A_702 = tpu.memref_slice %dma_start3A_699[%dma_start3A_700, %dma_start3A_701] : memref<16384x16xf32, #tpu.memory_space<hbm>> -> memref<16384x16xf32, #tpu.memory_space<hbm>>
        tpu.enqueue_indirect_dma source(%dma_start3A_702 : memref<16384x16xf32, #tpu.memory_space<hbm>>) target(%dma_start3A_694 : memref<128x16xf32, #tpu.memory_space<vmem>>) offsets(%dma_start3A_697 : memref<128xi32, #tpu.memory_space<vmem>>) semaphore(%arg9 : memref<!tpu.dma_semaphore, #tpu.memory_space<semaphore_mem>>)
        %dma_start3A_703 = arith.constant 1 : i32
        %dma_start3A_704 = arith.constant 8 : i32
        %dma_start3A_705 = arith.constant 1 : i32
        %dma_start3A_706 = arith.constant 1024 : i32
        %dma_start3A_707 = arith.constant 0 : i32
        %dma_start3A_708 = tpu.memref_slice %arg6[%dma_start3A_705, %dma_start3A_706, %dma_start3A_707] : memref<2x2048x16xf32, #tpu.memory_space<vmem>> -> memref<1x128x16xf32, #tpu.memory_space<vmem>>
        %dma_start3A_709 = tpu.memref_squeeze %dma_start3A_708 : memref<1x128x16xf32, #tpu.memory_space<vmem>> -> memref<128x16xf32, #tpu.memory_space<vmem>>
        %dma_start3A_710 = arith.constant 0 : i32
        %dma_start3A_711 = tpu.memref_slice %arg5[%dma_start3A_703, %dma_start3A_704, %dma_start3A_710] : memref<2x16x128xi32, #tpu.memory_space<vmem>> -> memref<1x1x128xi32, #tpu.memory_space<vmem>>
        %dma_start3A_712 = tpu.memref_squeeze %dma_start3A_711 : memref<1x1x128xi32, #tpu.memory_space<vmem>> -> memref<128xi32, #tpu.memory_space<vmem>>
        %dma_start3A_713 = arith.constant 0 : i32
        %dma_start3A_714 = tpu.memref_slice %arg2[%mul3A_22, %dma_start3A_713] : memref<65536x16xf32, #tpu.memory_space<hbm>> -> memref<16384x16xf32, #tpu.memory_space<hbm>>
        %dma_start3A_715 = arith.constant 0 : i32
        %dma_start3A_716 = arith.constant 0 : i32
        %dma_start3A_717 = tpu.memref_slice %dma_start3A_714[%dma_start3A_715, %dma_start3A_716] : memref<16384x16xf32, #tpu.memory_space<hbm>> -> memref<16384x16xf32, #tpu.memory_space<hbm>>
        tpu.enqueue_indirect_dma source(%dma_start3A_717 : memref<16384x16xf32, #tpu.memory_space<hbm>>) target(%dma_start3A_709 : memref<128x16xf32, #tpu.memory_space<vmem>>) offsets(%dma_start3A_712 : memref<128xi32, #tpu.memory_space<vmem>>) semaphore(%arg9 : memref<!tpu.dma_semaphore, #tpu.memory_space<semaphore_mem>>)
        %dma_start3A_718 = arith.constant 1 : i32
        %dma_start3A_719 = arith.constant 9 : i32
        %dma_start3A_720 = arith.constant 1 : i32
        %dma_start3A_721 = arith.constant 1152 : i32
        %dma_start3A_722 = arith.constant 0 : i32
        %dma_start3A_723 = tpu.memref_slice %arg6[%dma_start3A_720, %dma_start3A_721, %dma_start3A_722] : memref<2x2048x16xf32, #tpu.memory_space<vmem>> -> memref<1x128x16xf32, #tpu.memory_space<vmem>>
        %dma_start3A_724 = tpu.memref_squeeze %dma_start3A_723 : memref<1x128x16xf32, #tpu.memory_space<vmem>> -> memref<128x16xf32, #tpu.memory_space<vmem>>
        %dma_start3A_725 = arith.constant 0 : i32
        %dma_start3A_726 = tpu.memref_slice %arg5[%dma_start3A_718, %dma_start3A_719, %dma_start3A_725] : memref<2x16x128xi32, #tpu.memory_space<vmem>> -> memref<1x1x128xi32, #tpu.memory_space<vmem>>
        %dma_start3A_727 = tpu.memref_squeeze %dma_start3A_726 : memref<1x1x128xi32, #tpu.memory_space<vmem>> -> memref<128xi32, #tpu.memory_space<vmem>>
        %dma_start3A_728 = arith.constant 0 : i32
        %dma_start3A_729 = tpu.memref_slice %arg2[%mul3A_22, %dma_start3A_728] : memref<65536x16xf32, #tpu.memory_space<hbm>> -> memref<16384x16xf32, #tpu.memory_space<hbm>>
        %dma_start3A_730 = arith.constant 0 : i32
        %dma_start3A_731 = arith.constant 0 : i32
        %dma_start3A_732 = tpu.memref_slice %dma_start3A_729[%dma_start3A_730, %dma_start3A_731] : memref<16384x16xf32, #tpu.memory_space<hbm>> -> memref<16384x16xf32, #tpu.memory_space<hbm>>
        tpu.enqueue_indirect_dma source(%dma_start3A_732 : memref<16384x16xf32, #tpu.memory_space<hbm>>) target(%dma_start3A_724 : memref<128x16xf32, #tpu.memory_space<vmem>>) offsets(%dma_start3A_727 : memref<128xi32, #tpu.memory_space<vmem>>) semaphore(%arg9 : memref<!tpu.dma_semaphore, #tpu.memory_space<semaphore_mem>>)
        %dma_start3A_733 = arith.constant 1 : i32
        %dma_start3A_734 = arith.constant 10 : i32
        %dma_start3A_735 = arith.constant 1 : i32
        %dma_start3A_736 = arith.constant 1280 : i32
        %dma_start3A_737 = arith.constant 0 : i32
        %dma_start3A_738 = tpu.memref_slice %arg6[%dma_start3A_735, %dma_start3A_736, %dma_start3A_737] : memref<2x2048x16xf32, #tpu.memory_space<vmem>> -> memref<1x128x16xf32, #tpu.memory_space<vmem>>
        %dma_start3A_739 = tpu.memref_squeeze %dma_start3A_738 : memref<1x128x16xf32, #tpu.memory_space<vmem>> -> memref<128x16xf32, #tpu.memory_space<vmem>>
        %dma_start3A_740 = arith.constant 0 : i32
        %dma_start3A_741 = tpu.memref_slice %arg5[%dma_start3A_733, %dma_start3A_734, %dma_start3A_740] : memref<2x16x128xi32, #tpu.memory_space<vmem>> -> memref<1x1x128xi32, #tpu.memory_space<vmem>>
        %dma_start3A_742 = tpu.memref_squeeze %dma_start3A_741 : memref<1x1x128xi32, #tpu.memory_space<vmem>> -> memref<128xi32, #tpu.memory_space<vmem>>
        %dma_start3A_743 = arith.constant 0 : i32
        %dma_start3A_744 = tpu.memref_slice %arg2[%mul3A_22, %dma_start3A_743] : memref<65536x16xf32, #tpu.memory_space<hbm>> -> memref<16384x16xf32, #tpu.memory_space<hbm>>
        %dma_start3A_745 = arith.constant 0 : i32
        %dma_start3A_746 = arith.constant 0 : i32
        %dma_start3A_747 = tpu.memref_slice %dma_start3A_744[%dma_start3A_745, %dma_start3A_746] : memref<16384x16xf32, #tpu.memory_space<hbm>> -> memref<16384x16xf32, #tpu.memory_space<hbm>>
        tpu.enqueue_indirect_dma source(%dma_start3A_747 : memref<16384x16xf32, #tpu.memory_space<hbm>>) target(%dma_start3A_739 : memref<128x16xf32, #tpu.memory_space<vmem>>) offsets(%dma_start3A_742 : memref<128xi32, #tpu.memory_space<vmem>>) semaphore(%arg9 : memref<!tpu.dma_semaphore, #tpu.memory_space<semaphore_mem>>)
        %dma_start3A_748 = arith.constant 1 : i32
        %dma_start3A_749 = arith.constant 11 : i32
        %dma_start3A_750 = arith.constant 1 : i32
        %dma_start3A_751 = arith.constant 1408 : i32
        %dma_start3A_752 = arith.constant 0 : i32
        %dma_start3A_753 = tpu.memref_slice %arg6[%dma_start3A_750, %dma_start3A_751, %dma_start3A_752] : memref<2x2048x16xf32, #tpu.memory_space<vmem>> -> memref<1x128x16xf32, #tpu.memory_space<vmem>>
        %dma_start3A_754 = tpu.memref_squeeze %dma_start3A_753 : memref<1x128x16xf32, #tpu.memory_space<vmem>> -> memref<128x16xf32, #tpu.memory_space<vmem>>
        %dma_start3A_755 = arith.constant 0 : i32
        %dma_start3A_756 = tpu.memref_slice %arg5[%dma_start3A_748, %dma_start3A_749, %dma_start3A_755] : memref<2x16x128xi32, #tpu.memory_space<vmem>> -> memref<1x1x128xi32, #tpu.memory_space<vmem>>
        %dma_start3A_757 = tpu.memref_squeeze %dma_start3A_756 : memref<1x1x128xi32, #tpu.memory_space<vmem>> -> memref<128xi32, #tpu.memory_space<vmem>>
        %dma_start3A_758 = arith.constant 0 : i32
        %dma_start3A_759 = tpu.memref_slice %arg2[%mul3A_22, %dma_start3A_758] : memref<65536x16xf32, #tpu.memory_space<hbm>> -> memref<16384x16xf32, #tpu.memory_space<hbm>>
        %dma_start3A_760 = arith.constant 0 : i32
        %dma_start3A_761 = arith.constant 0 : i32
        %dma_start3A_762 = tpu.memref_slice %dma_start3A_759[%dma_start3A_760, %dma_start3A_761] : memref<16384x16xf32, #tpu.memory_space<hbm>> -> memref<16384x16xf32, #tpu.memory_space<hbm>>
        tpu.enqueue_indirect_dma source(%dma_start3A_762 : memref<16384x16xf32, #tpu.memory_space<hbm>>) target(%dma_start3A_754 : memref<128x16xf32, #tpu.memory_space<vmem>>) offsets(%dma_start3A_757 : memref<128xi32, #tpu.memory_space<vmem>>) semaphore(%arg9 : memref<!tpu.dma_semaphore, #tpu.memory_space<semaphore_mem>>)
        %dma_start3A_763 = arith.constant 1 : i32
        %dma_start3A_764 = arith.constant 12 : i32
        %dma_start3A_765 = arith.constant 1 : i32
        %dma_start3A_766 = arith.constant 1536 : i32
        %dma_start3A_767 = arith.constant 0 : i32
        %dma_start3A_768 = tpu.memref_slice %arg6[%dma_start3A_765, %dma_start3A_766, %dma_start3A_767] : memref<2x2048x16xf32, #tpu.memory_space<vmem>> -> memref<1x128x16xf32, #tpu.memory_space<vmem>>
        %dma_start3A_769 = tpu.memref_squeeze %dma_start3A_768 : memref<1x128x16xf32, #tpu.memory_space<vmem>> -> memref<128x16xf32, #tpu.memory_space<vmem>>
        %dma_start3A_770 = arith.constant 0 : i32
        %dma_start3A_771 = tpu.memref_slice %arg5[%dma_start3A_763, %dma_start3A_764, %dma_start3A_770] : memref<2x16x128xi32, #tpu.memory_space<vmem>> -> memref<1x1x128xi32, #tpu.memory_space<vmem>>
        %dma_start3A_772 = tpu.memref_squeeze %dma_start3A_771 : memref<1x1x128xi32, #tpu.memory_space<vmem>> -> memref<128xi32, #tpu.memory_space<vmem>>
        %dma_start3A_773 = arith.constant 0 : i32
        %dma_start3A_774 = tpu.memref_slice %arg2[%mul3A_22, %dma_start3A_773] : memref<65536x16xf32, #tpu.memory_space<hbm>> -> memref<16384x16xf32, #tpu.memory_space<hbm>>
        %dma_start3A_775 = arith.constant 0 : i32
        %dma_start3A_776 = arith.constant 0 : i32
        %dma_start3A_777 = tpu.memref_slice %dma_start3A_774[%dma_start3A_775, %dma_start3A_776] : memref<16384x16xf32, #tpu.memory_space<hbm>> -> memref<16384x16xf32, #tpu.memory_space<hbm>>
        tpu.enqueue_indirect_dma source(%dma_start3A_777 : memref<16384x16xf32, #tpu.memory_space<hbm>>) target(%dma_start3A_769 : memref<128x16xf32, #tpu.memory_space<vmem>>) offsets(%dma_start3A_772 : memref<128xi32, #tpu.memory_space<vmem>>) semaphore(%arg9 : memref<!tpu.dma_semaphore, #tpu.memory_space<semaphore_mem>>)
        %dma_start3A_778 = arith.constant 1 : i32
        %dma_start3A_779 = arith.constant 13 : i32
        %dma_start3A_780 = arith.constant 1 : i32
        %dma_start3A_781 = arith.constant 1664 : i32
        %dma_start3A_782 = arith.constant 0 : i32
        %dma_start3A_783 = tpu.memref_slice %arg6[%dma_start3A_780, %dma_start3A_781, %dma_start3A_782] : memref<2x2048x16xf32, #tpu.memory_space<vmem>> -> memref<1x128x16xf32, #tpu.memory_space<vmem>>
        %dma_start3A_784 = tpu.memref_squeeze %dma_start3A_783 : memref<1x128x16xf32, #tpu.memory_space<vmem>> -> memref<128x16xf32, #tpu.memory_space<vmem>>
        %dma_start3A_785 = arith.constant 0 : i32
        %dma_start3A_786 = tpu.memref_slice %arg5[%dma_start3A_778, %dma_start3A_779, %dma_start3A_785] : memref<2x16x128xi32, #tpu.memory_space<vmem>> -> memref<1x1x128xi32, #tpu.memory_space<vmem>>
        %dma_start3A_787 = tpu.memref_squeeze %dma_start3A_786 : memref<1x1x128xi32, #tpu.memory_space<vmem>> -> memref<128xi32, #tpu.memory_space<vmem>>
        %dma_start3A_788 = arith.constant 0 : i32
        %dma_start3A_789 = tpu.memref_slice %arg2[%mul3A_22, %dma_start3A_788] : memref<65536x16xf32, #tpu.memory_space<hbm>> -> memref<16384x16xf32, #tpu.memory_space<hbm>>
        %dma_start3A_790 = arith.constant 0 : i32
        %dma_start3A_791 = arith.constant 0 : i32
        %dma_start3A_792 = tpu.memref_slice %dma_start3A_789[%dma_start3A_790, %dma_start3A_791] : memref<16384x16xf32, #tpu.memory_space<hbm>> -> memref<16384x16xf32, #tpu.memory_space<hbm>>
        tpu.enqueue_indirect_dma source(%dma_start3A_792 : memref<16384x16xf32, #tpu.memory_space<hbm>>) target(%dma_start3A_784 : memref<128x16xf32, #tpu.memory_space<vmem>>) offsets(%dma_start3A_787 : memref<128xi32, #tpu.memory_space<vmem>>) semaphore(%arg9 : memref<!tpu.dma_semaphore, #tpu.memory_space<semaphore_mem>>)
        %dma_start3A_793 = arith.constant 1 : i32
        %dma_start3A_794 = arith.constant 14 : i32
        %dma_start3A_795 = arith.constant 1 : i32
        %dma_start3A_796 = arith.constant 1792 : i32
        %dma_start3A_797 = arith.constant 0 : i32
        %dma_start3A_798 = tpu.memref_slice %arg6[%dma_start3A_795, %dma_start3A_796, %dma_start3A_797] : memref<2x2048x16xf32, #tpu.memory_space<vmem>> -> memref<1x128x16xf32, #tpu.memory_space<vmem>>
        %dma_start3A_799 = tpu.memref_squeeze %dma_start3A_798 : memref<1x128x16xf32, #tpu.memory_space<vmem>> -> memref<128x16xf32, #tpu.memory_space<vmem>>
        %dma_start3A_800 = arith.constant 0 : i32
        %dma_start3A_801 = tpu.memref_slice %arg5[%dma_start3A_793, %dma_start3A_794, %dma_start3A_800] : memref<2x16x128xi32, #tpu.memory_space<vmem>> -> memref<1x1x128xi32, #tpu.memory_space<vmem>>
        %dma_start3A_802 = tpu.memref_squeeze %dma_start3A_801 : memref<1x1x128xi32, #tpu.memory_space<vmem>> -> memref<128xi32, #tpu.memory_space<vmem>>
        %dma_start3A_803 = arith.constant 0 : i32
        %dma_start3A_804 = tpu.memref_slice %arg2[%mul3A_22, %dma_start3A_803] : memref<65536x16xf32, #tpu.memory_space<hbm>> -> memref<16384x16xf32, #tpu.memory_space<hbm>>
        %dma_start3A_805 = arith.constant 0 : i32
        %dma_start3A_806 = arith.constant 0 : i32
        %dma_start3A_807 = tpu.memref_slice %dma_start3A_804[%dma_start3A_805, %dma_start3A_806] : memref<16384x16xf32, #tpu.memory_space<hbm>> -> memref<16384x16xf32, #tpu.memory_space<hbm>>
        tpu.enqueue_indirect_dma source(%dma_start3A_807 : memref<16384x16xf32, #tpu.memory_space<hbm>>) target(%dma_start3A_799 : memref<128x16xf32, #tpu.memory_space<vmem>>) offsets(%dma_start3A_802 : memref<128xi32, #tpu.memory_space<vmem>>) semaphore(%arg9 : memref<!tpu.dma_semaphore, #tpu.memory_space<semaphore_mem>>)
        %dma_start3A_808 = arith.constant 1 : i32
        %dma_start3A_809 = arith.constant 15 : i32
        %dma_start3A_810 = arith.constant 1 : i32
        %dma_start3A_811 = arith.constant 1920 : i32
        %dma_start3A_812 = arith.constant 0 : i32
        %dma_start3A_813 = tpu.memref_slice %arg6[%dma_start3A_810, %dma_start3A_811, %dma_start3A_812] : memref<2x2048x16xf32, #tpu.memory_space<vmem>> -> memref<1x128x16xf32, #tpu.memory_space<vmem>>
        %dma_start3A_814 = tpu.memref_squeeze %dma_start3A_813 : memref<1x128x16xf32, #tpu.memory_space<vmem>> -> memref<128x16xf32, #tpu.memory_space<vmem>>
        %dma_start3A_815 = arith.constant 0 : i32
        %dma_start3A_816 = tpu.memref_slice %arg5[%dma_start3A_808, %dma_start3A_809, %dma_start3A_815] : memref<2x16x128xi32, #tpu.memory_space<vmem>> -> memref<1x1x128xi32, #tpu.memory_space<vmem>>
        %dma_start3A_817 = tpu.memref_squeeze %dma_start3A_816 : memref<1x1x128xi32, #tpu.memory_space<vmem>> -> memref<128xi32, #tpu.memory_space<vmem>>
        %dma_start3A_818 = arith.constant 0 : i32
        %dma_start3A_819 = tpu.memref_slice %arg2[%mul3A_22, %dma_start3A_818] : memref<65536x16xf32, #tpu.memory_space<hbm>> -> memref<16384x16xf32, #tpu.memory_space<hbm>>
        %dma_start3A_820 = arith.constant 0 : i32
        %dma_start3A_821 = arith.constant 0 : i32
        %dma_start3A_822 = tpu.memref_slice %dma_start3A_819[%dma_start3A_820, %dma_start3A_821] : memref<16384x16xf32, #tpu.memory_space<hbm>> -> memref<16384x16xf32, #tpu.memory_space<hbm>>
        tpu.enqueue_indirect_dma source(%dma_start3A_822 : memref<16384x16xf32, #tpu.memory_space<hbm>>) target(%dma_start3A_814 : memref<128x16xf32, #tpu.memory_space<vmem>>) offsets(%dma_start3A_817 : memref<128xi32, #tpu.memory_space<vmem>>) semaphore(%arg9 : memref<!tpu.dma_semaphore, #tpu.memory_space<semaphore_mem>>)
      } else {
      }
    }
    %scan3A_511 = arith.constant 16 : i32
    return
  }
}

module attributes {stable_mosaic.version = 14 : i64} {
  func.func @_mlp_body(%arg0: i32, %arg1: memref<2048x128xf32, #tpu.memory_space<vmem>>, %arg2: memref<128x128xf32, #tpu.memory_space<vmem>>, %arg3: memref<2048x128xf32, #tpu.memory_space<vmem>>) attributes {dimension_semantics = [#tpu.dimension_semantics<arbitrary>], iteration_bounds = array<i64: 4>, scalar_prefetch = 0 : i64, scratch_operands = 0 : i64, tpu.core_type = #tpu.core_type<tc>, window_params = [{transform_indices = @transform_0, window_bounds = array<i64: 2048, 128>}, {pipeline_mode = #tpu.pipeline_mode<synchronous>, transform_indices = @transform_1, window_bounds = array<i64: 128, 128>}, {transform_indices = @transform_2, window_bounds = array<i64: 2048, 128>}]} {
    %get3A = arith.constant 0 : index
    %get3A_0 = arith.constant 0 : index
    %get3A_1 = vector.load %arg1[%get3A, %get3A_0] : memref<2048x128xf32, #tpu.memory_space<vmem>>, vector<2048x128xf32>
    %get3A_2 = arith.constant 0 : index
    %get3A_3 = arith.constant 0 : index
    %get3A_4 = vector.load %arg2[%get3A_2, %get3A_3] : memref<128x128xf32, #tpu.memory_space<vmem>>, vector<128x128xf32>
    %dot_general3A = arith.constant dense<0.000000e+00> : vector<2048x128xf32>
    %dot_general3A_5 = tpu.matmul %get3A_1, %get3A_4, %dot_general3A {dimension_numbers = #tpu.dot_dimension_numbers<[1], [0], [0], [1], [0, 0, 1, 1], [], []>, transpose_lhs_hint = false} : vector<2048x128xf32>, vector<128x128xf32>, vector<2048x128xf32> -> vector<2048x128xf32>
    %max3A = arith.constant 0.000000e+00 : f32
    %max3A_6 = vector.broadcast %max3A : f32 to vector<2048x128xf32>
    %max3A_7 = arith.maximumf %dot_general3A_5, %max3A_6 : vector<2048x128xf32>
    %swap3A = arith.constant 0 : index
    %swap3A_8 = arith.constant 0 : index
    %swap3A_9 = vector.load %arg3[%swap3A, %swap3A_8] : memref<2048x128xf32, #tpu.memory_space<vmem>>, vector<2048x128xf32>
    tpu.vector_store %arg3[%swap3A, %swap3A_8], %max3A_7 {strides = array<i32>} : memref<2048x128xf32, #tpu.memory_space<vmem>>, vector<2048x128xf32>,
    return
  }
  func.func @transform_0(%arg0: i32) -> (i32, i32) {
    %c0_i32 = arith.constant 0 : i32
    %c0_i32_0 = arith.constant 0 : i32
    return %arg0, %c0_i32 : i32, i32
  }
  func.func @transform_1(%arg0: i32) -> (i32, i32) {
    %c0_i32 = arith.constant 0 : i32
    %c0_i32_0 = arith.constant 0 : i32
    %c0_i32_1 = arith.constant 0 : i32
    return %c0_i32, %c0_i32_0 : i32, i32
  }
  func.func @transform_2(%arg0: i32) -> (i32, i32) {
    %c0_i32 = arith.constant 0 : i32
    %c0_i32_0 = arith.constant 0 : i32
    return %arg0, %c0_i32 : i32, i32
  }
}

module attributes {stable_mosaic.version = 14 : i64} {
  func.func @_dense_body(%arg0: i32, %arg1: memref<2048x128xf32, #tpu.memory_space<vmem>>, %arg2: memref<128x128xf32, #tpu.memory_space<vmem>>, %arg3: memref<1x128xf32, #tpu.memory_space<vmem>>, %arg4: memref<2048x128xf32, #tpu.memory_space<vmem>>) attributes {dimension_semantics = [#tpu.dimension_semantics<arbitrary>], iteration_bounds = array<i64: 4>, scalar_prefetch = 0 : i64, scratch_operands = 0 : i64, tpu.core_type = #tpu.core_type<tc>, window_params = [{transform_indices = @transform_0, window_bounds = array<i64: 2048, 128>}, {pipeline_mode = #tpu.pipeline_mode<synchronous>, transform_indices = @transform_1, window_bounds = array<i64: 128, 128>}, {pipeline_mode = #tpu.pipeline_mode<synchronous>, transform_indices = @transform_2, window_bounds = array<i64: 1, 128>}, {transform_indices = @transform_3, window_bounds = array<i64: 2048, 128>}]} {
    %get3A = arith.constant 0 : index
    %get3A_0 = arith.constant 0 : index
    %get3A_1 = vector.load %arg1[%get3A, %get3A_0] : memref<2048x128xf32, #tpu.memory_space<vmem>>, vector<2048x128xf32>
    %get3A_2 = arith.constant 0 : index
    %get3A_3 = arith.constant 0 : index
    %get3A_4 = vector.load %arg2[%get3A_2, %get3A_3] : memref<128x128xf32, #tpu.memory_space<vmem>>, vector<128x128xf32>
    %dot_general3A = arith.constant dense<0.000000e+00> : vector<2048x128xf32>
    %dot_general3A_5 = tpu.matmul %get3A_1, %get3A_4, %dot_general3A {dimension_numbers = #tpu.dot_dimension_numbers<[1], [0], [0], [1], [0, 0, 1, 1], [], []>, transpose_lhs_hint = false} : vector<2048x128xf32>, vector<128x128xf32>, vector<2048x128xf32> -> vector<2048x128xf32>
    %get3A_6 = arith.constant 0 : index
    %get3A_7 = arith.constant 0 : index
    %get3A_8 = vector.load %arg3[%get3A_6, %get3A_7] : memref<1x128xf32, #tpu.memory_space<vmem>>, vector<1x128xf32>
    %add3A = vector.broadcast %get3A_8 : vector<1x128xf32> to vector<2048x128xf32>
    %add3A_9 = arith.addf %dot_general3A_5, %add3A : vector<2048x128xf32>
    %swap3A = arith.constant 0 : index
    %swap3A_10 = arith.constant 0 : index
    %swap3A_11 = vector.load %arg4[%swap3A, %swap3A_10] : memref<2048x128xf32, #tpu.memory_space<vmem>>, vector<2048x128xf32>
    tpu.vector_store %arg4[%swap3A, %swap3A_10], %add3A_9 {strides = array<i32>} : memref<2048x128xf32, #tpu.memory_space<vmem>>, vector<2048x128xf32>,
    return
  }
  func.func @transform_0(%arg0: i32) -> (i32, i32) {
    %c0_i32 = arith.constant 0 : i32
    %c0_i32_0 = arith.constant 0 : i32
    return %arg0, %c0_i32 : i32, i32
  }
  func.func @transform_1(%arg0: i32) -> (i32, i32) {
    %c0_i32 = arith.constant 0 : i32
    %c0_i32_0 = arith.constant 0 : i32
    %c0_i32_1 = arith.constant 0 : i32
    return %c0_i32, %c0_i32_0 : i32, i32
  }
  func.func @transform_2(%arg0: i32) -> (i32, i32) {
    %c0_i32 = arith.constant 0 : i32
    %c0_i32_0 = arith.constant 0 : i32
    %c0_i32_1 = arith.constant 0 : i32
    return %c0_i32, %c0_i32_0 : i32, i32
  }
  func.func @transform_3(%arg0: i32) -> (i32, i32) {
    %c0_i32 = arith.constant 0 : i32
    %c0_i32_0 = arith.constant 0 : i32
    return %arg0, %c0_i32 : i32, i32
  }
}

</mosaic_0001>

<sc_bundles>
// kernel: kernel.5.cloned.1.call-start
scs
__scs_entry_jumppad:
0x0: {  	(pc) =	sbr.rel $0x88, $3  }
0x1: {  	(tag) =	ssettag $0x0;
	lr =	simm.s32 $0x1  }
0x2: {  	[smem:$0x3F9B] =	sst lr;
	_ =	strace $0xD0000000  }
0x3: {  	_ = 	snop  }
0x4: {  	_ = 	snop  }
0x5: {  	_ = 	snop  }
0x6: {  	_ = 	snop  }
0x7: {  	_ = 	snop  }
__scs_overlays_trampoline_lowered:
0x8: {  	[smem:$0x3FAA] =	sst s0  }
0x9: {  	[smem:$0x3FAB] =	sst s1  }
0xa: {  	[smem:$0x3FAC] =	sst s2  }
0xb: {  	[smem:$0x3FAD] =	sst s3  }
0xc: {  	[smem:$0x3FAE] =	sst s4  }
0xd: {  	[smem:$0x3FAF] =	sst s5  }
0xe: {  	[smem:$0x3FB0] =	sst s6  }
0xf: {  	[smem:$0x3FB1] =	sst s7  }
0x10: {  	[smem:$0x3FB2] =	sst s8  }
0x11: {  	[smem:$0x3FB3] =	sst s9;
	s0 =	simm.s32 @!p0 $0x0  }
0x12: {  	s1 =	sld [smem:$0x3F99];
	s0 =	simm.s32 @p0 $0x1  }
0x13: {  	[smem:$0x3FB4] =	sst s0;
	s0 =	simm.s32 @!p1 $0x0  }
0x14: {  	s2 =	sld [smem:$0x3F98];
	s0 =	simm.s32 @p1 $0x1  }
0x15: {  	[smem:$0x3FB5] =	sst s0;
	s0 =	simm.s32 @!p2 $0x0  }
0x16: {  	s3 =	sld [smem:$0x3FDB];
	s0 =	simm.s32 @p2 $0x1  }
0x17: {  	s4 =	simm.s32 $0x1BF5;
	[smem:$0x3FB7] =	sst s0  }
0x18: {  	s0 =	sld [smem:$0x3F9A];
	_ =	swait.ge [sflag:s4], $0x0  }
0x19: {  	s7 =	sld [smem:$0x3F9B]  }
0x1a: {  	s8 =	sadd.s32 $0xFFFFE003, lr  }
0x1b: {  	s9 =	sadd.s32 $0xFFFFFEF7, lr;
	s5 =	simm.s32 $0xFFFFFFFF;
	p2 =	slt.u32 s8, $0xFFFFF086  }
0x1c: {  	p1 =	slt.u32 s9, $0xF7A;
	s5 =	simm.s32 @!p2 $0x0  }
0x1d: {  	s5 =	simm.s32 @p1 $0x1;
	p0 =	seq.s32 s7, s2  }
0x1e: {  	s7 =	smul.u32 @!p0 $0xF7A, s2;
	p2 =	seq.s32 @!p0 s5, $0x0  }
0x1f: {  	s9 =	smul.u32 $0xF7A, s1;
	s8 =	simm.s32 @!p0 $0x1BF5;
	p2 =	por !p2, p0  }
0x20: {  	[sflag:s8] =	ssyncset.s32 @!p0 $0xFFFFF086;
	s6 =	sadd.s32 @!p0 s3, s7;
	s7 =	simm.s32 @!p0 $0x108  }
0x21: {  	s3 =	sadd.s32 s3, s9;
	s6 =	sadd.s32 @!p0 $0x88, s6;
	s7 =	simm.s32 @p2 $0x1082  }
0x22: {  	[simem:s7], [sflag:s8] =	dma.local @!p0 [hbm:s6], $0xF7A  }
0x23: {  	s9 =	sor.u32 $0xD0000000, s2;
	s6 =	simm.s32 $0x108;
	_ =	swait.ge @!p0 [sflag:s8], $0x0  }
0x24: {  	s3 =	sadd.s32 $0x88, s3;
	s6 =	simm.s32 @!p1 $0x1082;
	[sflag:s4] =	ssyncset.s32 $0xFFFFF086  }
0x25: {  	[simem:s6], [sflag:s4] =	dma.local [hbm:s3], $0xF7A  }
0x26: {  	[smem:$0x3F9B] =	sst s1;
	(tag) =	ssettag s2;
	_ =	strace s9  }
0x27: {  	s1 =	sld [smem:$0x3FAB]  }
0x28: {  	s2 =	sld [smem:$0x3FAC]  }
0x29: {  	s4 =	sld [smem:$0x3FAE]  }
0x2a: {  	p0 =	seq.s32 s5, $0x0;
	s5 =	sld [smem:$0x3FAF]  }
0x2b: {  	s6 =	sld [smem:$0x3FB0]  }
0x2c: {  	s7 =	sld [smem:$0x3FB1]  }
0x2d: {  	s3 =	simm.s32 $0x108;
	s8 =	sld [smem:$0x3FB2]  }
0x2e: {  	s3 =	simm.s32 @!p0 $0x1082;
	s9 =	sld [smem:$0x3FB3]  }
0x2f: {  	lr =	sadd.s32 s0, s3;
	s0 =	sld [smem:$0x3FAA]  }
0x30: {  	s3 =	sld [smem:$0x3FAD]  }
0x31: {  	[smem:$0x3FB6] =	sst s10  }
0x32: {  	s10 =	sld [smem:$0x3FB4];
	_ =	sdelay $0x3  }
0x33: {  	p0 =	seq.s32 s10, $0x1;
	s10 =	sld [smem:$0x3FB6];
	_ =	sdelay $0x3  }
0x34: {  	[smem:$0x3FB6] =	sst s10  }
0x35: {  	s10 =	sld [smem:$0x3FB5];
	_ =	sdelay $0x3  }
0x36: {  	p1 =	seq.s32 s10, $0x1;
	s10 =	sld [smem:$0x3FB6];
	_ =	sdelay $0x3  }
0x37: {  	[smem:$0x3FB6] =	sst s10  }
0x38: {  	s10 =	sld [smem:$0x3FB7]  }
0x39: {  	_ = 	snop;
	(pc) =	sbr.ind lr, $3  }
0x3a: {  	_ = 	snop  }
0x3b: {  	_ = 	snop  }
0x3c: {  	p2 =	seq.s32 s10, $0x1;
	s10 =	sld [smem:$0x3FB6]  }
0x3d: {  	_ =	shalt  }
0x3e: {  	_ =	shalt  }
0x3f: {  	_ =	shalt  }
0x40: {  	_ =	shalt  }
0x41: {  	_ =	shalt  }
0x42: {  	_ =	shalt  }
0x43: {  	_ =	shalt  }
0x44: {  	_ =	shalt  }
0x45: {  	_ =	shalt  }
0x46: {  	_ =	shalt  }
0x47: {  	_ =	shalt  }
0x48: {  	_ =	shalt  }
0x49: {  	_ =	shalt  }
0x4a: {  	_ =	shalt  }
0x4b: {  	_ =	shalt  }
0x4c: {  	_ =	shalt  }
0x4d: {  	_ =	shalt  }
0x4e: {  	_ =	shalt  }
0x4f: {  	_ =	shalt  }
0x50: {  	_ =	shalt  }
0x51: {  	_ =	shalt  }
0x52: {  	_ =	shalt  }
0x53: {  	_ =	shalt  }
0x54: {  	_ =	shalt  }
0x55: {  	_ =	shalt  }
0x56: {  	_ =	shalt  }
0x57: {  	_ =	shalt  }
0x58: {  	_ =	shalt  }
0x59: {  	_ =	shalt  }
0x5a: {  	_ =	shalt  }
0x5b: {  	_ =	shalt  }
0x5c: {  	_ =	shalt  }
0x5d: {  	_ =	shalt  }
0x5e: {  	_ =	shalt  }
0x5f: {  	_ =	shalt  }
0x60: {  	_ =	shalt  }
0x61: {  	_ =	shalt  }
0x62: {  	_ =	shalt  }
0x63: {  	_ =	shalt  }
0x64: {  	_ =	shalt  }
0x65: {  	_ =	shalt  }
0x66: {  	_ =	shalt  }
0x67: {  	_ =	shalt  }
0x68: {  	_ =	shalt  }
0x69: {  	_ =	shalt  }
0x6a: {  	_ =	shalt  }
0x6b: {  	_ =	shalt  }
0x6c: {  	_ =	shalt  }
0x6d: {  	_ =	shalt  }
0x6e: {  	_ =	shalt  }
0x6f: {  	_ =	shalt  }
0x70: {  	_ =	shalt  }
0x71: {  	_ =	shalt  }
0x72: {  	_ =	shalt  }
0x73: {  	_ =	shalt  }
0x74: {  	_ =	shalt  }
0x75: {  	_ =	shalt  }
0x76: {  	_ =	shalt  }
0x77: {  	_ =	shalt  }
0x78: {  	_ =	shalt  }
0x79: {  	_ =	shalt  }
0x7a: {  	_ =	shalt  }
0x7b: {  	_ =	shalt  }
0x7c: {  	_ =	shalt  }
0x7d: {  	_ =	shalt  }
0x7e: {  	_ =	shalt  }
0x7f: {  	_ =	shalt  }
0x80: {  	_ =	shalt  }
0x81: {  	_ =	shalt  }
0x82: {  	_ =	shalt  }
0x83: {  	_ =	shalt  }
0x84: {  	_ =	shalt  }
0x85: {  	_ =	shalt  }
0x86: {  	_ =	shalt  }
0x87: {  	_ =	shalt  }
.Lfunc_end0:
.L_simem_size_0:
called_computation_lowered:
.L_overlay_start_0:
0x88: {  	s2 =	sld [smem:$0x3FD9]  }
0x89: {  	s3 =	sld [smem:$0x3FFE];
	_ =	sdelay $0x1  }
0x8a: {  	s1 =	srdreg.scid  }
0x8b: {  	s0 =	sand.u32 $0x1, s1  }
0x8c: {  	s17 =	sshll.u32 s0, $0xA;
	s2 =	sadd.s32 s3, s2  }
0x8d: {  	s2 =	sadd.s32 s2, s17  }
0x8e: {  	[smem:$0x3FC2] =	sst s2  }
0x8f: {  	_ = 	snop  }
0x90: {  	s2 =	sld [smem:$0x3FD0];
	(tm) =	ssettm $0x1  }
0x91: {  	s18 =	sld [smem:$0x3FFB];
	_ =	sdelay $0x3  }
0x92: {  	_ =	strace s18  }
0x93: {  	s3 =	sld [smem:$0x3FFC];
	_ =	sdelay $0x3  }
0x94: {  	_ =	strace s3  }
0x95: {  	s3 =	sld [smem:$0x3FFD];
	_ =	sdelay $0x3  }
0x96: {  	_ =	strace s3  }
0x97: {  	_ =	strace $0x8FFFFFFF  }
0x98: {  	s19 =	sld [smem:$0x3FDB];
	_ =	sdelay $0x1  }
0x99: {  	s4 =	simm.s32 $_scs_section_size  }
0x9a: {  	s5 =	simm.s32 $_size__tile_overlayer_lowered;
	s6 =	simm.s32 $_tile_overlayer_lowered  }
0x9b: {  	s22 =	simm.s32 $0x1BFF;
	s21 =	sshll.u32 s6, $0x1;
	s3 =	sadd.s32 s4, s19  }
0x9c: {  	s7 =	simm.s32 $0x0;
	s20 =	sshll.u32 s5, $0x1;
	s5 =	sadd.s32 s21, s3  }
0x9d: {  	[timem:s7], [sflag:s22] =	dma.local [hbm:s5], s20  }
0x9e: {  	_ =	swait.ge [sflag:s22], s20  }
0x9f: {  	s4 =	ssub.s32 $0x0, s20;
	[sflag:s22] =	ssyncset.done $0x0  }
0xa0: {  	[sflag:s22] =	ssyncadd.s32 s4;
	_ =	sdelay $0x1  }
0xa1: {  	s23 =	simm.s32 $0x1B8B  }
0xa2: {  	_ =	swait.ge [sflag:s23], $0x1  }
0xa3: {  	[sflag:s23] =	ssyncset.done $0x0  }
0xa4: {  	s25 =	simm.s32 $0x1B8E;
	s24 =	sld [smem:$0x3FFE];
	[sflag:s23] =	ssyncadd.s32 $0xFFFFFFFF  }
0xa5: {  	s26 =	simm.s32 $execute0_lowered;
	[smem:$0x3FD2] =	sst s25  }
0xa6: {  	s5 =	sshll.u32 s26, $0x1;
	_ =	strace $0x80000046;
	[dreg:$0x1] =	wrdreg $0xFFFFFFFF  }
0xa7: {  	s28 =	simm.s32 $_size_execute0_lowered;
	s3 =	sadd.s32 s3, s5;
	[dreg:$0x0] =	wrdreg $0x0  }
0xa8: {  	s5 =	sshll.u32 s28, $0x1;
	[dreg:$0x2] =	wrdreg s3  }
0xa9: {  	[dreg:$0x3] =	wrdreg s5  }
0xaa: {  	[dreg:$0x4] =	wrdreg $0xC0  }
0xab: {  	_ =	task [dreg:s7], $0x5FFFF  }
0xac: {  	[dreg:$0x1] =	wrdreg $0xFFFFFFFF  }
0xad: {  	[dreg:$0x0] =	wrdreg $0x60  }
0xae: {  	[dreg:$0x2] =	wrdreg s2  }
0xaf: {  	[dreg:$0x3] =	wrdreg s24  }
0xb0: {  	[dreg:$0x4] =	wrdreg $0x9  }
0xb1: {  	_ =	task.clear_ibuf [dreg:s7], $0x5FFFF;
	_ =	strace $0x90000046  }
0xb2: {  	s29 =	simm.s32 $0x9;
	_ =	strace $0x80000048  }
0xb3: {  	_ =	swait.ge [sflag:s29], $0x1  }
0xb4: {  	[sflag:s29] =	ssyncadd.s32 $0xFFFFFFFF  }
0xb5: {  	_ =	strace $0x90000048  }
0xb6: {  	_ =	sfence  }
0xb7: {  	s30 =	sld [smem:$0x0];
	_ =	sdelay $0x2  }
0xb8: {  	s31 =	sshll.u32 s1, $0xD;
	s1 =	sshrl.u32 s1, $0x2  }
0xb9: {  	s3 =	sand.u32 $0x4000, s31;
	s1 =	sadd.s32 s1, s30  }
0xba: {  	s0 =	sor.u32 s3, s0;
	s1 =	sshll.u32 s1, $0x11  }
0xbb: {  	s0 =	sor.u32 s1, s0  }
0xbc: {  	s0 =	sadd.s32 $0x8F2B, s0  }
0xbd: {  	[sflag:s0] =	ssyncadd.remote.s32 $0x1  }
0xbe: {  	_ =	sfence.sel $0xFFFF  }
0xbf: {  	[dreg:$0x0] =	wrdreg $0xFFFFFFFF;
	(pc) =	sbr.abs _section_cstart, $3  }
0xc0: {  	[dreg:$0x1] =	wrdreg $0xFFFFFFFF  }
0xc1: {  	_ =	task.clear_ibuf [dreg:s7], $0x2FFFF;
	_ =	strace $0x9FFFFFFF  }
0xc2: {  	(tm) =	ssettm $0x7FFFFFFF  }
0xc3: {  	_ =	shalt  }
tec
execute0_lowered:
.L_overlay_start_1:
0x0: {  	(tag) =	ssettag $0x1  }
0x1: {  	s0 =	rddreg [dreg:$0x0]  }
0x2: {  	s1 =	rddreg [dreg:$0x1]  }
0x3: {  	s2 =	simm.s32 $0x0;
	s3 =	srdreg.scid;
	s4 =	stileid.u32  }
0x4: {  	s10 =	simm.s32 $0x3;
	s11 =	simm.s32 $0x80;
	s21 =	simm.s32 $0x800  }
0x5: {  	s19 =	simm.s32 $0xD800;
	s20 =	simm.s32 $0xD00;
	s7 =	simm.s32 $0xE800  }
0x6: {  	s22 =	simm.s32 $0xE00;
	s23 =	simm.s32 $0xF000;
	s28 =	simm.s32 $0x10000  }
0x7: {  	s29 =	simm.s32 $0xF80;
	s30 =	simm.s32 $0x10800;
	s31 =	simm.s32 $0x1  }
0x8: {  	s12 =	simm.s32 $0x11400;
	s3 =	sand.u32 $0x1, s3;
	s4 =	sshll.u32 s4, $0x1  }
0x9: {  	s14 =	simm.s32 $0x0;
	[smem:$0x7FF] =	sst s2;
	s4 =	sor.u32 s3, s4  }
0xa: {  	_ =	strace $0x80000047;
	s3 =	ssub.s32 $0x2, s3;
	s5 =	sshll.u32 s4, $0xD  }
0xb: {  	s4 =	sshll.u32 s4, $0xC;
	s6 =	sshrl.u32 s3, $0x1;
	s5 =	sadd.s32 s5, s1  }
0xc: {  	s1 =	sadd.s32 s4, s1;
	s3 =	ssub.s32 s3, s6;
	s4 =	sand.u32 $0x18000, s4  }
0xd: {  	s24 =	sadd.s32 $0x101400, s5;
	s4 =	sadd.s32 s0, s4;
	s25 =	sadd.s32 $0x101500, s5  }
.Ltmp0:
0xe: {  	s6 =	sadd.s32 $0x1400, s1;
	s26 =	smax.u32 s3, $0x1;
	(pc) =	sbr.rel .LBB2_1-.Ltmp0, $4  }
0xf: {  	s8 =	sadd.s32 $0x101600, s5;
	s9 =	sadd.s32 $0x101700, s5;
	[dreg:$0x3] =	wrdreg s24  }
0x10: {  	s3 =	simm.s32 $0xE000;
	s5 =	simm.s32 $0xD80;
	[dreg:$0x4] =	wrdreg s25  }
0x11: {  	s0 =	simm.s32 $0x11000;
	s1 =	simm.s32 $0x2;
	[dreg:$0x5] =	wrdreg s26  }
0x12: {  	s24 =	simm.s32 $0xE80;
	s25 =	simm.s32 $0xF800;
	s26 =	simm.s32 $0xF00  }
.LBB2_8:
0x13: {  	s14 =	rddreg [dreg:$0x6]  }
0x14: {  	s13 =	rddreg [dreg:$0x5];
	s14 =	sadd.s32 $0x1, s14  }
0x15: {  	p0 =	sne.s32 s14, s13  }
.Ltmp1:
0x16: {  	_ = 	snop;
	(pc) =	sbr.rel @!p0 .LBB2_9-.Ltmp1, $1  }
0x17: {  	_ =	sdelay $0x3  }
.LBB2_1:
0x18: {  	[dreg:$0x6] =	wrdreg s14  }
0x19: {  	s13 =	rddreg [dreg:$0x3]  }
0x1a: {  	[tilespmem:s2], [sflag:$0x3] =	stream.linear.gather [hbm4b:s13+s2], $0x800, $0x38;
	[tilespmem:$0x11800] =	vst v63  }
0x1b: {  	_ =	swait.ge [sflag:s10], $0x800  }
0x1c: {  	[sflag:s10] =	ssyncset.done $0x0  }
0x1d: {  	s18 =	simm.s32 $0x1000;
	[sflag:s10] =	ssyncadd.s32 $0xFFFFF800  }
0x1e: {  	[tilespmem:s18], [sflag:$0x1] =	stream.indirect.gather [hbm4b:s4+s11], $0x10, s2, s11, $0xb8;
	[tilespmem:$0x11800] =	vst v63  }
0x1f: {  	s14 =	simm.s32 $0x1800  }
0x20: {  	[tilespmem:s14], [sflag:$0x1] =	stream.indirect.gather [hbm4b:s4+s11], $0x10, s11, s11, $0xb8;
	[tilespmem:$0x11800] =	vst v63  }
0x21: {  	s15 =	simm.s32 $0x100;
	s16 =	simm.s32 $0x2000  }
0x22: {  	[tilespmem:s16], [sflag:$0x1] =	stream.indirect.gather [hbm4b:s4+s11], $0x10, s15, s11, $0xb8;
	[tilespmem:$0x11800] =	vst v63  }
0x23: {  	s17 =	simm.s32 $0x180;
	s18 =	simm.s32 $0x2800  }
0x24: {  	[tilespmem:s18], [sflag:$0x1] =	stream.indirect.gather [hbm4b:s4+s11], $0x10, s17, s11, $0xb8;
	[tilespmem:$0x11800] =	vst v63  }
0x25: {  	s15 =	simm.s32 $0x200;
	s16 =	simm.s32 $0x3000  }
0x26: {  	[tilespmem:s16], [sflag:$0x1] =	stream.indirect.gather [hbm4b:s4+s11], $0x10, s15, s11, $0xb8;
	[tilespmem:$0x11800] =	vst v63  }
0x27: {  	s17 =	simm.s32 $0x280;
	s18 =	simm.s32 $0x3800  }
0x28: {  	[tilespmem:s18], [sflag:$0x1] =	stream.indirect.gather [hbm4b:s4+s11], $0x10, s17, s11, $0xb8;
	[tilespmem:$0x11800] =	vst v63  }
0x29: {  	s15 =	simm.s32 $0x300;
	s16 =	simm.s32 $0x4000  }
0x2a: {  	[tilespmem:s16], [sflag:$0x1] =	stream.indirect.gather [hbm4b:s4+s11], $0x10, s15, s11, $0xb8;
	[tilespmem:$0x11800] =	vst v63  }
0x2b: {  	s17 =	simm.s32 $0x380;
	s18 =	simm.s32 $0x4800  }
0x2c: {  	[tilespmem:s18], [sflag:$0x1] =	stream.indirect.gather [hbm4b:s4+s11], $0x10, s17, s11, $0xb8;
	[tilespmem:$0x11800] =	vst v63  }
0x2d: {  	s15 =	simm.s32 $0x400;
	s16 =	simm.s32 $0x5000  }
0x2e: {  	[tilespmem:s16], [sflag:$0x1] =	stream.indirect.gather [hbm4b:s4+s11], $0x10, s15, s11, $0xb8;
	[tilespmem:$0x11800] =	vst v63  }
0x2f: {  	s17 =	simm.s32 $0x480;
	s18 =	simm.s32 $0x5800  }
0x30: {  	[tilespmem:s18], [sflag:$0x1] =	stream.indirect.gather [hbm4b:s4+s11], $0x10, s17, s11, $0xb8;
	[tilespmem:$0x11800] =	vst v63  }
0x31: {  	s15 =	simm.s32 $0x500;
	s16 =	simm.s32 $0x6000  }
0x32: {  	[tilespmem:s16], [sflag:$0x1] =	stream.indirect.gather [hbm4b:s4+s11], $0x10, s15, s11, $0xb8;
	[tilespmem:$0x11800] =	vst v63  }
0x33: {  	s17 =	simm.s32 $0x580;
	s18 =	simm.s32 $0x6800  }
0x34: {  	[tilespmem:s18], [sflag:$0x1] =	stream.indirect.gather [hbm4b:s4+s11], $0x10, s17, s11, $0xb8;
	[tilespmem:$0x11800] =	vst v63  }
0x35: {  	s15 =	simm.s32 $0x600;
	s16 =	simm.s32 $0x7000  }
0x36: {  	[tilespmem:s16], [sflag:$0x1] =	stream.indirect.gather [hbm4b:s4+s11], $0x10, s15, s11, $0xb8;
	[tilespmem:$0x11800] =	vst v63  }
0x37: {  	s17 =	simm.s32 $0x680;
	s18 =	simm.s32 $0x7800  }
0x38: {  	[tilespmem:s18], [sflag:$0x1] =	stream.indirect.gather [hbm4b:s4+s11], $0x10, s17, s11, $0xb8;
	[tilespmem:$0x11800] =	vst v63  }
0x39: {  	s14 =	simm.s32 $0x700;
	s15 =	simm.s32 $0x8000  }
0x3a: {  	[tilespmem:s15], [sflag:$0x1] =	stream.indirect.gather [hbm4b:s4+s11], $0x10, s14, s11, $0xb8;
	[tilespmem:$0x11800] =	vst v63  }
0x3b: {  	s16 =	simm.s32 $0x780;
	s17 =	simm.s32 $0x8800  }
0x3c: {  	[tilespmem:s17], [sflag:$0x1] =	stream.indirect.gather [hbm4b:s4+s11], $0x10, s16, s11, $0xb8;
	[tilespmem:$0x11800] =	vst v63  }
0x3d: {  	s18 =	rddreg [dreg:$0x4]  }
0x3e: {  	[tilespmem:s21], [sflag:$0x3] =	stream.linear.gather [hbm4b:s18+s2], $0x800, $0x38;
	[tilespmem:$0x11800] =	vst v63  }
0x3f: {  	_ =	swait.ge [sflag:s10], $0x800  }
0x40: {  	[sflag:s10] =	ssyncset.done $0x0  }
0x41: {  	s14 =	simm.s32 $0x9000;
	[sflag:s10] =	ssyncadd.s32 $0xFFFFF800  }
0x42: {  	[tilespmem:s14], [sflag:$0x2] =	stream.indirect.gather [hbm4b:s4+s11], $0x10, s21, s11, $0xb8;
	[tilespmem:$0x11800] =	vst v63  }
0x43: {  	s15 =	simm.s32 $0x880;
	s16 =	simm.s32 $0x9800  }
0x44: {  	[tilespmem:s16], [sflag:$0x2] =	stream.indirect.gather [hbm4b:s4+s11], $0x10, s15, s11, $0xb8;
	[tilespmem:$0x11800] =	vst v63  }
0x45: {  	s17 =	simm.s32 $0x900;
	s18 =	simm.s32 $0xA000  }
0x46: {  	[tilespmem:s18], [sflag:$0x2] =	stream.indirect.gather [hbm4b:s4+s11], $0x10, s17, s11, $0xb8;
	[tilespmem:$0x11800] =	vst v63  }
0x47: {  	s15 =	simm.s32 $0x980;
	s16 =	simm.s32 $0xA800  }
0x48: {  	[tilespmem:s16], [sflag:$0x2] =	stream.indirect.gather [hbm4b:s4+s11], $0x10, s15, s11, $0xb8;
	[tilespmem:$0x11800] =	vst v63  }
0x49: {  	s17 =	simm.s32 $0xA00;
	s18 =	simm.s32 $0xB000  }
0x4a: {  	[tilespmem:s18], [sflag:$0x2] =	stream.indirect.gather [hbm4b:s4+s11], $0x10, s17, s11, $0xb8;
	[tilespmem:$0x11800] =	vst v63  }
0x4b: {  	s15 =	simm.s32 $0xA80;
	s16 =	simm.s32 $0xB800  }
0x4c: {  	[tilespmem:s16], [sflag:$0x2] =	stream.indirect.gather [hbm4b:s4+s11], $0x10, s15, s11, $0xb8;
	[tilespmem:$0x11800] =	vst v63  }
0x4d: {  	s17 =	simm.s32 $0xB00;
	s18 =	simm.s32 $0xC000  }
0x4e: {  	[tilespmem:s18], [sflag:$0x2] =	stream.indirect.gather [hbm4b:s4+s11], $0x10, s17, s11, $0xb8;
	[tilespmem:$0x11800] =	vst v63  }
0x4f: {  	s14 =	simm.s32 $0xB80;
	s15 =	simm.s32 $0xC800  }
0x50: {  	[tilespmem:s15], [sflag:$0x2] =	stream.indirect.gather [hbm4b:s4+s11], $0x10, s14, s11, $0xb8;
	[tilespmem:$0x11800] =	vst v63  }
0x51: {  	s16 =	simm.s32 $0xC00;
	s17 =	simm.s32 $0xD000  }
0x52: {  	[tilespmem:s17], [sflag:$0x2] =	stream.indirect.gather [hbm4b:s4+s11], $0x10, s16, s11, $0xb8;
	[tilespmem:$0x11800] =	vst v63  }
0x53: {  	s18 =	simm.s32 $0xC80  }
0x54: {  	[tilespmem:s19], [sflag:$0x2] =	stream.indirect.gather [hbm4b:s4+s11], $0x10, s18, s11, $0xb8;
	[tilespmem:$0x11800] =	vst v63  }
0x55: {  	_ = 	snop  }
0x56: {  	[tilespmem:s3], [sflag:$0x2] =	stream.indirect.gather [hbm4b:s4+s11], $0x10, s20, s11, $0xb8;
	[tilespmem:$0x11800] =	vst v63  }
0x57: {  	_ = 	snop  }
0x58: {  	[tilespmem:s7], [sflag:$0x2] =	stream.indirect.gather [hbm4b:s4+s11], $0x10, s5, s11, $0xb8;
	[tilespmem:$0x11800] =	vst v63  }
0x59: {  	_ = 	snop  }
0x5a: {  	[tilespmem:s23], [sflag:$0x2] =	stream.indirect.gather [hbm4b:s4+s11], $0x10, s22, s11, $0xb8;
	[tilespmem:$0x11800] =	vst v63  }
0x5b: {  	_ = 	snop  }
0x5c: {  	[tilespmem:s25], [sflag:$0x2] =	stream.indirect.gather [hbm4b:s4+s11], $0x10, s24, s11, $0xb8;
	[tilespmem:$0x11800] =	vst v63  }
0x5d: {  	_ = 	snop  }
0x5e: {  	[tilespmem:s28], [sflag:$0x2] =	stream.indirect.gather [hbm4b:s4+s11], $0x10, s26, s11, $0xb8;
	[tilespmem:$0x11800] =	vst v63  }
0x5f: {  	s13 =	simm.s32 $0x0  }
0x60: {  	[tilespmem:s30], [sflag:$0x2] =	stream.indirect.gather [hbm4b:s4+s11], $0x10, s29, s11, $0xb8;
	[tilespmem:$0x11800] =	vst v63  }
.LBB2_2:
0x61: {  	_ =	swait.ge [sflag:s31], $0x8000  }
0x62: {  	[sflag:s31] =	ssyncset.done $0x0  }
0x63: {  	s14 =	simm.s32 $0x1200;
	[sflag:s31] =	ssyncadd.s32 $0xFFFF8000  }
0x64: {  	v0 =	vld [tilespmem:s14+$0xFFFFFE00]  }
0x65: {  	v1 =	vld [tilespmem:s14+$0xFFFFFE10]  }
0x66: {  	v2 =	vld [tilespmem:s14+$0xFFFFFE20]  }
0x67: {  	v3 =	vld [tilespmem:s14+$0xFFFFFE30]  }
0x68: {  	v4 =	vld [tilespmem:s14+$0xFFFFFE40]  }
0x69: {  	v5 =	vld [tilespmem:s14+$0xFFFFFE50]  }
0x6a: {  	v0 =	vmax.f32 v0, v1;
	v1 =	vld [tilespmem:s14+$0xFFFFFE60]  }
0x6b: {  	v0 =	vmax.f32 v0, v2;
	v2 =	vld [tilespmem:s14+$0xFFFFFE70]  }
0x6c: {  	v0 =	vmax.f32 v0, v3;
	v3 =	vld [tilespmem:s14+$0xFFFFFE80]  }
0x6d: {  	v41 =	vld [tilespmem:s14+$0xFFFFFE90];
	v0 =	vmax.f32 v0, v4  }
0x6e: {  	v42 =	vld [tilespmem:s14+$0xFFFFFEA0];
	v0 =	vmax.f32 v0, v5  }
0x6f: {  	v0 =	vmax.f32 v0, v1;
	v1 =	vld [tilespmem:s14+$0xFFFFFEB0]  }
0x70: {  	v0 =	vmax.f32 v0, v2;
	v2 =	vld [tilespmem:s14+$0xFFFFFEC0]  }
0x71: {  	v0 =	vmax.f32 v0, v3;
	v3 =	vld [tilespmem:s14+$0xFFFFFED0]  }
0x72: {  	v43 =	vld [tilespmem:s14+$0xFFFFFEE0];
	v0 =	vmax.f32 v0, v41  }
0x73: {  	v44 =	vld [tilespmem:s14+$0xFFFFFEF0];
	v0 =	vmax.f32 v0, v42  }
0x74: {  	v0 =	vmax.f32 v0, v1;
	v1 =	vld [tilespmem:s14+$0xFFFFFF00]  }
0x75: {  	v0 =	vmax.f32 v0, v2;
	v2 =	vld [tilespmem:s14+$0xFFFFFF10]  }
0x76: {  	v0 =	vmax.f32 v0, v3;
	v3 =	vld [tilespmem:s14+$0xFFFFFF20]  }
0x77: {  	v45 =	vld [tilespmem:s14+$0xFFFFFF30];
	v0 =	vmax.f32 v0, v43  }
0x78: {  	v46 =	vld [tilespmem:s14+$0xFFFFFF40];
	v0 =	vmax.f32 v0, v44  }
0x79: {  	v0 =	vmax.f32 v0, v1;
	v1 =	vld [tilespmem:s14+$0xFFFFFF50]  }
0x7a: {  	v0 =	vmax.f32 v0, v2;
	v2 =	vld [tilespmem:s14+$0xFFFFFF60]  }
0x7b: {  	v0 =	vmax.f32 v0, v3;
	v3 =	vld [tilespmem:s14+$0xFFFFFF70]  }
0x7c: {  	v47 =	vld [tilespmem:s14+$0xFFFFFF80];
	v0 =	vmax.f32 v0, v45  }
0x7d: {  	v48 =	vld [tilespmem:s14+$0xFFFFFF90];
	v0 =	vmax.f32 v0, v46  }
0x7e: {  	v0 =	vmax.f32 v0, v1;
	v1 =	vld [tilespmem:s14+$0xFFFFFFA0]  }
0x7f: {  	v0 =	vmax.f32 v0, v2;
	v2 =	vld [tilespmem:s14+$0xFFFFFFB0]  }
0x80: {  	v0 =	vmax.f32 v0, v3;
	v3 =	vld [tilespmem:s14+$0xFFFFFFC0]  }
0x81: {  	v49 =	vld [tilespmem:s14+$0xFFFFFFD0];
	v0 =	vmax.f32 v0, v47  }
0x82: {  	v50 =	vld [tilespmem:s14+$0xFFFFFFE0];
	v0 =	vmax.f32 v0, v48  }
0x83: {  	v0 =	vmax.f32 v0, v1;
	v1 =	vld [tilespmem:s14+$0xFFFFFFF0]  }
0x84: {  	v0 =	vmax.f32 v0, v2  }
0x85: {  	v0 =	vmax.f32 v0, v3  }
0x86: {  	v0 =	vmax.f32 v0, v49  }
0x87: {  	v0 =	vmax.f32 v0, v50  }
0x88: {  	s15 =	simm.s32 $0x11010;
	v0 =	vmax.f32 v0, v1  }
0x89: {  	[tilespmem:s15+$0xFFFFFFF0] =	vst v0  }
0x8a: {  	v0 =	vld [tilespmem:s14+$0x0]  }
0x8b: {  	v1 =	vld [tilespmem:s14+$0x10]  }
0x8c: {  	v2 =	vld [tilespmem:s14+$0x20]  }
0x8d: {  	v3 =	vld [tilespmem:s14+$0x30]  }
0x8e: {  	v51 =	vld [tilespmem:s14+$0x40]  }
0x8f: {  	v52 =	vld [tilespmem:s14+$0x50]  }
0x90: {  	v6 =	vld [tilespmem:s14+$0x60];
	v0 =	vmax.f32 v0, v1  }
0x91: {  	v1 =	vld [tilespmem:s14+$0x70];
	v0 =	vmax.f32 v0, v2  }
0x92: {  	v2 =	vld [tilespmem:s14+$0x80];
	v0 =	vmax.f32 v0, v3  }
0x93: {  	v3 =	vld [tilespmem:s14+$0x90];
	v0 =	vmax.f32 v0, v51  }
0x94: {  	v53 =	vld [tilespmem:s14+$0xA0];
	v0 =	vmax.f32 v0, v52  }
0x95: {  	v54 =	vld [tilespmem:s14+$0xB0];
	v0 =	vmax.f32 v0, v6  }
0x96: {  	v55 =	vld [tilespmem:s14+$0xC0];
	v0 =	vmax.f32 v0, v1  }
0x97: {  	v1 =	vld [tilespmem:s14+$0xD0];
	v0 =	vmax.f32 v0, v2  }
0x98: {  	v2 =	vld [tilespmem:s14+$0xE0];
	v0 =	vmax.f32 v0, v3  }
0x99: {  	v3 =	vld [tilespmem:s14+$0xF0];
	v0 =	vmax.f32 v0, v53  }
0x9a: {  	v56 =	vld [tilespmem:s14+$0x100];
	v0 =	vmax.f32 v0, v54  }
0x9b: {  	v57 =	vld [tilespmem:s14+$0x110];
	v0 =	vmax.f32 v0, v55  }
0x9c: {  	v58 =	vld [tilespmem:s14+$0x120];
	v0 =	vmax.f32 v0, v1  }
0x9d: {  	v1 =	vld [tilespmem:s14+$0x130];
	v0 =	vmax.f32 v0, v2  }
0x9e: {  	v2 =	vld [tilespmem:s14+$0x140];
	v0 =	vmax.f32 v0, v3  }
0x9f: {  	v3 =	vld [tilespmem:s14+$0x150];
	v0 =	vmax.f32 v0, v56  }
0xa0: {  	v59 =	vld [tilespmem:s14+$0x160];
	v0 =	vmax.f32 v0, v57  }
0xa1: {  	v60 =	vld [tilespmem:s14+$0x170];
	v0 =	vmax.f32 v0, v58  }
0xa2: {  	v61 =	vld [tilespmem:s14+$0x180];
	v0 =	vmax.f32 v0, v1  }
0xa3: {  	v1 =	vld [tilespmem:s14+$0x190];
	v0 =	vmax.f32 v0, v2  }
0xa4: {  	v2 =	vld [tilespmem:s14+$0x1A0];
	v0 =	vmax.f32 v0, v3  }
0xa5: {  	v3 =	vld [tilespmem:s14+$0x1B0];
	v0 =	vmax.f32 v0, v59  }
0xa6: {  	v62 =	vld [tilespmem:s14+$0x1C0];
	v0 =	vmax.f32 v0, v60  }
0xa7: {  	v0 =	vmax.f32 v0, v61  }
0xa8: {  	v0 =	vmax.f32 v0, v1  }
0xa9: {  	v63 =	vld [tilespmem:s14+$0x1D0];
	v0 =	vmax.f32 v0, v2  }
0xaa: {  	v1 =	vmax.f32 v0, v3;
	v0 =	vld [tilespmem:s14+$0x1E0]  }
0xab: {  	v2 =	vmax.f32 v1, v62;
	v1 =	vld [tilespmem:s14+$0x1F0];
	_ =	sdelay $0x2  }
0xac: {  	s17 =	simm.s32 $0x0;
	s16 =	simm.s32 $0x11010;
	v2 =	vmax.f32 v2, v63  }
.LBB2_3:
0xad: {  	s17 =	sadd.s32 $0x2, s17;
	v0 =	vmax.f32 v2, v0;
	s15 =	sadd.s32 $0x20, s15;
	s14 =	sadd.s32 $0x400, s14  }
0xae: {  	p0 =	slt.u32 s17, $0x3E;
	v0 =	vmax.f32 v0, v1  }
0xaf: {  	[tilespmem:s16+$0x0] =	vst v0;
	s16 =	smov.u32 s15  }
0xb0: {  	v0 =	vld [tilespmem:s14+$0xFFFFFE00]  }
0xb1: {  	v1 =	vld [tilespmem:s14+$0xFFFFFE10]  }
0xb2: {  	v2 =	vld [tilespmem:s14+$0xFFFFFE20]  }
0xb3: {  	v3 =	vld [tilespmem:s14+$0xFFFFFE30]  }
0xb4: {  	v4 =	vld [tilespmem:s14+$0xFFFFFE40]  }
0xb5: {  	v5 =	vld [tilespmem:s14+$0xFFFFFE50]  }
0xb6: {  	v0 =	vmax.f32 v0, v1;
	v1 =	vld [tilespmem:s14+$0xFFFFFE60]  }
0xb7: {  	v0 =	vmax.f32 v0, v2;
	v2 =	vld [tilespmem:s14+$0xFFFFFE70]  }
0xb8: {  	v0 =	vmax.f32 v0, v3;
	v3 =	vld [tilespmem:s14+$0xFFFFFE80]  }
0xb9: {  	v0 =	vmax.f32 v0, v4;
	v4 =	vld [tilespmem:s14+$0xFFFFFE90]  }
0xba: {  	v0 =	vmax.f32 v0, v5;
	v5 =	vld [tilespmem:s14+$0xFFFFFEA0]  }
0xbb: {  	v0 =	vmax.f32 v0, v1;
	v1 =	vld [tilespmem:s14+$0xFFFFFEB0]  }
0xbc: {  	v0 =	vmax.f32 v0, v2;
	v2 =	vld [tilespmem:s14+$0xFFFFFEC0]  }
0xbd: {  	v0 =	vmax.f32 v0, v3;
	v3 =	vld [tilespmem:s14+$0xFFFFFED0]  }
0xbe: {  	v0 =	vmax.f32 v0, v4;
	v4 =	vld [tilespmem:s14+$0xFFFFFEE0]  }
0xbf: {  	v0 =	vmax.f32 v0, v5;
	v5 =	vld [tilespmem:s14+$0xFFFFFEF0]  }
0xc0: {  	v0 =	vmax.f32 v0, v1;
	v1 =	vld [tilespmem:s14+$0xFFFFFF00]  }
0xc1: {  	v0 =	vmax.f32 v0, v2;
	v2 =	vld [tilespmem:s14+$0xFFFFFF10]  }
0xc2: {  	v0 =	vmax.f32 v0, v3;
	v3 =	vld [tilespmem:s14+$0xFFFFFF20]  }
0xc3: {  	v0 =	vmax.f32 v0, v4;
	v4 =	vld [tilespmem:s14+$0xFFFFFF30]  }
0xc4: {  	v0 =	vmax.f32 v0, v5;
	v5 =	vld [tilespmem:s14+$0xFFFFFF40]  }
0xc5: {  	v0 =	vmax.f32 v0, v1;
	v1 =	vld [tilespmem:s14+$0xFFFFFF50]  }
0xc6: {  	v0 =	vmax.f32 v0, v2;
	v2 =	vld [tilespmem:s14+$0xFFFFFF60]  }
0xc7: {  	v0 =	vmax.f32 v0, v3;
	v3 =	vld [tilespmem:s14+$0xFFFFFF70]  }
0xc8: {  	v0 =	vmax.f32 v0, v4;
	v4 =	vld [tilespmem:s14+$0xFFFFFF80]  }
0xc9: {  	v0 =	vmax.f32 v0, v5;
	v5 =	vld [tilespmem:s14+$0xFFFFFF90]  }
0xca: {  	v0 =	vmax.f32 v0, v1;
	v1 =	vld [tilespmem:s14+$0xFFFFFFA0]  }
0xcb: {  	v0 =	vmax.f32 v0, v2;
	v2 =	vld [tilespmem:s14+$0xFFFFFFB0]  }
0xcc: {  	v0 =	vmax.f32 v0, v3;
	v3 =	vld [tilespmem:s14+$0xFFFFFFC0]  }
0xcd: {  	v0 =	vmax.f32 v0, v4;
	v4 =	vld [tilespmem:s14+$0xFFFFFFD0]  }
0xce: {  	v0 =	vmax.f32 v0, v5;
	v5 =	vld [tilespmem:s14+$0xFFFFFFE0]  }
0xcf: {  	v0 =	vmax.f32 v0, v1;
	v1 =	vld [tilespmem:s14+$0xFFFFFFF0]  }
0xd0: {  	v0 =	vmax.f32 v0, v2  }
0xd1: {  	v0 =	vmax.f32 v0, v3  }
0xd2: {  	v0 =	vmax.f32 v0, v4  }
0xd3: {  	v0 =	vmax.f32 v0, v5  }
0xd4: {  	v0 =	vmax.f32 v0, v1  }
0xd5: {  	[tilespmem:s15+$0xFFFFFFF0] =	vst v0  }
0xd6: {  	v0 =	vld [tilespmem:s14+$0x20]  }
0xd7: {  	v1 =	vld [tilespmem:s14+$0x0]  }
0xd8: {  	v2 =	vld [tilespmem:s14+$0x10]  }
0xd9: {  	v3 =	vld [tilespmem:s14+$0x30]  }
0xda: {  	v4 =	vld [tilespmem:s14+$0x40]  }
0xdb: {  	v5 =	vld [tilespmem:s14+$0x50]  }
0xdc: {  	v6 =	vld [tilespmem:s14+$0x60]  }
0xdd: {  	v1 =	vmax.f32 v1, v2;
	v2 =	vld [tilespmem:s14+$0x70]  }
0xde: {  	v0 =	vmax.f32 v1, v0;
	v1 =	vld [tilespmem:s14+$0x80]  }
0xdf: {  	v0 =	vmax.f32 v0, v3;
	v3 =	vld [tilespmem:s14+$0x90]  }
0xe0: {  	v0 =	vmax.f32 v0, v4;
	v4 =	vld [tilespmem:s14+$0xA0]  }
0xe1: {  	v0 =	vmax.f32 v0, v5;
	v5 =	vld [tilespmem:s14+$0xB0]  }
0xe2: {  	v0 =	vmax.f32 v0, v6;
	v6 =	vld [tilespmem:s14+$0xC0]  }
0xe3: {  	v0 =	vmax.f32 v0, v2;
	v2 =	vld [tilespmem:s14+$0xD0]  }
0xe4: {  	v0 =	vmax.f32 v0, v1;
	v1 =	vld [tilespmem:s14+$0xE0]  }
0xe5: {  	v0 =	vmax.f32 v0, v3;
	v3 =	vld [tilespmem:s14+$0xF0]  }
0xe6: {  	v0 =	vmax.f32 v0, v4;
	v4 =	vld [tilespmem:s14+$0x100]  }
0xe7: {  	v0 =	vmax.f32 v0, v5;
	v5 =	vld [tilespmem:s14+$0x110]  }
0xe8: {  	v0 =	vmax.f32 v0, v6;
	v6 =	vld [tilespmem:s14+$0x120]  }
0xe9: {  	v0 =	vmax.f32 v0, v2;
	v2 =	vld [tilespmem:s14+$0x130]  }
0xea: {  	v0 =	vmax.f32 v0, v1;
	v1 =	vld [tilespmem:s14+$0x140]  }
0xeb: {  	v0 =	vmax.f32 v0, v3;
	v3 =	vld [tilespmem:s14+$0x150]  }
0xec: {  	v0 =	vmax.f32 v0, v4;
	v4 =	vld [tilespmem:s14+$0x160]  }
0xed: {  	v0 =	vmax.f32 v0, v5;
	v5 =	vld [tilespmem:s14+$0x170]  }
0xee: {  	v0 =	vmax.f32 v0, v6;
	v6 =	vld [tilespmem:s14+$0x180]  }
0xef: {  	v0 =	vmax.f32 v0, v2;
	v2 =	vld [tilespmem:s14+$0x190]  }
0xf0: {  	v0 =	vmax.f32 v0, v1;
	v7 =	vld [tilespmem:s14+$0x1A0]  }
0xf1: {  	v0 =	vmax.f32 v0, v3;
	v3 =	vld [tilespmem:s14+$0x1B0]  }
0xf2: {  	v0 =	vmax.f32 v0, v4;
	v4 =	vld [tilespmem:s14+$0x1C0]  }
0xf3: {  	v0 =	vmax.f32 v0, v5;
	v5 =	vld [tilespmem:s14+$0x1D0]  }
0xf4: {  	v1 =	vmax.f32 v0, v6;
	v0 =	vld [tilespmem:s14+$0x1E0]  }
.Ltmp2:
0xf5: {  	v2 =	vmax.f32 v1, v2;
	v1 =	vld [tilespmem:s14+$0x1F0];
	(pc) =	sbr.rel @p0 .LBB2_3-.Ltmp2, $4  }
0xf6: {  	v2 =	vmax.f32 v2, v7  }
0xf7: {  	v2 =	vmax.f32 v2, v3  }
0xf8: {  	v2 =	vmax.f32 v2, v4  }
0xf9: {  	v2 =	vmax.f32 v2, v5  }
0xfa: {  	v0 =	vmax.f32 v2, v0  }
0xfb: {  	s14 =	sshll.u32 s13, $0x8;
	v0 =	vmax.f32 v0, v1  }
0xfc: {  	s14 =	sadd.s32 s14, s6;
	[tilespmem:s16+$0x0] =	vst v0  }
0xfd: {  	[hbm4b:s14+s2] =	stream.linear.scatter [tilespmem:s0], [sflag:$0x3], $0x400, $0x38;
	[tilespmem:$0x11800] =	vst v63  }
0xfe: {  	p0 =	seq.s32 s13, $0xF;
	_ =	swait.ge [sflag:s10], $0x400  }
0xff: {  	s15 =	sshll.u32 @!p0 s13, $0x9;
	[sflag:s10] =	ssyncset.done $0x0  }
0x100: {  	s15 =	sadd.s32 @!p0 s8, s15;
	s16 =	simm.s32 @!p0 $0x0;
	[sflag:s10] =	ssyncadd.s32 $0xFFFFFC00  }
0x101: {  	[tilespmem:s16], [sflag:$0x3] =	stream.linear.gather @!p0 [hbm4b:s15+s16], $0x800, $0x38;
	[tilespmem:$0x11800] =	vst v63  }
0x102: {  	s15 =	simm.s32 @!p0 $0x3  }
0x103: {  	_ =	swait.ge @!p0 [sflag:s15], $0x800  }
0x104: {  	[sflag:s15] =	ssyncset.done @!p0 $0x0  }
0x105: {  	s17 =	simm.s32 @!p0 $0x1000;
	[sflag:s15] =	ssyncadd.s32 @!p0 $0xFFFFF800;
	s15 =	simm.s32 @!p0 $0x80  }
0x106: {  	[tilespmem:s17], [sflag:$0x1] =	stream.indirect.gather @!p0 [hbm4b:s4+s15], $0x10, s16, s15, $0xb8;
	[tilespmem:$0x11800] =	vst v63  }
0x107: {  	s16 =	simm.s32 @!p0 $0x1800  }
0x108: {  	[tilespmem:s16], [sflag:$0x1] =	stream.indirect.gather @!p0 [hbm4b:s4+s15], $0x10, s15, s15, $0xb8;
	[tilespmem:$0x11800] =	vst v63  }
0x109: {  	s17 =	simm.s32 @!p0 $0x2000;
	s16 =	simm.s32 @!p0 $0x100  }
0x10a: {  	[tilespmem:s17], [sflag:$0x1] =	stream.indirect.gather @!p0 [hbm4b:s4+s15], $0x10, s16, s15, $0xb8;
	[tilespmem:$0x11800] =	vst v63  }
0x10b: {  	s16 =	simm.s32 @!p0 $0x180;
	s17 =	simm.s32 @!p0 $0x2800  }
0x10c: {  	[tilespmem:s17], [sflag:$0x1] =	stream.indirect.gather @!p0 [hbm4b:s4+s15], $0x10, s16, s15, $0xb8;
	[tilespmem:$0x11800] =	vst v63  }
0x10d: {  	s16 =	simm.s32 @!p0 $0x200;
	s17 =	simm.s32 @!p0 $0x3000  }
0x10e: {  	[tilespmem:s17], [sflag:$0x1] =	stream.indirect.gather @!p0 [hbm4b:s4+s15], $0x10, s16, s15, $0xb8;
	[tilespmem:$0x11800] =	vst v63  }
0x10f: {  	s16 =	simm.s32 @!p0 $0x280;
	s17 =	simm.s32 @!p0 $0x3800  }
0x110: {  	[tilespmem:s17], [sflag:$0x1] =	stream.indirect.gather @!p0 [hbm4b:s4+s15], $0x10, s16, s15, $0xb8;
	[tilespmem:$0x11800] =	vst v63  }
0x111: {  	s16 =	simm.s32 @!p0 $0x300;
	s17 =	simm.s32 @!p0 $0x4000  }
0x112: {  	[tilespmem:s17], [sflag:$0x1] =	stream.indirect.gather @!p0 [hbm4b:s4+s15], $0x10, s16, s15, $0xb8;
	[tilespmem:$0x11800] =	vst v63  }
0x113: {  	s16 =	simm.s32 @!p0 $0x380;
	s17 =	simm.s32 @!p0 $0x4800  }
0x114: {  	[tilespmem:s17], [sflag:$0x1] =	stream.indirect.gather @!p0 [hbm4b:s4+s15], $0x10, s16, s15, $0xb8;
	[tilespmem:$0x11800] =	vst v63  }
0x115: {  	s16 =	simm.s32 @!p0 $0x400;
	s17 =	simm.s32 @!p0 $0x5000  }
0x116: {  	[tilespmem:s17], [sflag:$0x1] =	stream.indirect.gather @!p0 [hbm4b:s4+s15], $0x10, s16, s15, $0xb8;
	[tilespmem:$0x11800] =	vst v63  }
0x117: {  	s16 =	simm.s32 @!p0 $0x480;
	s17 =	simm.s32 @!p0 $0x5800  }
0x118: {  	[tilespmem:s17], [sflag:$0x1] =	stream.indirect.gather @!p0 [hbm4b:s4+s15], $0x10, s16, s15, $0xb8;
	[tilespmem:$0x11800] =	vst v63  }
0x119: {  	s16 =	simm.s32 @!p0 $0x500;
	s17 =	simm.s32 @!p0 $0x6000  }
0x11a: {  	[tilespmem:s17], [sflag:$0x1] =	stream.indirect.gather @!p0 [hbm4b:s4+s15], $0x10, s16, s15, $0xb8;
	[tilespmem:$0x11800] =	vst v63  }
0x11b: {  	s16 =	simm.s32 @!p0 $0x580;
	s17 =	simm.s32 @!p0 $0x6800  }
0x11c: {  	[tilespmem:s17], [sflag:$0x1] =	stream.indirect.gather @!p0 [hbm4b:s4+s15], $0x10, s16, s15, $0xb8;
	[tilespmem:$0x11800] =	vst v63  }
0x11d: {  	s16 =	simm.s32 @!p0 $0x600;
	s17 =	simm.s32 @!p0 $0x7000  }
0x11e: {  	[tilespmem:s17], [sflag:$0x1] =	stream.indirect.gather @!p0 [hbm4b:s4+s15], $0x10, s16, s15, $0xb8;
	[tilespmem:$0x11800] =	vst v63  }
0x11f: {  	s16 =	simm.s32 @!p0 $0x680;
	s17 =	simm.s32 @!p0 $0x7800  }
0x120: {  	[tilespmem:s17], [sflag:$0x1] =	stream.indirect.gather @!p0 [hbm4b:s4+s15], $0x10, s16, s15, $0xb8;
	[tilespmem:$0x11800] =	vst v63  }
0x121: {  	s16 =	simm.s32 @!p0 $0x700;
	s17 =	simm.s32 @!p0 $0x8000  }
0x122: {  	[tilespmem:s17], [sflag:$0x1] =	stream.indirect.gather @!p0 [hbm4b:s4+s15], $0x10, s16, s15, $0xb8;
	[tilespmem:$0x11800] =	vst v63  }
0x123: {  	s16 =	simm.s32 @!p0 $0x780;
	s17 =	simm.s32 @!p0 $0x8800  }
0x124: {  	[tilespmem:s17], [sflag:$0x1] =	stream.indirect.gather @!p0 [hbm4b:s4+s15], $0x10, s16, s15, $0xb8;
	[tilespmem:$0x11800] =	vst v63  }
0x125: {  	_ =	swait.ge [sflag:s1], $0x8000  }
0x126: {  	[sflag:s1] =	ssyncset.done $0x0  }
0x127: {  	s15 =	simm.s32 $0x93F0;
	[sflag:s1] =	ssyncadd.s32 $0xFFFF8000  }
0x128: {  	v0 =	vld [tilespmem:s15+$0xFFFFFC10]  }
0x129: {  	v1 =	vld [tilespmem:s15+$0xFFFFFC20]  }
0x12a: {  	v2 =	vld [tilespmem:s15+$0xFFFFFC30]  }
0x12b: {  	v3 =	vld [tilespmem:s15+$0xFFFFFC40]  }
0x12c: {  	v4 =	vld [tilespmem:s15+$0xFFFFFC50]  }
0x12d: {  	v5 =	vld [tilespmem:s15+$0xFFFFFC60]  }
0x12e: {  	v0 =	vmax.f32 v0, v1;
	v1 =	vld [tilespmem:s15+$0xFFFFFC70]  }
0x12f: {  	v0 =	vmax.f32 v0, v2;
	v2 =	vld [tilespmem:s15+$0xFFFFFC80]  }
0x130: {  	v0 =	vmax.f32 v0, v3;
	v3 =	vld [tilespmem:s15+$0xFFFFFC90]  }
0x131: {  	v41 =	vld [tilespmem:s15+$0xFFFFFCA0];
	v0 =	vmax.f32 v0, v4  }
0x132: {  	v42 =	vld [tilespmem:s15+$0xFFFFFCB0];
	v0 =	vmax.f32 v0, v5  }
0x133: {  	v0 =	vmax.f32 v0, v1;
	v1 =	vld [tilespmem:s15+$0xFFFFFCC0]  }
0x134: {  	v0 =	vmax.f32 v0, v2;
	v2 =	vld [tilespmem:s15+$0xFFFFFCD0]  }
0x135: {  	v0 =	vmax.f32 v0, v3;
	v3 =	vld [tilespmem:s15+$0xFFFFFCE0]  }
0x136: {  	v43 =	vld [tilespmem:s15+$0xFFFFFCF0];
	v0 =	vmax.f32 v0, v41  }
0x137: {  	v44 =	vld [tilespmem:s15+$0xFFFFFD00];
	v0 =	vmax.f32 v0, v42  }
0x138: {  	v0 =	vmax.f32 v0, v1;
	v1 =	vld [tilespmem:s15+$0xFFFFFD10]  }
0x139: {  	v0 =	vmax.f32 v0, v2;
	v2 =	vld [tilespmem:s15+$0xFFFFFD20]  }
0x13a: {  	v0 =	vmax.f32 v0, v3;
	v3 =	vld [tilespmem:s15+$0xFFFFFD30]  }
0x13b: {  	v45 =	vld [tilespmem:s15+$0xFFFFFD40];
	v0 =	vmax.f32 v0, v43  }
0x13c: {  	v46 =	vld [tilespmem:s15+$0xFFFFFD50];
	v0 =	vmax.f32 v0, v44  }
0x13d: {  	v0 =	vmax.f32 v0, v1;
	v1 =	vld [tilespmem:s15+$0xFFFFFD60]  }
0x13e: {  	v0 =	vmax.f32 v0, v2;
	v2 =	vld [tilespmem:s15+$0xFFFFFD70]  }
0x13f: {  	v0 =	vmax.f32 v0, v3;
	v3 =	vld [tilespmem:s15+$0xFFFFFD80]  }
0x140: {  	v47 =	vld [tilespmem:s15+$0xFFFFFD90];
	v0 =	vmax.f32 v0, v45  }
0x141: {  	v48 =	vld [tilespmem:s15+$0xFFFFFDA0];
	v0 =	vmax.f32 v0, v46  }
0x142: {  	v0 =	vmax.f32 v0, v1;
	v1 =	vld [tilespmem:s15+$0xFFFFFDB0]  }
0x143: {  	v0 =	vmax.f32 v0, v2;
	v2 =	vld [tilespmem:s15+$0xFFFFFDC0]  }
0x144: {  	v0 =	vmax.f32 v0, v3;
	v3 =	vld [tilespmem:s15+$0xFFFFFDD0]  }
0x145: {  	v49 =	vld [tilespmem:s15+$0xFFFFFDE0];
	v0 =	vmax.f32 v0, v47  }
0x146: {  	v50 =	vld [tilespmem:s15+$0xFFFFFDF0];
	v0 =	vmax.f32 v0, v48  }
0x147: {  	v0 =	vmax.f32 v0, v1;
	v1 =	vld [tilespmem:s15+$0xFFFFFE00]  }
0x148: {  	v0 =	vmax.f32 v0, v2  }
0x149: {  	v0 =	vmax.f32 v0, v3  }
0x14a: {  	v0 =	vmax.f32 v0, v49  }
0x14b: {  	v0 =	vmax.f32 v0, v50  }
0x14c: {  	s16 =	simm.s32 $0x11410;
	v0 =	vmax.f32 v0, v1  }
0x14d: {  	[tilespmem:s16+$0xFFFFFFF0] =	vst v0  }
0x14e: {  	v0 =	vld [tilespmem:s15+$0xFFFFFE10]  }
0x14f: {  	v1 =	vld [tilespmem:s15+$0xFFFFFE20]  }
0x150: {  	v2 =	vld [tilespmem:s15+$0xFFFFFE30]  }
0x151: {  	v3 =	vld [tilespmem:s15+$0xFFFFFE40]  }
0x152: {  	v51 =	vld [tilespmem:s15+$0xFFFFFE50]  }
0x153: {  	v52 =	vld [tilespmem:s15+$0xFFFFFE60]  }
0x154: {  	v6 =	vld [tilespmem:s15+$0xFFFFFE70];
	v0 =	vmax.f32 v0, v1  }
0x155: {  	v1 =	vld [tilespmem:s15+$0xFFFFFE80];
	v0 =	vmax.f32 v0, v2  }
0x156: {  	v2 =	vld [tilespmem:s15+$0xFFFFFE90];
	v0 =	vmax.f32 v0, v3  }
0x157: {  	v3 =	vld [tilespmem:s15+$0xFFFFFEA0];
	v0 =	vmax.f32 v0, v51  }
0x158: {  	v53 =	vld [tilespmem:s15+$0xFFFFFEB0];
	v0 =	vmax.f32 v0, v52  }
0x159: {  	v54 =	vld [tilespmem:s15+$0xFFFFFEC0];
	v0 =	vmax.f32 v0, v6  }
0x15a: {  	v55 =	vld [tilespmem:s15+$0xFFFFFED0];
	v0 =	vmax.f32 v0, v1  }
0x15b: {  	v1 =	vld [tilespmem:s15+$0xFFFFFEE0];
	v0 =	vmax.f32 v0, v2  }
0x15c: {  	v2 =	vld [tilespmem:s15+$0xFFFFFEF0];
	v0 =	vmax.f32 v0, v3  }
0x15d: {  	v3 =	vld [tilespmem:s15+$0xFFFFFF00];
	v0 =	vmax.f32 v0, v53  }
0x15e: {  	v56 =	vld [tilespmem:s15+$0xFFFFFF10];
	v0 =	vmax.f32 v0, v54  }
0x15f: {  	v57 =	vld [tilespmem:s15+$0xFFFFFF20];
	v0 =	vmax.f32 v0, v55  }
0x160: {  	v58 =	vld [tilespmem:s15+$0xFFFFFF30];
	v0 =	vmax.f32 v0, v1  }
0x161: {  	v1 =	vld [tilespmem:s15+$0xFFFFFF40];
	v0 =	vmax.f32 v0, v2  }
0x162: {  	v2 =	vld [tilespmem:s15+$0xFFFFFF50];
	v0 =	vmax.f32 v0, v3  }
0x163: {  	v3 =	vld [tilespmem:s15+$0xFFFFFF60];
	v0 =	vmax.f32 v0, v56  }
0x164: {  	v59 =	vld [tilespmem:s15+$0xFFFFFF70];
	v0 =	vmax.f32 v0, v57  }
0x165: {  	v60 =	vld [tilespmem:s15+$0xFFFFFF80];
	v0 =	vmax.f32 v0, v58  }
0x166: {  	v61 =	vld [tilespmem:s15+$0xFFFFFF90];
	v0 =	vmax.f32 v0, v1  }
0x167: {  	v1 =	vld [tilespmem:s15+$0xFFFFFFA0];
	v0 =	vmax.f32 v0, v2  }
0x168: {  	v2 =	vld [tilespmem:s15+$0xFFFFFFB0];
	v0 =	vmax.f32 v0, v3  }
0x169: {  	v3 =	vld [tilespmem:s15+$0xFFFFFFC0];
	v0 =	vmax.f32 v0, v59  }
0x16a: {  	v62 =	vld [tilespmem:s15+$0xFFFFFFD0];
	v0 =	vmax.f32 v0, v60  }
0x16b: {  	v0 =	vmax.f32 v0, v61  }
0x16c: {  	v0 =	vmax.f32 v0, v1  }
0x16d: {  	v63 =	vld [tilespmem:s15+$0xFFFFFFE0];
	v0 =	vmax.f32 v0, v2  }
0x16e: {  	v1 =	vmax.f32 v0, v3;
	v0 =	vld [tilespmem:s15+$0xFFFFFFF0]  }
0x16f: {  	v2 =	vmax.f32 v1, v62;
	v1 =	vld [tilespmem:s15+$0x0];
	_ =	sdelay $0x2  }
0x170: {  	s18 =	simm.s32 $0x11410;
	s17 =	simm.s32 $0x0;
	v2 =	vmax.f32 v2, v63  }
.LBB2_5:
0x171: {  	s17 =	sadd.s32 $0x2, s17;
	v0 =	vmax.f32 v2, v0;
	s15 =	sadd.s32 $0x400, s15;
	s16 =	sadd.s32 $0x20, s16  }
0x172: {  	p1 =	slt.u32 s17, $0x3E;
	v0 =	vmax.f32 v0, v1  }
0x173: {  	[tilespmem:s18+$0x0] =	vst v0;
	s18 =	smov.u32 s16  }
0x174: {  	v0 =	vld [tilespmem:s15+$0xFFFFFC10]  }
0x175: {  	v1 =	vld [tilespmem:s15+$0xFFFFFC20]  }
0x176: {  	v2 =	vld [tilespmem:s15+$0xFFFFFC30]  }
0x177: {  	v3 =	vld [tilespmem:s15+$0xFFFFFC40]  }
0x178: {  	v4 =	vld [tilespmem:s15+$0xFFFFFC50]  }
0x179: {  	v5 =	vld [tilespmem:s15+$0xFFFFFC60]  }
0x17a: {  	v0 =	vmax.f32 v0, v1;
	v1 =	vld [tilespmem:s15+$0xFFFFFC70]  }
0x17b: {  	v0 =	vmax.f32 v0, v2;
	v2 =	vld [tilespmem:s15+$0xFFFFFC80]  }
0x17c: {  	v0 =	vmax.f32 v0, v3;
	v3 =	vld [tilespmem:s15+$0xFFFFFC90]  }
0x17d: {  	v0 =	vmax.f32 v0, v4;
	v4 =	vld [tilespmem:s15+$0xFFFFFCA0]  }
0x17e: {  	v0 =	vmax.f32 v0, v5;
	v5 =	vld [tilespmem:s15+$0xFFFFFCB0]  }
0x17f: {  	v0 =	vmax.f32 v0, v1;
	v1 =	vld [tilespmem:s15+$0xFFFFFCC0]  }
0x180: {  	v0 =	vmax.f32 v0, v2;
	v2 =	vld [tilespmem:s15+$0xFFFFFCD0]  }
0x181: {  	v0 =	vmax.f32 v0, v3;
	v3 =	vld [tilespmem:s15+$0xFFFFFCE0]  }
0x182: {  	v0 =	vmax.f32 v0, v4;
	v4 =	vld [tilespmem:s15+$0xFFFFFCF0]  }
0x183: {  	v0 =	vmax.f32 v0, v5;
	v5 =	vld [tilespmem:s15+$0xFFFFFD00]  }
0x184: {  	v0 =	vmax.f32 v0, v1;
	v1 =	vld [tilespmem:s15+$0xFFFFFD10]  }
0x185: {  	v0 =	vmax.f32 v0, v2;
	v2 =	vld [tilespmem:s15+$0xFFFFFD20]  }
0x186: {  	v0 =	vmax.f32 v0, v3;
	v3 =	vld [tilespmem:s15+$0xFFFFFD30]  }
0x187: {  	v0 =	vmax.f32 v0, v4;
	v4 =	vld [tilespmem:s15+$0xFFFFFD40]  }
0x188: {  	v0 =	vmax.f32 v0, v5;
	v5 =	vld [tilespmem:s15+$0xFFFFFD50]  }
0x189: {  	v0 =	vmax.f32 v0, v1;
	v1 =	vld [tilespmem:s15+$0xFFFFFD60]  }
0x18a: {  	v0 =	vmax.f32 v0, v2;
	v2 =	vld [tilespmem:s15+$0xFFFFFD70]  }
0x18b: {  	v0 =	vmax.f32 v0, v3;
	v3 =	vld [tilespmem:s15+$0xFFFFFD80]  }
0x18c: {  	v0 =	vmax.f32 v0, v4;
	v4 =	vld [tilespmem:s15+$0xFFFFFD90]  }
0x18d: {  	v0 =	vmax.f32 v0, v5;
	v5 =	vld [tilespmem:s15+$0xFFFFFDA0]  }
0x18e: {  	v0 =	vmax.f32 v0, v1;
	v1 =	vld [tilespmem:s15+$0xFFFFFDB0]  }
0x18f: {  	v0 =	vmax.f32 v0, v2;
	v2 =	vld [tilespmem:s15+$0xFFFFFDC0]  }
0x190: {  	v0 =	vmax.f32 v0, v3;
	v3 =	vld [tilespmem:s15+$0xFFFFFDD0]  }
0x191: {  	v0 =	vmax.f32 v0, v4;
	v4 =	vld [tilespmem:s15+$0xFFFFFDE0]  }
0x192: {  	v0 =	vmax.f32 v0, v5;
	v5 =	vld [tilespmem:s15+$0xFFFFFDF0]  }
0x193: {  	v0 =	vmax.f32 v0, v1;
	v1 =	vld [tilespmem:s15+$0xFFFFFE00]  }
0x194: {  	v0 =	vmax.f32 v0, v2  }
0x195: {  	v0 =	vmax.f32 v0, v3  }
0x196: {  	v0 =	vmax.f32 v0, v4  }
0x197: {  	v0 =	vmax.f32 v0, v5  }
0x198: {  	v0 =	vmax.f32 v0, v1  }
0x199: {  	[tilespmem:s16+$0xFFFFFFF0] =	vst v0  }
0x19a: {  	v0 =	vld [tilespmem:s15+$0xFFFFFE30]  }
0x19b: {  	v1 =	vld [tilespmem:s15+$0xFFFFFE10]  }
0x19c: {  	v2 =	vld [tilespmem:s15+$0xFFFFFE20]  }
0x19d: {  	v3 =	vld [tilespmem:s15+$0xFFFFFE40]  }
0x19e: {  	v4 =	vld [tilespmem:s15+$0xFFFFFE50]  }
0x19f: {  	v5 =	vld [tilespmem:s15+$0xFFFFFE60]  }
0x1a0: {  	v6 =	vld [tilespmem:s15+$0xFFFFFE70]  }
0x1a1: {  	v1 =	vmax.f32 v1, v2;
	v2 =	vld [tilespmem:s15+$0xFFFFFE80]  }
0x1a2: {  	v0 =	vmax.f32 v1, v0;
	v1 =	vld [tilespmem:s15+$0xFFFFFE90]  }
0x1a3: {  	v0 =	vmax.f32 v0, v3;
	v3 =	vld [tilespmem:s15+$0xFFFFFEA0]  }
0x1a4: {  	v0 =	vmax.f32 v0, v4;
	v4 =	vld [tilespmem:s15+$0xFFFFFEB0]  }
0x1a5: {  	v0 =	vmax.f32 v0, v5;
	v5 =	vld [tilespmem:s15+$0xFFFFFEC0]  }
0x1a6: {  	v0 =	vmax.f32 v0, v6;
	v6 =	vld [tilespmem:s15+$0xFFFFFED0]  }
0x1a7: {  	v0 =	vmax.f32 v0, v2;
	v2 =	vld [tilespmem:s15+$0xFFFFFEE0]  }
0x1a8: {  	v0 =	vmax.f32 v0, v1;
	v1 =	vld [tilespmem:s15+$0xFFFFFEF0]  }
0x1a9: {  	v0 =	vmax.f32 v0, v3;
	v3 =	vld [tilespmem:s15+$0xFFFFFF00]  }
0x1aa: {  	v0 =	vmax.f32 v0, v4;
	v4 =	vld [tilespmem:s15+$0xFFFFFF10]  }
0x1ab: {  	v0 =	vmax.f32 v0, v5;
	v5 =	vld [tilespmem:s15+$0xFFFFFF20]  }
0x1ac: {  	v0 =	vmax.f32 v0, v6;
	v6 =	vld [tilespmem:s15+$0xFFFFFF30]  }
0x1ad: {  	v0 =	vmax.f32 v0, v2;
	v2 =	vld [tilespmem:s15+$0xFFFFFF40]  }
0x1ae: {  	v0 =	vmax.f32 v0, v1;
	v1 =	vld [tilespmem:s15+$0xFFFFFF50]  }
0x1af: {  	v0 =	vmax.f32 v0, v3;
	v3 =	vld [tilespmem:s15+$0xFFFFFF60]  }
0x1b0: {  	v0 =	vmax.f32 v0, v4;
	v4 =	vld [tilespmem:s15+$0xFFFFFF70]  }
0x1b1: {  	v0 =	vmax.f32 v0, v5;
	v5 =	vld [tilespmem:s15+$0xFFFFFF80]  }
0x1b2: {  	v0 =	vmax.f32 v0, v6;
	v6 =	vld [tilespmem:s15+$0xFFFFFF90]  }
0x1b3: {  	v0 =	vmax.f32 v0, v2;
	v2 =	vld [tilespmem:s15+$0xFFFFFFA0]  }
0x1b4: {  	v0 =	vmax.f32 v0, v1;
	v7 =	vld [tilespmem:s15+$0xFFFFFFB0]  }
0x1b5: {  	v0 =	vmax.f32 v0, v3;
	v3 =	vld [tilespmem:s15+$0xFFFFFFC0]  }
0x1b6: {  	v0 =	vmax.f32 v0, v4;
	v4 =	vld [tilespmem:s15+$0xFFFFFFD0]  }
0x1b7: {  	v0 =	vmax.f32 v0, v5;
	v5 =	vld [tilespmem:s15+$0xFFFFFFE0]  }
0x1b8: {  	v1 =	vmax.f32 v0, v6;
	v0 =	vld [tilespmem:s15+$0xFFFFFFF0]  }
.Ltmp3:
0x1b9: {  	v2 =	vmax.f32 v1, v2;
	v1 =	vld [tilespmem:s15+$0x0];
	(pc) =	sbr.rel @p1 .LBB2_5-.Ltmp3, $4  }
0x1ba: {  	v2 =	vmax.f32 v2, v7  }
0x1bb: {  	v2 =	vmax.f32 v2, v3  }
0x1bc: {  	v2 =	vmax.f32 v2, v4  }
0x1bd: {  	v2 =	vmax.f32 v2, v5  }
0x1be: {  	v0 =	vmax.f32 v2, v0  }
0x1bf: {  	v0 =	vmax.f32 v0, v1  }
.Ltmp4:
0x1c0: {  	s14 =	sadd.s32 $0x80, s14;
	[tilespmem:s18+$0x0] =	vst v0;
	(pc) =	sbr.rel @p0 .LBB2_8-.Ltmp4, $4  }
0x1c1: {  	[hbm4b:s14+s2] =	stream.linear.scatter [tilespmem:s12], [sflag:$0x3], $0x400, $0x38;
	[tilespmem:$0x11800] =	vst v63  }
0x1c2: {  	_ =	swait.ge [sflag:s10], $0x400  }
0x1c3: {  	[sflag:s10] =	ssyncset.done $0x0  }
0x1c4: {  	[sflag:s10] =	ssyncadd.s32 $0xFFFFFC00  }
0x1c5: {  	s14 =	sshll.u32 s13, $0x9  }
0x1c6: {  	s14 =	sadd.s32 s9, s14  }
0x1c7: {  	[tilespmem:s21], [sflag:$0x3] =	stream.linear.gather [hbm4b:s14+s2], $0x800, $0x38;
	[tilespmem:$0x11800] =	vst v63  }
0x1c8: {  	_ =	swait.ge [sflag:s10], $0x800  }
0x1c9: {  	[sflag:s10] =	ssyncset.done $0x0  }
0x1ca: {  	s17 =	simm.s32 $0x9000;
	[sflag:s10] =	ssyncadd.s32 $0xFFFFF800  }
0x1cb: {  	[tilespmem:s17], [sflag:$0x2] =	stream.indirect.gather [hbm4b:s4+s11], $0x10, s21, s11, $0xb8;
	[tilespmem:$0x11800] =	vst v63  }
0x1cc: {  	s18 =	simm.s32 $0x880;
	s15 =	simm.s32 $0x9800  }
0x1cd: {  	[tilespmem:s15], [sflag:$0x2] =	stream.indirect.gather [hbm4b:s4+s11], $0x10, s18, s11, $0xb8;
	[tilespmem:$0x11800] =	vst v63  }
0x1ce: {  	s16 =	simm.s32 $0xA000;
	s15 =	simm.s32 $0x900  }
0x1cf: {  	[tilespmem:s16], [sflag:$0x2] =	stream.indirect.gather [hbm4b:s4+s11], $0x10, s15, s11, $0xb8;
	[tilespmem:$0x11800] =	vst v63  }
0x1d0: {  	s17 =	simm.s32 $0x980;
	s18 =	simm.s32 $0xA800  }
0x1d1: {  	[tilespmem:s18], [sflag:$0x2] =	stream.indirect.gather [hbm4b:s4+s11], $0x10, s17, s11, $0xb8;
	[tilespmem:$0x11800] =	vst v63  }
0x1d2: {  	s15 =	simm.s32 $0xA00;
	s16 =	simm.s32 $0xB000  }
0x1d3: {  	[tilespmem:s16], [sflag:$0x2] =	stream.indirect.gather [hbm4b:s4+s11], $0x10, s15, s11, $0xb8;
	[tilespmem:$0x11800] =	vst v63  }
0x1d4: {  	s17 =	simm.s32 $0xA80;
	s18 =	simm.s32 $0xB800  }
0x1d5: {  	[tilespmem:s18], [sflag:$0x2] =	stream.indirect.gather [hbm4b:s4+s11], $0x10, s17, s11, $0xb8;
	[tilespmem:$0x11800] =	vst v63  }
0x1d6: {  	s15 =	simm.s32 $0xB00;
	s16 =	simm.s32 $0xC000  }
0x1d7: {  	[tilespmem:s16], [sflag:$0x2] =	stream.indirect.gather [hbm4b:s4+s11], $0x10, s15, s11, $0xb8;
	[tilespmem:$0x11800] =	vst v63  }
0x1d8: {  	s17 =	simm.s32 $0xB80;
	s18 =	simm.s32 $0xC800  }
0x1d9: {  	[tilespmem:s18], [sflag:$0x2] =	stream.indirect.gather [hbm4b:s4+s11], $0x10, s17, s11, $0xb8;
	[tilespmem:$0x11800] =	vst v63  }
0x1da: {  	s16 =	simm.s32 $0xC00;
	s17 =	simm.s32 $0xD000  }
0x1db: {  	[tilespmem:s17], [sflag:$0x2] =	stream.indirect.gather [hbm4b:s4+s11], $0x10, s16, s11, $0xb8;
	[tilespmem:$0x11800] =	vst v63  }
0x1dc: {  	s18 =	simm.s32 $0xC80  }
0x1dd: {  	[tilespmem:s19], [sflag:$0x2] =	stream.indirect.gather [hbm4b:s4+s11], $0x10, s18, s11, $0xb8;
	[tilespmem:$0x11800] =	vst v63  }
0x1de: {  	_ = 	snop  }
0x1df: {  	[tilespmem:s3], [sflag:$0x2] =	stream.indirect.gather [hbm4b:s4+s11], $0x10, s20, s11, $0xb8;
	[tilespmem:$0x11800] =	vst v63  }
0x1e0: {  	_ = 	snop  }
0x1e1: {  	[tilespmem:s7], [sflag:$0x2] =	stream.indirect.gather [hbm4b:s4+s11], $0x10, s5, s11, $0xb8;
	[tilespmem:$0x11800] =	vst v63  }
0x1e2: {  	_ = 	snop  }
0x1e3: {  	[tilespmem:s23], [sflag:$0x2] =	stream.indirect.gather [hbm4b:s4+s11], $0x10, s22, s11, $0xb8;
	[tilespmem:$0x11800] =	vst v63  }
0x1e4: {  	_ = 	snop  }
0x1e5: {  	[tilespmem:s25], [sflag:$0x2] =	stream.indirect.gather [hbm4b:s4+s11], $0x10, s24, s11, $0xb8;
	[tilespmem:$0x11800] =	vst v63  }
.Ltmp5:
0x1e6: {  	_ = 	snop;
	(pc) =	sbr.rel .LBB2_2-.Ltmp5, $4  }
0x1e7: {  	_ = 	snop  }
0x1e8: {  	[tilespmem:s28], [sflag:$0x2] =	stream.indirect.gather [hbm4b:s4+s11], $0x10, s26, s11, $0xb8;
	[tilespmem:$0x11800] =	vst v63  }
0x1e9: {  	s13 =	sadd.s32 $0x1, s13  }
0x1ea: {  	[tilespmem:s30], [sflag:$0x2] =	stream.indirect.gather [hbm4b:s4+s11], $0x10, s29, s11, $0xb8;
	[tilespmem:$0x11800] =	vst v63  }
.LBB2_9:
0x1eb: {  	_ =	sfence.sel $0x180000  }
0x1ec: {  	[bflag:$0x0] =	sbarrier.arrive $0xFFFF  }
0x1ed: {  	_ =	strace $0x90000047  }
0x1ee: {  	s0 =	stileid.u32;
	[bflag:$0x2] =	sbarrier.arrive $0xFFFF  }
0x1ef: {  	p0 =	sne.s32 s0, $0x0;
	s0 =	rddreg [dreg:$0x2]  }
0x1f0: {  	s0 =	sadd.s32 @!p0 $0x100000, s0  }
0x1f1: {  	[sflag:s0] =	ssyncadd.tile.s32 @!p0 $0x1;
	_ =	shalt  }
.Lfunc_end2:
_tile_overlayer_lowered:
.L_overlay_start_2:
0x1f2: {  	(tag) =	ssettag $0x2  }
0x1f3: {  	s0 =	rddreg [dreg:$0x0];
	s2 =	stileid.u32  }
0x1f4: {  	s1 =	rddreg [dreg:$0x1];
	p0 =	sne.s32 s2, $0x0  }
0x1f5: {  	s3 =	rddreg [dreg:$0x2];
	[bflag:$0x3] =	sbarrier.arrive $0xFFFF;
	s2 =	simm.s32 @!p0 $0x1C03  }
0x1f6: {  	[timem:s3], [sflag:s2] =	dma.local @!p0 [hbm:s0], s1  }
0x1f7: {  	s0 =	simm.s32 @!p0 $0x3  }
0x1f8: {  	_ =	swait.ge @!p0 [sflag:s0], s1  }
0x1f9: {  	s1 =	ssub.s32 @!p0 $0x0, s1;
	[sflag:s0] =	ssyncset.done @!p0 $0x0  }
0x1fa: {  	[sflag:s0] =	ssyncadd.s32 @!p0 s1  }
0x1fb: {  	[bflag:$0x3] =	sbarrier.arrive $0xFFFF  }
0x1fc: {  	_ =	shalt  }

</sc_bundles>
